<compile_context>
chip_gen: v7x
topology: tpu7x:2x2x1
jax: 0.10.2.dev20260603
libtpu: 0.0.44.dev20260713+nightly
codegen_flags: <defaults>
</compile_context>

<pallas_src>
import jax
import jax.numpy as jnp
from jax import lax
from jax.experimental import pallas as pl
from jax.experimental.pallas import tpu as pltpu
from jax.experimental.pallas import tpu_sc as plsc

NUM_CLASSES = 1000000
FEATURE_DIM = 64
BATCH = 16384

NC = 2
NS = 16
L = 16
NW = NC * NS
NTC = 7813
TPW = 246
ROUNDS = TPW // 2
LCHUNK = 4096
MAXM = 656
LISTCAP = 784


def _body(feat_hbm, labels_hbm, centersT_hbm, last64_hbm, out_hbm,
          labl_v, list_lbl, list_pos, feat_v, colbuf, last_v, tmpi_v, acc_v,
          fsem, csem0, csem1):
    wid = lax.axis_index("s") * NC + lax.axis_index("c")
    j0 = wid * TPW
    over = ((j0 + TPW) > (NTC - 1)).astype(jnp.int32)
    j1 = (j0 + TPW) - ((j0 + TPW) - (NTC - 1)) * over
    iota = lax.iota(jnp.int32, L)

    def chunk_scan(c, cnt):
        pltpu.sync_copy(labels_hbm.at[pl.ds(c * LCHUNK, LCHUNK)], labl_v)

        def vstep(g, cnt):
            v = labl_v[pl.ds(g * L, L)]
            jcol = lax.shift_right_logical(v, 7)
            m = (jcol >= j0) & (jcol < j1)
            mi = m.astype(jnp.int32)
            slots = cnt + plsc.cumsum(mi) - 1
            slots = jnp.minimum(slots, LISTCAP - 1)
            plsc.store_scatter(list_lbl, [slots], v, mask=m)
            pos = iota + (c * LCHUNK + g * L)
            plsc.store_scatter(list_pos, [slots], pos, mask=m)
            return cnt + plsc.all_reduce_population_count(m)[0]

        return lax.fori_loop(0, LCHUNK // L, vstep, cnt)

    cnt = lax.fori_loop(0, BATCH // LCHUNK, chunk_scan, jnp.int32(0))
    cnt = jnp.minimum(cnt, MAXM)

    def fire_feat(t, carry):
        p = plsc.load_gather(list_pos, [jnp.zeros((L,), jnp.int32) + t])[0]
        pltpu.async_copy(feat_hbm.at[p], feat_v.at[t], fsem)
        return carry

    lax.fori_loop(0, cnt, fire_feat, 0)

    def drain_feat(t, carry):
        pltpu.make_async_copy(feat_hbm.at[0], feat_v.at[0], fsem).wait()
        return carry

    lax.fori_loop(0, cnt, drain_feat, 0)

    nvec = (cnt + L - 1) // L

    def fire_col(j, slot, sem):
        @pl.when(j < j1)
        def _():
            pltpu.async_copy(
                centersT_hbm.at[:, pl.ds(j * 128, 128)], colbuf.at[slot], sem)

    def wait_col(j, sem):
        @pl.when(j < j1)
        def _():
            pltpu.make_async_copy(
                centersT_hbm.at[:, pl.ds(0, 128)], colbuf.at[0], sem).wait()

    def matches_vs(psel, slot_base, acc):
        def ustep(u, acc):
            lv = list_lbl[pl.ds(u * L, L)]
            jcol = lax.shift_right_logical(lv, 7)
            m = ((lax.shift_right_logical(jcol, 1) == psel)
                 & (jcol < j1) & (u * L + iota < cnt))
            npc = plsc.all_reduce_population_count(m)[0]

            @pl.when(npc > 0)
            def _():
                ranks = plsc.cumsum(m.astype(jnp.int32)) - 1
                plsc.store_scatter(tmpi_v, [ranks], u * L + iota, mask=m)

            def match_step(k, acc):
                t = plsc.load_gather(
                    tmpi_v, [jnp.zeros((L,), jnp.int32) + k])[0]
                lbl = plsc.load_gather(
                    list_lbl, [jnp.zeros((L,), jnp.int32) + t])[0]
                lane = lax.bitwise_and(lbl, 127)
                slot = slot_base + lax.bitwise_and(
                    lax.shift_right_logical(lbl, 7), 1)
                ssplat = jnp.zeros((L,), jnp.int32) + slot
                tsplat = jnp.zeros((L,), jnp.int32) + t
                lsplat = jnp.zeros((L,), jnp.int32) + lane
                for jj in range(FEATURE_DIM // L):
                    ridx = iota + jj * L
                    cvec = plsc.load_gather(colbuf, [ssplat, ridx, lsplat])
                    fvec = plsc.load_gather(feat_v, [tsplat, ridx])
                    d = fvec - cvec
                    acc = acc + d * d
                return acc

            return lax.fori_loop(0, npc, match_step, acc)

        return lax.fori_loop(0, nvec, ustep, acc)

    def compute_pair(j, slot_base, acc):
        ok = (j < j1).astype(jnp.int32)
        psel = lax.shift_right_logical(j, 1) * ok - (1 - ok)
        return matches_vs(psel, slot_base, acc)

    fire_col(j0, 0, csem0)
    fire_col(j0 + 1, 1, csem0)
    acc = jnp.zeros((L,), jnp.float32)

    def super_step(r, acc):
        j = j0 + 4 * r
        fire_col(j + 2, 2, csem1)
        fire_col(j + 3, 3, csem1)
        wait_col(j, csem0)
        wait_col(j + 1, csem0)
        acc = compute_pair(j, 0, acc)
        fire_col(j + 4, 0, csem0)
        fire_col(j + 5, 1, csem0)
        wait_col(j + 2, csem1)
        wait_col(j + 3, csem1)
        acc = compute_pair(j + 2, 2, acc)
        return acc

    acc = lax.fori_loop(0, (TPW + 3) // 4, super_step, acc)

    @pl.when(wid == NW - 1)
    def _():
        pltpu.sync_copy(last64_hbm, last_v)

    okw = (wid == NW - 1).astype(jnp.int32)
    jsel2 = (NTC - 1) * okw - (1 - okw)

    def last_ustep(u, acc):
        lv = list_lbl[pl.ds(u * L, L)]
        jcol = lax.shift_right_logical(lv, 7)
        m = (jcol == jsel2) & (u * L + iota < cnt)
        mi = m.astype(jnp.int32)
        ranks = plsc.cumsum(mi) - 1
        plsc.store_scatter(tmpi_v, [ranks], u * L + iota, mask=m)
        npc = plsc.all_reduce_population_count(m)[0]

        def match_step(k, acc):
            t = plsc.load_gather(
                tmpi_v, [jnp.zeros((L,), jnp.int32) + k])[0]
            lbl = plsc.load_gather(
                list_lbl, [jnp.zeros((L,), jnp.int32) + t])[0]
            lp = lbl - (NTC - 1) * 128
            tsplat = jnp.zeros((L,), jnp.int32) + t
            lpsplat = jnp.zeros((L,), jnp.int32) + lp
            for jj in range(FEATURE_DIM // L):
                ridx = iota + jj * L
                cvec = plsc.load_gather(last_v, [lpsplat, ridx])
                fvec = plsc.load_gather(feat_v, [tsplat, ridx])
                d = fvec - cvec
                acc = acc + d * d
            return acc

        return lax.fori_loop(0, npc, match_step, acc)

    acc = lax.fori_loop(0, nvec, last_ustep, acc)

    acc_v[...] = acc
    pltpu.sync_copy(acc_v, out_hbm.at[wid])


@jax.jit
def _center_loss_scan(features, labels32, centersT, last64):
    mesh = plsc.VectorSubcoreMesh(
        core_axis_name="c", subcore_axis_name="s",
        num_cores=NC, num_subcores=NS,
    )
    partials = pl.kernel(
        _body,
        out_type=jax.ShapeDtypeStruct((NW, L), jnp.float32),
        mesh=mesh,
        scratch_types=[
            pltpu.VMEM((LCHUNK,), jnp.int32),
            pltpu.VMEM((LISTCAP,), jnp.int32),
            pltpu.VMEM((LISTCAP,), jnp.int32),
            pltpu.VMEM((MAXM, FEATURE_DIM), jnp.float32),
            pltpu.VMEM((4, FEATURE_DIM, 128), jnp.float32),
            pltpu.VMEM((64, FEATURE_DIM), jnp.float32),
            pltpu.VMEM((L,), jnp.int32),
            pltpu.VMEM((L,), jnp.float32),
            pltpu.SemaphoreType.DMA,
            pltpu.SemaphoreType.DMA,
            pltpu.SemaphoreType.DMA,
        ],
        compiler_params=pltpu.CompilerParams(needs_layout_passes=False),
    )(features, labels32, centersT, last64)
    return jnp.sum(partials) * (1.0 / BATCH)


def kernel(features, labels, centers):
    last64 = lax.slice(centers, (NUM_CLASSES - 64, 0), (NUM_CLASSES, 64))
    return _center_loss_scan(features, labels.astype(jnp.int32), centers.T,
                             last64)

# --- scband reference (transcript-rebuilt; emitter-appended) ---
"""Pipeline reference for scband-center-loss-78847009620540 (READ-ONLY COPY).

The authoritative reference and input builder live on the scoring server;
editing this copy changes nothing except your own understanding.
"""

import jax, jax.numpy as jnp
import numpy as np

NUM_CLASSES = 1000000
FEATURE_DIM = 64
BATCH = 16384


def setup_inputs(seed: int = 0) -> dict:
    key = jax.random.key(seed)
    k1, k2, k3 = jax.random.split(key, 3)
    features = jax.random.normal(k1, (BATCH, FEATURE_DIM), dtype=jnp.float32)
    labels = jax.random.randint(k2, (BATCH,), 0, NUM_CLASSES, dtype=jnp.int64)
    centers = jax.random.normal(k3, (NUM_CLASSES, FEATURE_DIM), dtype=jnp.float32)
    return {"features": features, "labels": labels, "centers": centers}


def reference(features, labels, centers):
    # centers_batch = self.centers[labels]  (gather rows from large table)
    centers_batch = jnp.take(centers, labels, axis=0)
    # loss = sum((features - centers_batch)^2, dim=1).mean()
    diff = features - centers_batch
    loss = jnp.sum(diff * diff, axis=1).mean()
    return loss

if __name__ == "__main__":
    import jax
    _d = setup_inputs()
    print(jax.jit(kernel)(*tuple(_d.values())))

</pallas_src>

<mosaic_0001>
#map = affine_map<(d0, d1) -> (0, 0)>
#map1 = affine_map<(d0, d1) -> (0)>
module attributes {stable_mosaic.version = 14 : i64} {
  func.func @_body(%arg0: i32, %arg1: i32, %arg2: memref<16384x64xf32, #tpu.memory_space<hbm>>, %arg3: memref<16384xi32, #tpu.memory_space<hbm>>, %arg4: memref<64x1000000xf32, #tpu.memory_space<hbm>>, %arg5: memref<64x64xf32, #tpu.memory_space<hbm>>, %arg6: memref<32x16xf32, #tpu.memory_space<hbm>>, %arg7: memref<4096xi32, #tpu.memory_space<vmem>>, %arg8: memref<784xi32, #tpu.memory_space<vmem>>, %arg9: memref<784xi32, #tpu.memory_space<vmem>>, %arg10: memref<656x64xf32, #tpu.memory_space<vmem>>, %arg11: memref<4x64x128xf32, #tpu.memory_space<vmem>>, %arg12: memref<64x64xf32, #tpu.memory_space<vmem>>, %arg13: memref<16xi32, #tpu.memory_space<vmem>>, %arg14: memref<16xf32, #tpu.memory_space<vmem>>, %arg15: memref<!tpu.dma_semaphore, #tpu.memory_space<semaphore_mem>>, %arg16: memref<!tpu.dma_semaphore, #tpu.memory_space<semaphore_mem>>, %arg17: memref<!tpu.dma_semaphore, #tpu.memory_space<semaphore_mem>>) attributes {dimension_semantics = [#tpu.dimension_semantics<core_parallel>, #tpu.dimension_semantics<subcore_parallel>], iteration_bounds = array<i64: 2, 16>, scalar_prefetch = 0 : i64, scratch_operands = 11 : i64, tpu.core_type = #tpu.core_type<sc_vector_subcore>, window_params = [{transform_indices = #map}, {transform_indices = #map1}, {transform_indices = #map}, {transform_indices = #map}, {transform_indices = #map}]} {
    %mul3A = arith.constant 2 : i32
    %mul3A_0 = arith.muli %arg1, %mul3A : i32
    %add3A = arith.addi %mul3A_0, %arg0 : i32
    %mul3A_1 = arith.constant 246 : i32
    %mul3A_2 = arith.muli %add3A, %mul3A_1 : i32
    %add3A_3 = arith.constant 246 : i32
    %add3A_4 = arith.addi %mul3A_2, %add3A_3 : i32
    %gt3A = arith.constant 7812 : i32
    %gt3A_5 = arith.cmpi sgt, %add3A_4, %gt3A : i32
    %convert_element_type3A = arith.extui %gt3A_5 : i1 to i32
    %add3A_6 = arith.constant 246 : i32
    %add3A_7 = arith.addi %mul3A_2, %add3A_6 : i32
    %add3A_8 = arith.constant 246 : i32
    %add3A_9 = arith.addi %mul3A_2, %add3A_8 : i32
    %sub3A = arith.constant 7812 : i32
    %sub3A_10 = arith.subi %add3A_9, %sub3A : i32
    %mul3A_11 = arith.muli %sub3A_10, %convert_element_type3A : i32
    %sub3A_12 = arith.subi %add3A_7, %mul3A_11 : i32
    %iota3A = tpu.iota {dimensions = array<i32: 0>} : vector<16xi32>
    %scan3A = arith.constant 0 : i32
    %scan3A_13 = arith.constant 0 : i32
    %scan3A_14 = arith.constant 4 : i32
    %scan3A_15 = arith.addi %scan3A_13, %scan3A_14 : i32
    %scan3A_16 = arith.constant 1 : i32
    %scan3A_17 = scf.for %scan3A_99 = %scan3A_13 to %scan3A_15 step %scan3A_16 iter_args(%scan3A_100 = %scan3A) -> (i32)  : i32 {
      %mul3A_101 = arith.constant 4096 : i32
      %mul3A_102 = arith.muli %scan3A_99, %mul3A_101 : i32
      "tpu.region"() ({
        %run_scoped3A = tpu.sem_alloc : memref<!tpu.dma_semaphore, #tpu.memory_space<semaphore_mem>>
        %dma_start3A = tpu.memref_slice %arg3[%mul3A_102] : memref<16384xi32, #tpu.memory_space<hbm>> -> memref<4096xi32, #tpu.memory_space<hbm>>
        %dma_start3A_109 = tpu.memref_slice %arg3[%mul3A_102] : memref<16384xi32, #tpu.memory_space<hbm>> -> memref<4096xi32, #tpu.memory_space<hbm>>
        tpu.enqueue_dma source(%dma_start3A_109 : memref<4096xi32, #tpu.memory_space<hbm>>) target(%arg7 : memref<4096xi32, #tpu.memory_space<vmem>>) target_semaphore(%run_scoped3A : memref<!tpu.dma_semaphore, #tpu.memory_space<semaphore_mem>>)
        %dma_wait3A = tpu.memref_slice %arg3[%mul3A_102] : memref<16384xi32, #tpu.memory_space<hbm>> -> memref<4096xi32, #tpu.memory_space<hbm>>
        %dma_wait3A_110 = tpu.memref_slice %arg3[%mul3A_102] : memref<16384xi32, #tpu.memory_space<hbm>> -> memref<4096xi32, #tpu.memory_space<hbm>>
        tpu.wait_dma2 semaphore(%run_scoped3A : memref<!tpu.dma_semaphore, #tpu.memory_space<semaphore_mem>>) src(%dma_wait3A_110 : memref<4096xi32, #tpu.memory_space<hbm>>) dst(%arg7 : memref<4096xi32, #tpu.memory_space<vmem>>)
        tpu.yield
      }) : () -> ()
      %scan3A_103 = arith.constant 0 : i32
      %scan3A_104 = arith.constant 256 : i32
      %scan3A_105 = arith.addi %scan3A_103, %scan3A_104 : i32
      %scan3A_106 = arith.constant 1 : i32
      %scan3A_107 = scf.for %scan3A_109 = %scan3A_103 to %scan3A_105 step %scan3A_106 iter_args(%scan3A_110 = %scan3A_100) -> (i32)  : i32 {
        %mul3A_111 = arith.constant 16 : i32
        %mul3A_112 = arith.muli %scan3A_109, %mul3A_111 : i32
        %get3A = arith.index_cast %mul3A_112 : i32 to index
        %get3A_113 = tpu.vector_load %arg7[%get3A] {strides = array<i32>} : memref<4096xi32, #tpu.memory_space<vmem>>, vector<16xi32>,
        %shift_right_logical3A = arith.constant 7 : i32
        %shift_right_logical3A_114 = vector.broadcast %shift_right_logical3A : i32 to vector<16xi32>
        %shift_right_logical3A_115 = arith.shrui %get3A_113, %shift_right_logical3A_114 : vector<16xi32>
        %ge3A = vector.broadcast %mul3A_2 : i32 to vector<16xi32>
        %ge3A_116 = arith.cmpi sge, %shift_right_logical3A_115, %ge3A : vector<16xi32>
        %lt3A_117 = vector.broadcast %sub3A_12 : i32 to vector<16xi32>
        %lt3A_118 = arith.cmpi slt, %shift_right_logical3A_115, %lt3A_117 : vector<16xi32>
        %and3A_119 = arith.andi %ge3A_116, %lt3A_118 : vector<16xi1>
        %convert_element_type3A_120 = arith.extui %and3A_119 : vector<16xi1> to vector<16xi32>
        %broadcast_in_dim3A_121 = arith.constant true
        %broadcast_in_dim3A_122 = vector.broadcast %broadcast_in_dim3A_121 : i1 to vector<16xi1>
        %masked_cumsum3A = tpu.scan <sum>, %convert_element_type3A_120 masked %broadcast_in_dim3A_122 : vector<16xi32>, vector<16xi1> -> vector<16xi32>
        %add3A_123 = vector.broadcast %scan3A_110 : i32 to vector<16xi32>
        %add3A_124 = arith.addi %add3A_123, %masked_cumsum3A : vector<16xi32>
        %sub3A_125 = arith.constant 1 : i32
        %sub3A_126 = vector.broadcast %sub3A_125 : i32 to vector<16xi32>
        %sub3A_127 = arith.subi %add3A_124, %sub3A_126 : vector<16xi32>
        %min3A_128 = arith.constant 783 : i32
        %min3A_129 = vector.broadcast %min3A_128 : i32 to vector<16xi32>
        %min3A_130 = arith.minsi %sub3A_127, %min3A_129 : vector<16xi32>
        tpu.vector_store_idx %arg8[%min3A_130], %get3A_113 masked %and3A_119 : memref<784xi32, #tpu.memory_space<vmem>>[vector<16xi32>], vector<16xi32>, vector<16xi1>
        %mul3A_131 = arith.constant 4096 : i32
        %mul3A_132 = arith.muli %scan3A_99, %mul3A_131 : i32
        %mul3A_133 = arith.constant 16 : i32
        %mul3A_134 = arith.muli %scan3A_109, %mul3A_133 : i32
        %add3A_135 = arith.addi %mul3A_132, %mul3A_134 : i32
        %add3A_136 = vector.broadcast %add3A_135 : i32 to vector<16xi32>
        %add3A_137 = arith.addi %iota3A, %add3A_136 : vector<16xi32>
        tpu.vector_store_idx %arg9[%min3A_130], %add3A_137 masked %and3A_119 : memref<784xi32, #tpu.memory_space<vmem>>[vector<16xi32>], vector<16xi32>, vector<16xi1>
        %all_reduce_population_count3A = tpu.all_reduce %and3A_119 {dim = 0 : i64, kind = #tpu.reduction_kind<sum>} : vector<16xi1> -> vector<16xi32>
        %slice3A = vector.extract_strided_slice %all_reduce_population_count3A {offsets = [0], sizes = [1], strides = [1]} : vector<16xi32> to vector<1xi32>
        %squeeze3A = vector.extract %slice3A[0] : i32 from vector<1xi32>
        %add3A_138 = arith.addi %scan3A_110, %squeeze3A : i32
        scf.yield %add3A_138 : i32
      }
      %scan3A_108 = arith.constant 256 : i32
      scf.yield %scan3A_107 : i32
    }
    %scan3A_18 = arith.constant 4 : i32
    %min3A = arith.constant 656 : i32
    %min3A_19 = arith.minsi %scan3A_17, %min3A : i32
    %while3A = arith.constant 0 : i32
    %while3A_20 = arith.constant 0 : i32
    %while3A_21 = arith.subi %min3A_19, %while3A_20 : i32
    %while3A_22 = arith.addi %while3A_20, %while3A_21 : i32
    %while3A_23 = arith.constant 1 : i32
    %while3A_24 = arith.divsi %while3A_21, %while3A_23 : i32
    %while3A_25 = arith.muli %while3A_24, %while3A_23 : i32
    %while3A_26 = arith.addi %while3A_20, %while3A_25 : i32
    %while3A_27 = arith.constant 1 : i32
    scf.for %while3A_99 = %while3A_20 to %while3A_26 step %while3A_27  : i32 {
      %broadcast_in_dim3A_100 = arith.constant 0 : i32
      %broadcast_in_dim3A_101 = vector.broadcast %broadcast_in_dim3A_100 : i32 to vector<16xi32>
      %add3A_102 = vector.broadcast %while3A_99 : i32 to vector<16xi32>
      %add3A_103 = arith.addi %broadcast_in_dim3A_101, %add3A_102 : vector<16xi32>
      %gather3A = tpu.vector_load_idx %arg9[%add3A_103] : memref<784xi32, #tpu.memory_space<vmem>>[vector<16xi32>], vector<16xi32>,
      %slice3A = vector.extract_strided_slice %gather3A {offsets = [0], sizes = [1], strides = [1]} : vector<16xi32> to vector<1xi32>
      %squeeze3A = vector.extract %slice3A[0] : i32 from vector<1xi32>
      %dma_start3A = arith.constant 0 : i32
      %dma_start3A_104 = tpu.memref_slice %arg10[%while3A_99, %dma_start3A] : memref<656x64xf32, #tpu.memory_space<vmem>> -> memref<1x64xf32, #tpu.memory_space<vmem>>
      %dma_start3A_105 = tpu.memref_squeeze %dma_start3A_104 : memref<1x64xf32, #tpu.memory_space<vmem>> -> memref<64xf32, #tpu.memory_space<vmem>>
      %dma_start3A_106 = arith.constant 0 : i32
      %dma_start3A_107 = tpu.memref_slice %arg2[%squeeze3A, %dma_start3A_106] : memref<16384x64xf32, #tpu.memory_space<hbm>> -> memref<1x64xf32, #tpu.memory_space<hbm>>
      %dma_start3A_108 = tpu.memref_squeeze %dma_start3A_107 : memref<1x64xf32, #tpu.memory_space<hbm>> -> memref<64xf32, #tpu.memory_space<hbm>>
      %dma_start3A_109 = arith.constant 0 : i32
      %dma_start3A_110 = tpu.memref_slice %arg10[%while3A_99, %dma_start3A_109] : memref<656x64xf32, #tpu.memory_space<vmem>> -> memref<1x64xf32, #tpu.memory_space<vmem>>
      %dma_start3A_111 = tpu.memref_squeeze %dma_start3A_110 : memref<1x64xf32, #tpu.memory_space<vmem>> -> memref<64xf32, #tpu.memory_space<vmem>>
      %dma_start3A_112 = arith.constant 0 : i32
      %dma_start3A_113 = tpu.memref_slice %arg2[%squeeze3A, %dma_start3A_112] : memref<16384x64xf32, #tpu.memory_space<hbm>> -> memref<1x64xf32, #tpu.memory_space<hbm>>
      %dma_start3A_114 = tpu.memref_squeeze %dma_start3A_113 : memref<1x64xf32, #tpu.memory_space<hbm>> -> memref<64xf32, #tpu.memory_space<hbm>>
      tpu.enqueue_dma source(%dma_start3A_114 : memref<64xf32, #tpu.memory_space<hbm>>) target(%dma_start3A_111 : memref<64xf32, #tpu.memory_space<vmem>>) target_semaphore(%arg15 : memref<!tpu.dma_semaphore, #tpu.memory_space<semaphore_mem>>)
    }
    %while3A_28 = arith.constant 1 : i32
    scf.for %while3A_99 = %while3A_26 to %while3A_22 step %while3A_28  : i32 {
      %broadcast_in_dim3A_100 = arith.constant 0 : i32
      %broadcast_in_dim3A_101 = vector.broadcast %broadcast_in_dim3A_100 : i32 to vector<16xi32>
      %add3A_102 = vector.broadcast %while3A_99 : i32 to vector<16xi32>
      %add3A_103 = arith.addi %broadcast_in_dim3A_101, %add3A_102 : vector<16xi32>
      %gather3A = tpu.vector_load_idx %arg9[%add3A_103] : memref<784xi32, #tpu.memory_space<vmem>>[vector<16xi32>], vector<16xi32>,
      %slice3A = vector.extract_strided_slice %gather3A {offsets = [0], sizes = [1], strides = [1]} : vector<16xi32> to vector<1xi32>
      %squeeze3A = vector.extract %slice3A[0] : i32 from vector<1xi32>
      %dma_start3A = arith.constant 0 : i32
      %dma_start3A_104 = tpu.memref_slice %arg10[%while3A_99, %dma_start3A] : memref<656x64xf32, #tpu.memory_space<vmem>> -> memref<1x64xf32, #tpu.memory_space<vmem>>
      %dma_start3A_105 = tpu.memref_squeeze %dma_start3A_104 : memref<1x64xf32, #tpu.memory_space<vmem>> -> memref<64xf32, #tpu.memory_space<vmem>>
      %dma_start3A_106 = arith.constant 0 : i32
      %dma_start3A_107 = tpu.memref_slice %arg2[%squeeze3A, %dma_start3A_106] : memref<16384x64xf32, #tpu.memory_space<hbm>> -> memref<1x64xf32, #tpu.memory_space<hbm>>
      %dma_start3A_108 = tpu.memref_squeeze %dma_start3A_107 : memref<1x64xf32, #tpu.memory_space<hbm>> -> memref<64xf32, #tpu.memory_space<hbm>>
      %dma_start3A_109 = arith.constant 0 : i32
      %dma_start3A_110 = tpu.memref_slice %arg10[%while3A_99, %dma_start3A_109] : memref<656x64xf32, #tpu.memory_space<vmem>> -> memref<1x64xf32, #tpu.memory_space<vmem>>
      %dma_start3A_111 = tpu.memref_squeeze %dma_start3A_110 : memref<1x64xf32, #tpu.memory_space<vmem>> -> memref<64xf32, #tpu.memory_space<vmem>>
      %dma_start3A_112 = arith.constant 0 : i32
      %dma_start3A_113 = tpu.memref_slice %arg2[%squeeze3A, %dma_start3A_112] : memref<16384x64xf32, #tpu.memory_space<hbm>> -> memref<1x64xf32, #tpu.memory_space<hbm>>
      %dma_start3A_114 = tpu.memref_squeeze %dma_start3A_113 : memref<1x64xf32, #tpu.memory_space<hbm>> -> memref<64xf32, #tpu.memory_space<hbm>>
      tpu.enqueue_dma source(%dma_start3A_114 : memref<64xf32, #tpu.memory_space<hbm>>) target(%dma_start3A_111 : memref<64xf32, #tpu.memory_space<vmem>>) target_semaphore(%arg15 : memref<!tpu.dma_semaphore, #tpu.memory_space<semaphore_mem>>)
    }
    %while3A_29 = arith.constant 0 : i32
    %while3A_30 = arith.constant 0 : i32
    %while3A_31 = arith.subi %min3A_19, %while3A_30 : i32
    %while3A_32 = arith.addi %while3A_30, %while3A_31 : i32
    %while3A_33 = arith.constant 1 : i32
    %while3A_34 = arith.divsi %while3A_31, %while3A_33 : i32
    %while3A_35 = arith.muli %while3A_34, %while3A_33 : i32
    %while3A_36 = arith.addi %while3A_30, %while3A_35 : i32
    %while3A_37 = arith.constant 1 : i32
    scf.for %while3A_99 = %while3A_30 to %while3A_36 step %while3A_37  : i32 {
      %dma_wait3A = arith.constant 0 : i32
      %dma_wait3A_100 = arith.constant 0 : i32
      %dma_wait3A_101 = arith.constant 0 : i32
      %dma_wait3A_102 = tpu.memref_slice %arg10[%dma_wait3A_100, %dma_wait3A_101] : memref<656x64xf32, #tpu.memory_space<vmem>> -> memref<1x64xf32, #tpu.memory_space<vmem>>
      %dma_wait3A_103 = tpu.memref_squeeze %dma_wait3A_102 : memref<1x64xf32, #tpu.memory_space<vmem>> -> memref<64xf32, #tpu.memory_space<vmem>>
      %dma_wait3A_104 = arith.constant 0 : i32
      %dma_wait3A_105 = tpu.memref_slice %arg2[%dma_wait3A, %dma_wait3A_104] : memref<16384x64xf32, #tpu.memory_space<hbm>> -> memref<1x64xf32, #tpu.memory_space<hbm>>
      %dma_wait3A_106 = tpu.memref_squeeze %dma_wait3A_105 : memref<1x64xf32, #tpu.memory_space<hbm>> -> memref<64xf32, #tpu.memory_space<hbm>>
      %dma_wait3A_107 = arith.constant 0 : i32
      %dma_wait3A_108 = tpu.memref_slice %arg10[%dma_wait3A_100, %dma_wait3A_107] : memref<656x64xf32, #tpu.memory_space<vmem>> -> memref<1x64xf32, #tpu.memory_space<vmem>>
      %dma_wait3A_109 = tpu.memref_squeeze %dma_wait3A_108 : memref<1x64xf32, #tpu.memory_space<vmem>> -> memref<64xf32, #tpu.memory_space<vmem>>
      %dma_wait3A_110 = arith.constant 0 : i32
      %dma_wait3A_111 = tpu.memref_slice %arg2[%dma_wait3A, %dma_wait3A_110] : memref<16384x64xf32, #tpu.memory_space<hbm>> -> memref<1x64xf32, #tpu.memory_space<hbm>>
      %dma_wait3A_112 = tpu.memref_squeeze %dma_wait3A_111 : memref<1x64xf32, #tpu.memory_space<hbm>> -> memref<64xf32, #tpu.memory_space<hbm>>
      tpu.wait_dma2 semaphore(%arg15 : memref<!tpu.dma_semaphore, #tpu.memory_space<semaphore_mem>>) src(%dma_wait3A_112 : memref<64xf32, #tpu.memory_space<hbm>>) dst(%dma_wait3A_109 : memref<64xf32, #tpu.memory_space<vmem>>)
    }
    %while3A_38 = arith.constant 1 : i32
    scf.for %while3A_99 = %while3A_36 to %while3A_32 step %while3A_38  : i32 {
      %dma_wait3A = arith.constant 0 : i32
      %dma_wait3A_100 = arith.constant 0 : i32
      %dma_wait3A_101 = arith.constant 0 : i32
      %dma_wait3A_102 = tpu.memref_slice %arg10[%dma_wait3A_100, %dma_wait3A_101] : memref<656x64xf32, #tpu.memory_space<vmem>> -> memref<1x64xf32, #tpu.memory_space<vmem>>
      %dma_wait3A_103 = tpu.memref_squeeze %dma_wait3A_102 : memref<1x64xf32, #tpu.memory_space<vmem>> -> memref<64xf32, #tpu.memory_space<vmem>>
      %dma_wait3A_104 = arith.constant 0 : i32
      %dma_wait3A_105 = tpu.memref_slice %arg2[%dma_wait3A, %dma_wait3A_104] : memref<16384x64xf32, #tpu.memory_space<hbm>> -> memref<1x64xf32, #tpu.memory_space<hbm>>
      %dma_wait3A_106 = tpu.memref_squeeze %dma_wait3A_105 : memref<1x64xf32, #tpu.memory_space<hbm>> -> memref<64xf32, #tpu.memory_space<hbm>>
      %dma_wait3A_107 = arith.constant 0 : i32
      %dma_wait3A_108 = tpu.memref_slice %arg10[%dma_wait3A_100, %dma_wait3A_107] : memref<656x64xf32, #tpu.memory_space<vmem>> -> memref<1x64xf32, #tpu.memory_space<vmem>>
      %dma_wait3A_109 = tpu.memref_squeeze %dma_wait3A_108 : memref<1x64xf32, #tpu.memory_space<vmem>> -> memref<64xf32, #tpu.memory_space<vmem>>
      %dma_wait3A_110 = arith.constant 0 : i32
      %dma_wait3A_111 = tpu.memref_slice %arg2[%dma_wait3A, %dma_wait3A_110] : memref<16384x64xf32, #tpu.memory_space<hbm>> -> memref<1x64xf32, #tpu.memory_space<hbm>>
      %dma_wait3A_112 = tpu.memref_squeeze %dma_wait3A_111 : memref<1x64xf32, #tpu.memory_space<hbm>> -> memref<64xf32, #tpu.memory_space<hbm>>
      tpu.wait_dma2 semaphore(%arg15 : memref<!tpu.dma_semaphore, #tpu.memory_space<semaphore_mem>>) src(%dma_wait3A_112 : memref<64xf32, #tpu.memory_space<hbm>>) dst(%dma_wait3A_109 : memref<64xf32, #tpu.memory_space<vmem>>)
    }
    %add3A_39 = arith.constant 16 : i32
    %add3A_40 = arith.addi %min3A_19, %add3A_39 : i32
    %sub3A_41 = arith.constant 1 : i32
    %sub3A_42 = arith.subi %add3A_40, %sub3A_41 : i32
    %jit3A = arith.constant 16 : i32
    %div3A = arith.divsi %sub3A_42, %jit3A : i32
    %sign3A = arith.constant 0 : i32
    %sign3A_43 = arith.cmpi sgt, %sub3A_42, %sign3A : i32
    %sign3A_44 = arith.extui %sign3A_43 : i1 to i32
    %sign3A_45 = arith.constant 0 : i32
    %sign3A_46 = arith.cmpi slt, %sub3A_42, %sign3A_45 : i32
    %sign3A_47 = arith.extui %sign3A_46 : i1 to i32
    %sign3A_48 = arith.subi %sign3A_44, %sign3A_47 : i32
    %sign3A_49 = arith.constant 0 : i32
    %sign3A_50 = arith.cmpi sgt, %jit3A, %sign3A_49 : i32
    %sign3A_51 = arith.extui %sign3A_50 : i1 to i32
    %sign3A_52 = arith.constant 0 : i32
    %sign3A_53 = arith.cmpi slt, %jit3A, %sign3A_52 : i32
    %sign3A_54 = arith.extui %sign3A_53 : i1 to i32
    %sign3A_55 = arith.subi %sign3A_51, %sign3A_54 : i32
    %ne3A = arith.cmpi ne, %sign3A_48, %sign3A_55 : i32
    %rem3A = arith.remsi %sub3A_42, %jit3A : i32
    %ne3A_56 = arith.constant 0 : i32
    %ne3A_57 = arith.cmpi ne, %rem3A, %ne3A_56 : i32
    %and3A = arith.andi %ne3A, %ne3A_57 : i1
    %sub3A_58 = arith.constant 1 : i32
    %sub3A_59 = arith.subi %div3A, %sub3A_58 : i32
    %select_n3A = arith.select %and3A, %sub3A_59, %div3A : i32
    %lt3A = arith.cmpi slt, %mul3A_2, %sub3A_12 : i32
    %convert_element_type3A_60 = arith.extui %lt3A : i1 to i32
    %cond3A = arith.constant 0 : i32
    %cond3A_61 = arith.cmpi ne, %convert_element_type3A_60, %cond3A : i32
    scf.if %cond3A_61 {
      %mul3A_99 = arith.constant 128 : i32
      %mul3A_100 = arith.muli %mul3A_2, %mul3A_99 : i32
      %dma_start3A = arith.constant 0 : i32
      %dma_start3A_101 = arith.constant 0 : i32
      %dma_start3A_102 = arith.constant 0 : i32
      %dma_start3A_103 = tpu.memref_slice %arg11[%dma_start3A, %dma_start3A_101, %dma_start3A_102] : memref<4x64x128xf32, #tpu.memory_space<vmem>> -> memref<1x64x128xf32, #tpu.memory_space<vmem>>
      %dma_start3A_104 = tpu.memref_squeeze %dma_start3A_103 : memref<1x64x128xf32, #tpu.memory_space<vmem>> -> memref<64x128xf32, #tpu.memory_space<vmem>>
      %dma_start3A_105 = arith.constant 0 : i32
      %dma_start3A_106 = tpu.memref_slice %arg4[%dma_start3A_105, %mul3A_100] : memref<64x1000000xf32, #tpu.memory_space<hbm>> -> memref<64x128xf32, #tpu.memory_space<hbm>>
      %dma_start3A_107 = arith.constant 0 : i32
      %dma_start3A_108 = arith.constant 0 : i32
      %dma_start3A_109 = tpu.memref_slice %arg11[%dma_start3A, %dma_start3A_107, %dma_start3A_108] : memref<4x64x128xf32, #tpu.memory_space<vmem>> -> memref<1x64x128xf32, #tpu.memory_space<vmem>>
      %dma_start3A_110 = tpu.memref_squeeze %dma_start3A_109 : memref<1x64x128xf32, #tpu.memory_space<vmem>> -> memref<64x128xf32, #tpu.memory_space<vmem>>
      %dma_start3A_111 = arith.constant 0 : i32
      %dma_start3A_112 = tpu.memref_slice %arg4[%dma_start3A_111, %mul3A_100] : memref<64x1000000xf32, #tpu.memory_space<hbm>> -> memref<64x128xf32, #tpu.memory_space<hbm>>
      tpu.enqueue_dma source(%dma_start3A_112 : memref<64x128xf32, #tpu.memory_space<hbm>>) target(%dma_start3A_110 : memref<64x128xf32, #tpu.memory_space<vmem>>) target_semaphore(%arg16 : memref<!tpu.dma_semaphore, #tpu.memory_space<semaphore_mem>>)
    } else {
    }
    %add3A_62 = arith.constant 1 : i32
    %add3A_63 = arith.addi %mul3A_2, %add3A_62 : i32
    %lt3A_64 = arith.cmpi slt, %add3A_63, %sub3A_12 : i32
    %convert_element_type3A_65 = arith.extui %lt3A_64 : i1 to i32
    %cond3A_66 = arith.constant 0 : i32
    %cond3A_67 = arith.cmpi ne, %convert_element_type3A_65, %cond3A_66 : i32
    scf.if %cond3A_67 {
      %mul3A_99 = arith.constant 128 : i32
      %mul3A_100 = arith.muli %add3A_63, %mul3A_99 : i32
      %dma_start3A = arith.constant 1 : i32
      %dma_start3A_101 = arith.constant 0 : i32
      %dma_start3A_102 = arith.constant 0 : i32
      %dma_start3A_103 = tpu.memref_slice %arg11[%dma_start3A, %dma_start3A_101, %dma_start3A_102] : memref<4x64x128xf32, #tpu.memory_space<vmem>> -> memref<1x64x128xf32, #tpu.memory_space<vmem>>
      %dma_start3A_104 = tpu.memref_squeeze %dma_start3A_103 : memref<1x64x128xf32, #tpu.memory_space<vmem>> -> memref<64x128xf32, #tpu.memory_space<vmem>>
      %dma_start3A_105 = arith.constant 0 : i32
      %dma_start3A_106 = tpu.memref_slice %arg4[%dma_start3A_105, %mul3A_100] : memref<64x1000000xf32, #tpu.memory_space<hbm>> -> memref<64x128xf32, #tpu.memory_space<hbm>>
      %dma_start3A_107 = arith.constant 0 : i32
      %dma_start3A_108 = arith.constant 0 : i32
      %dma_start3A_109 = tpu.memref_slice %arg11[%dma_start3A, %dma_start3A_107, %dma_start3A_108] : memref<4x64x128xf32, #tpu.memory_space<vmem>> -> memref<1x64x128xf32, #tpu.memory_space<vmem>>
      %dma_start3A_110 = tpu.memref_squeeze %dma_start3A_109 : memref<1x64x128xf32, #tpu.memory_space<vmem>> -> memref<64x128xf32, #tpu.memory_space<vmem>>
      %dma_start3A_111 = arith.constant 0 : i32
      %dma_start3A_112 = tpu.memref_slice %arg4[%dma_start3A_111, %mul3A_100] : memref<64x1000000xf32, #tpu.memory_space<hbm>> -> memref<64x128xf32, #tpu.memory_space<hbm>>
      tpu.enqueue_dma source(%dma_start3A_112 : memref<64x128xf32, #tpu.memory_space<hbm>>) target(%dma_start3A_110 : memref<64x128xf32, #tpu.memory_space<vmem>>) target_semaphore(%arg16 : memref<!tpu.dma_semaphore, #tpu.memory_space<semaphore_mem>>)
    } else {
    }
    %broadcast_in_dim3A = arith.constant 0.000000e+00 : f32
    %broadcast_in_dim3A_68 = vector.broadcast %broadcast_in_dim3A : f32 to vector<16xf32>
    %scan3A_69 = arith.constant 0 : i32
    %scan3A_70 = arith.constant 62 : i32
    %scan3A_71 = arith.addi %scan3A_69, %scan3A_70 : i32
    %scan3A_72 = arith.constant 1 : i32
    %scan3A_73 = scf.for %scan3A_99 = %scan3A_69 to %scan3A_71 step %scan3A_72 iter_args(%scan3A_100 = %broadcast_in_dim3A_68) -> (vector<16xf32>)  : i32 {
      %mul3A_101 = arith.constant 4 : i32
      %mul3A_102 = arith.muli %mul3A_101, %scan3A_99 : i32
      %add3A_103 = arith.addi %mul3A_2, %mul3A_102 : i32
      %add3A_104 = arith.constant 2 : i32
      %add3A_105 = arith.addi %add3A_103, %add3A_104 : i32
      %lt3A_106 = arith.cmpi slt, %add3A_105, %sub3A_12 : i32
      %convert_element_type3A_107 = arith.extui %lt3A_106 : i1 to i32
      %cond3A_108 = arith.constant 0 : i32
      %cond3A_109 = arith.cmpi ne, %convert_element_type3A_107, %cond3A_108 : i32
      scf.if %cond3A_109 {
        %mul3A_189 = arith.constant 128 : i32
        %mul3A_190 = arith.muli %add3A_105, %mul3A_189 : i32
        %dma_start3A = arith.constant 2 : i32
        %dma_start3A_191 = arith.constant 0 : i32
        %dma_start3A_192 = arith.constant 0 : i32
        %dma_start3A_193 = tpu.memref_slice %arg11[%dma_start3A, %dma_start3A_191, %dma_start3A_192] : memref<4x64x128xf32, #tpu.memory_space<vmem>> -> memref<1x64x128xf32, #tpu.memory_space<vmem>>
        %dma_start3A_194 = tpu.memref_squeeze %dma_start3A_193 : memref<1x64x128xf32, #tpu.memory_space<vmem>> -> memref<64x128xf32, #tpu.memory_space<vmem>>
        %dma_start3A_195 = arith.constant 0 : i32
        %dma_start3A_196 = tpu.memref_slice %arg4[%dma_start3A_195, %mul3A_190] : memref<64x1000000xf32, #tpu.memory_space<hbm>> -> memref<64x128xf32, #tpu.memory_space<hbm>>
        %dma_start3A_197 = arith.constant 0 : i32
        %dma_start3A_198 = arith.constant 0 : i32
        %dma_start3A_199 = tpu.memref_slice %arg11[%dma_start3A, %dma_start3A_197, %dma_start3A_198] : memref<4x64x128xf32, #tpu.memory_space<vmem>> -> memref<1x64x128xf32, #tpu.memory_space<vmem>>
        %dma_start3A_200 = tpu.memref_squeeze %dma_start3A_199 : memref<1x64x128xf32, #tpu.memory_space<vmem>> -> memref<64x128xf32, #tpu.memory_space<vmem>>
        %dma_start3A_201 = arith.constant 0 : i32
        %dma_start3A_202 = tpu.memref_slice %arg4[%dma_start3A_201, %mul3A_190] : memref<64x1000000xf32, #tpu.memory_space<hbm>> -> memref<64x128xf32, #tpu.memory_space<hbm>>
        tpu.enqueue_dma source(%dma_start3A_202 : memref<64x128xf32, #tpu.memory_space<hbm>>) target(%dma_start3A_200 : memref<64x128xf32, #tpu.memory_space<vmem>>) target_semaphore(%arg17 : memref<!tpu.dma_semaphore, #tpu.memory_space<semaphore_mem>>)
      } else {
      }
      %add3A_110 = arith.constant 3 : i32
      %add3A_111 = arith.addi %add3A_103, %add3A_110 : i32
      %lt3A_112 = arith.cmpi slt, %add3A_111, %sub3A_12 : i32
      %convert_element_type3A_113 = arith.extui %lt3A_112 : i1 to i32
      %cond3A_114 = arith.constant 0 : i32
      %cond3A_115 = arith.cmpi ne, %convert_element_type3A_113, %cond3A_114 : i32
      scf.if %cond3A_115 {
        %mul3A_189 = arith.constant 128 : i32
        %mul3A_190 = arith.muli %add3A_111, %mul3A_189 : i32
        %dma_start3A = arith.constant 3 : i32
        %dma_start3A_191 = arith.constant 0 : i32
        %dma_start3A_192 = arith.constant 0 : i32
        %dma_start3A_193 = tpu.memref_slice %arg11[%dma_start3A, %dma_start3A_191, %dma_start3A_192] : memref<4x64x128xf32, #tpu.memory_space<vmem>> -> memref<1x64x128xf32, #tpu.memory_space<vmem>>
        %dma_start3A_194 = tpu.memref_squeeze %dma_start3A_193 : memref<1x64x128xf32, #tpu.memory_space<vmem>> -> memref<64x128xf32, #tpu.memory_space<vmem>>
        %dma_start3A_195 = arith.constant 0 : i32
        %dma_start3A_196 = tpu.memref_slice %arg4[%dma_start3A_195, %mul3A_190] : memref<64x1000000xf32, #tpu.memory_space<hbm>> -> memref<64x128xf32, #tpu.memory_space<hbm>>
        %dma_start3A_197 = arith.constant 0 : i32
        %dma_start3A_198 = arith.constant 0 : i32
        %dma_start3A_199 = tpu.memref_slice %arg11[%dma_start3A, %dma_start3A_197, %dma_start3A_198] : memref<4x64x128xf32, #tpu.memory_space<vmem>> -> memref<1x64x128xf32, #tpu.memory_space<vmem>>
        %dma_start3A_200 = tpu.memref_squeeze %dma_start3A_199 : memref<1x64x128xf32, #tpu.memory_space<vmem>> -> memref<64x128xf32, #tpu.memory_space<vmem>>
        %dma_start3A_201 = arith.constant 0 : i32
        %dma_start3A_202 = tpu.memref_slice %arg4[%dma_start3A_201, %mul3A_190] : memref<64x1000000xf32, #tpu.memory_space<hbm>> -> memref<64x128xf32, #tpu.memory_space<hbm>>
        tpu.enqueue_dma source(%dma_start3A_202 : memref<64x128xf32, #tpu.memory_space<hbm>>) target(%dma_start3A_200 : memref<64x128xf32, #tpu.memory_space<vmem>>) target_semaphore(%arg17 : memref<!tpu.dma_semaphore, #tpu.memory_space<semaphore_mem>>)
      } else {
      }
      %lt3A_116 = arith.cmpi slt, %add3A_103, %sub3A_12 : i32
      %convert_element_type3A_117 = arith.extui %lt3A_116 : i1 to i32
      %cond3A_118 = arith.constant 0 : i32
      %cond3A_119 = arith.cmpi ne, %convert_element_type3A_117, %cond3A_118 : i32
      scf.if %cond3A_119 {
        %dma_wait3A = arith.constant 0 : i32
        %dma_wait3A_189 = arith.constant 0 : i32
        %dma_wait3A_190 = arith.constant 0 : i32
        %dma_wait3A_191 = tpu.memref_slice %arg11[%dma_wait3A, %dma_wait3A_189, %dma_wait3A_190] : memref<4x64x128xf32, #tpu.memory_space<vmem>> -> memref<1x64x128xf32, #tpu.memory_space<vmem>>
        %dma_wait3A_192 = tpu.memref_squeeze %dma_wait3A_191 : memref<1x64x128xf32, #tpu.memory_space<vmem>> -> memref<64x128xf32, #tpu.memory_space<vmem>>
        %dma_wait3A_193 = arith.constant 0 : i32
        %dma_wait3A_194 = arith.constant 0 : i32
        %dma_wait3A_195 = tpu.memref_slice %arg4[%dma_wait3A_193, %dma_wait3A_194] : memref<64x1000000xf32, #tpu.memory_space<hbm>> -> memref<64x128xf32, #tpu.memory_space<hbm>>
        %dma_wait3A_196 = arith.constant 0 : i32
        %dma_wait3A_197 = arith.constant 0 : i32
        %dma_wait3A_198 = tpu.memref_slice %arg11[%dma_wait3A, %dma_wait3A_196, %dma_wait3A_197] : memref<4x64x128xf32, #tpu.memory_space<vmem>> -> memref<1x64x128xf32, #tpu.memory_space<vmem>>
        %dma_wait3A_199 = tpu.memref_squeeze %dma_wait3A_198 : memref<1x64x128xf32, #tpu.memory_space<vmem>> -> memref<64x128xf32, #tpu.memory_space<vmem>>
        %dma_wait3A_200 = arith.constant 0 : i32
        %dma_wait3A_201 = arith.constant 0 : i32
        %dma_wait3A_202 = tpu.memref_slice %arg4[%dma_wait3A_200, %dma_wait3A_201] : memref<64x1000000xf32, #tpu.memory_space<hbm>> -> memref<64x128xf32, #tpu.memory_space<hbm>>
        tpu.wait_dma2 semaphore(%arg16 : memref<!tpu.dma_semaphore, #tpu.memory_space<semaphore_mem>>) src(%dma_wait3A_202 : memref<64x128xf32, #tpu.memory_space<hbm>>) dst(%dma_wait3A_199 : memref<64x128xf32, #tpu.memory_space<vmem>>)
      } else {
      }
      %add3A_120 = arith.constant 1 : i32
      %add3A_121 = arith.addi %add3A_103, %add3A_120 : i32
      %lt3A_122 = arith.cmpi slt, %add3A_121, %sub3A_12 : i32
      %convert_element_type3A_123 = arith.extui %lt3A_122 : i1 to i32
      %cond3A_124 = arith.constant 0 : i32
      %cond3A_125 = arith.cmpi ne, %convert_element_type3A_123, %cond3A_124 : i32
      scf.if %cond3A_125 {
        %dma_wait3A = arith.constant 0 : i32
        %dma_wait3A_189 = arith.constant 0 : i32
        %dma_wait3A_190 = arith.constant 0 : i32
        %dma_wait3A_191 = tpu.memref_slice %arg11[%dma_wait3A, %dma_wait3A_189, %dma_wait3A_190] : memref<4x64x128xf32, #tpu.memory_space<vmem>> -> memref<1x64x128xf32, #tpu.memory_space<vmem>>
        %dma_wait3A_192 = tpu.memref_squeeze %dma_wait3A_191 : memref<1x64x128xf32, #tpu.memory_space<vmem>> -> memref<64x128xf32, #tpu.memory_space<vmem>>
        %dma_wait3A_193 = arith.constant 0 : i32
        %dma_wait3A_194 = arith.constant 0 : i32
        %dma_wait3A_195 = tpu.memref_slice %arg4[%dma_wait3A_193, %dma_wait3A_194] : memref<64x1000000xf32, #tpu.memory_space<hbm>> -> memref<64x128xf32, #tpu.memory_space<hbm>>
        %dma_wait3A_196 = arith.constant 0 : i32
        %dma_wait3A_197 = arith.constant 0 : i32
        %dma_wait3A_198 = tpu.memref_slice %arg11[%dma_wait3A, %dma_wait3A_196, %dma_wait3A_197] : memref<4x64x128xf32, #tpu.memory_space<vmem>> -> memref<1x64x128xf32, #tpu.memory_space<vmem>>
        %dma_wait3A_199 = tpu.memref_squeeze %dma_wait3A_198 : memref<1x64x128xf32, #tpu.memory_space<vmem>> -> memref<64x128xf32, #tpu.memory_space<vmem>>
        %dma_wait3A_200 = arith.constant 0 : i32
        %dma_wait3A_201 = arith.constant 0 : i32
        %dma_wait3A_202 = tpu.memref_slice %arg4[%dma_wait3A_200, %dma_wait3A_201] : memref<64x1000000xf32, #tpu.memory_space<hbm>> -> memref<64x128xf32, #tpu.memory_space<hbm>>
        tpu.wait_dma2 semaphore(%arg16 : memref<!tpu.dma_semaphore, #tpu.memory_space<semaphore_mem>>) src(%dma_wait3A_202 : memref<64x128xf32, #tpu.memory_space<hbm>>) dst(%dma_wait3A_199 : memref<64x128xf32, #tpu.memory_space<vmem>>)
      } else {
      }
      %lt3A_126 = arith.cmpi slt, %add3A_103, %sub3A_12 : i32
      %convert_element_type3A_127 = arith.extui %lt3A_126 : i1 to i32
      %shift_right_logical3A = arith.constant 1 : i32
      %shift_right_logical3A_128 = arith.shrui %add3A_103, %shift_right_logical3A : i32
      %mul3A_129 = arith.muli %shift_right_logical3A_128, %convert_element_type3A_127 : i32
      %sub3A_130 = arith.constant 1 : i32
      %sub3A_131 = arith.subi %sub3A_130, %convert_element_type3A_127 : i32
      %sub3A_132 = arith.subi %mul3A_129, %sub3A_131 : i32
      %while3A_133 = arith.constant 0 : i32
      %while3A_134 = arith.subi %select_n3A, %while3A_133 : i32
      %while3A_135 = arith.addi %while3A_133, %while3A_134 : i32
      %while3A_136 = arith.constant 1 : i32
      %while3A_137 = arith.divsi %while3A_134, %while3A_136 : i32
      %while3A_138 = arith.muli %while3A_137, %while3A_136 : i32
      %while3A_139 = arith.addi %while3A_133, %while3A_138 : i32
      %while3A_140 = arith.constant 1 : i32
      %while3A_141 = scf.for %while3A_189 = %while3A_133 to %while3A_139 step %while3A_140 iter_args(%while3A_190 = %scan3A_100) -> (vector<16xf32>)  : i32 {
        %mul3A_191 = arith.constant 16 : i32
        %mul3A_192 = arith.muli %while3A_189, %mul3A_191 : i32
        %get3A = arith.index_cast %mul3A_192 : i32 to index
        %get3A_193 = tpu.vector_load %arg8[%get3A] {strides = array<i32>} : memref<784xi32, #tpu.memory_space<vmem>>, vector<16xi32>,
        %shift_right_logical3A_194 = arith.constant 7 : i32
        %shift_right_logical3A_195 = vector.broadcast %shift_right_logical3A_194 : i32 to vector<16xi32>
        %shift_right_logical3A_196 = arith.shrui %get3A_193, %shift_right_logical3A_195 : vector<16xi32>
        %shift_right_logical3A_197 = arith.constant 1 : i32
        %shift_right_logical3A_198 = vector.broadcast %shift_right_logical3A_197 : i32 to vector<16xi32>
        %shift_right_logical3A_199 = arith.shrui %shift_right_logical3A_196, %shift_right_logical3A_198 : vector<16xi32>
        %eq3A_200 = vector.broadcast %sub3A_132 : i32 to vector<16xi32>
        %eq3A_201 = arith.cmpi eq, %shift_right_logical3A_199, %eq3A_200 : vector<16xi32>
        %lt3A_202 = vector.broadcast %sub3A_12 : i32 to vector<16xi32>
        %lt3A_203 = arith.cmpi slt, %shift_right_logical3A_196, %lt3A_202 : vector<16xi32>
        %and3A_204 = arith.andi %eq3A_201, %lt3A_203 : vector<16xi1>
        %mul3A_205 = arith.constant 16 : i32
        %mul3A_206 = arith.muli %while3A_189, %mul3A_205 : i32
        %add3A_207 = vector.broadcast %mul3A_206 : i32 to vector<16xi32>
        %add3A_208 = arith.addi %add3A_207, %iota3A : vector<16xi32>
        %lt3A_209 = vector.broadcast %min3A_19 : i32 to vector<16xi32>
        %lt3A_210 = arith.cmpi slt, %add3A_208, %lt3A_209 : vector<16xi32>
        %and3A_211 = arith.andi %and3A_204, %lt3A_210 : vector<16xi1>
        %all_reduce_population_count3A = tpu.all_reduce %and3A_211 {dim = 0 : i64, kind = #tpu.reduction_kind<sum>} : vector<16xi1> -> vector<16xi32>
        %slice3A = vector.extract_strided_slice %all_reduce_population_count3A {offsets = [0], sizes = [1], strides = [1]} : vector<16xi32> to vector<1xi32>
        %squeeze3A = vector.extract %slice3A[0] : i32 from vector<1xi32>
        %gt3A_212 = arith.constant 0 : i32
        %gt3A_213 = arith.cmpi sgt, %squeeze3A, %gt3A_212 : i32
        %convert_element_type3A_214 = arith.extui %gt3A_213 : i1 to i32
        %cond3A_215 = arith.constant 0 : i32
        %cond3A_216 = arith.cmpi ne, %convert_element_type3A_214, %cond3A_215 : i32
        scf.if %cond3A_216 {
          %convert_element_type3A_228 = arith.extui %and3A_211 : vector<16xi1> to vector<16xi32>
          %broadcast_in_dim3A_229 = arith.constant true
          %broadcast_in_dim3A_230 = vector.broadcast %broadcast_in_dim3A_229 : i1 to vector<16xi1>
          %masked_cumsum3A = tpu.scan <sum>, %convert_element_type3A_228 masked %broadcast_in_dim3A_230 : vector<16xi32>, vector<16xi1> -> vector<16xi32>
          %sub3A_231 = arith.constant 1 : i32
          %sub3A_232 = vector.broadcast %sub3A_231 : i32 to vector<16xi32>
          %sub3A_233 = arith.subi %masked_cumsum3A, %sub3A_232 : vector<16xi32>
          %mul3A_234 = arith.constant 16 : i32
          %mul3A_235 = arith.muli %while3A_189, %mul3A_234 : i32
          %add3A_236 = vector.broadcast %mul3A_235 : i32 to vector<16xi32>
          %add3A_237 = arith.addi %add3A_236, %iota3A : vector<16xi32>
          tpu.vector_store_idx %arg13[%sub3A_233], %add3A_237 masked %and3A_211 : memref<16xi32, #tpu.memory_space<vmem>>[vector<16xi32>], vector<16xi32>, vector<16xi1>
        } else {
        }
        %while3A_217 = arith.constant 0 : i32
        %while3A_218 = arith.subi %squeeze3A, %while3A_217 : i32
        %while3A_219 = arith.addi %while3A_217, %while3A_218 : i32
        %while3A_220 = arith.constant 1 : i32
        %while3A_221 = arith.divsi %while3A_218, %while3A_220 : i32
        %while3A_222 = arith.muli %while3A_221, %while3A_220 : i32
        %while3A_223 = arith.addi %while3A_217, %while3A_222 : i32
        %while3A_224 = arith.constant 1 : i32
        %while3A_225 = scf.for %while3A_228 = %while3A_217 to %while3A_223 step %while3A_224 iter_args(%while3A_229 = %while3A_190) -> (vector<16xf32>)  : i32 {
          %broadcast_in_dim3A_230 = arith.constant 0 : i32
          %broadcast_in_dim3A_231 = vector.broadcast %broadcast_in_dim3A_230 : i32 to vector<16xi32>
          %add3A_232 = vector.broadcast %while3A_228 : i32 to vector<16xi32>
          %add3A_233 = arith.addi %broadcast_in_dim3A_231, %add3A_232 : vector<16xi32>
          %gather3A = tpu.vector_load_idx %arg13[%add3A_233] : memref<16xi32, #tpu.memory_space<vmem>>[vector<16xi32>], vector<16xi32>,
          %slice3A_234 = vector.extract_strided_slice %gather3A {offsets = [0], sizes = [1], strides = [1]} : vector<16xi32> to vector<1xi32>
          %squeeze3A_235 = vector.extract %slice3A_234[0] : i32 from vector<1xi32>
          %broadcast_in_dim3A_236 = arith.constant 0 : i32
          %broadcast_in_dim3A_237 = vector.broadcast %broadcast_in_dim3A_236 : i32 to vector<16xi32>
          %add3A_238 = vector.broadcast %squeeze3A_235 : i32 to vector<16xi32>
          %add3A_239 = arith.addi %broadcast_in_dim3A_237, %add3A_238 : vector<16xi32>
          %gather3A_240 = tpu.vector_load_idx %arg8[%add3A_239] : memref<784xi32, #tpu.memory_space<vmem>>[vector<16xi32>], vector<16xi32>,
          %slice3A_241 = vector.extract_strided_slice %gather3A_240 {offsets = [0], sizes = [1], strides = [1]} : vector<16xi32> to vector<1xi32>
          %squeeze3A_242 = vector.extract %slice3A_241[0] : i32 from vector<1xi32>
          %and3A_243 = arith.constant 127 : i32
          %and3A_244 = arith.andi %squeeze3A_242, %and3A_243 : i32
          %shift_right_logical3A_245 = arith.constant 7 : i32
          %shift_right_logical3A_246 = arith.shrui %squeeze3A_242, %shift_right_logical3A_245 : i32
          %and3A_247 = arith.constant 1 : i32
          %and3A_248 = arith.andi %shift_right_logical3A_246, %and3A_247 : i32
          %add3A_249 = arith.constant 0 : i32
          %add3A_250 = arith.addi %add3A_249, %and3A_248 : i32
          %broadcast_in_dim3A_251 = arith.constant 0 : i32
          %broadcast_in_dim3A_252 = vector.broadcast %broadcast_in_dim3A_251 : i32 to vector<16xi32>
          %add3A_253 = vector.broadcast %add3A_250 : i32 to vector<16xi32>
          %add3A_254 = arith.addi %broadcast_in_dim3A_252, %add3A_253 : vector<16xi32>
          %broadcast_in_dim3A_255 = arith.constant 0 : i32
          %broadcast_in_dim3A_256 = vector.broadcast %broadcast_in_dim3A_255 : i32 to vector<16xi32>
          %add3A_257 = vector.broadcast %squeeze3A_235 : i32 to vector<16xi32>
          %add3A_258 = arith.addi %broadcast_in_dim3A_256, %add3A_257 : vector<16xi32>
          %broadcast_in_dim3A_259 = arith.constant 0 : i32
          %broadcast_in_dim3A_260 = vector.broadcast %broadcast_in_dim3A_259 : i32 to vector<16xi32>
          %add3A_261 = vector.broadcast %and3A_244 : i32 to vector<16xi32>
          %add3A_262 = arith.addi %broadcast_in_dim3A_260, %add3A_261 : vector<16xi32>
          %add3A_263 = arith.constant 0 : i32
          %add3A_264 = vector.broadcast %add3A_263 : i32 to vector<16xi32>
          %add3A_265 = arith.addi %iota3A, %add3A_264 : vector<16xi32>
          %gather3A_266 = tpu.vector_load_idx %arg11[%add3A_254, %add3A_265, %add3A_262] : memref<4x64x128xf32, #tpu.memory_space<vmem>>[vector<16xi32>, vector<16xi32>, vector<16xi32>], vector<16xf32>,
          %gather3A_267 = tpu.vector_load_idx %arg10[%add3A_258, %add3A_265] : memref<656x64xf32, #tpu.memory_space<vmem>>[vector<16xi32>, vector<16xi32>], vector<16xf32>,
          %sub3A_268 = arith.subf %gather3A_267, %gather3A_266 : vector<16xf32>
          %mul3A_269 = arith.mulf %sub3A_268, %sub3A_268 : vector<16xf32>
          %add3A_270 = arith.addf %while3A_229, %mul3A_269 : vector<16xf32>
          %add3A_271 = arith.constant 16 : i32
          %add3A_272 = vector.broadcast %add3A_271 : i32 to vector<16xi32>
          %add3A_273 = arith.addi %iota3A, %add3A_272 : vector<16xi32>
          %gather3A_274 = tpu.vector_load_idx %arg11[%add3A_254, %add3A_273, %add3A_262] : memref<4x64x128xf32, #tpu.memory_space<vmem>>[vector<16xi32>, vector<16xi32>, vector<16xi32>], vector<16xf32>,
          %gather3A_275 = tpu.vector_load_idx %arg10[%add3A_258, %add3A_273] : memref<656x64xf32, #tpu.memory_space<vmem>>[vector<16xi32>, vector<16xi32>], vector<16xf32>,
          %sub3A_276 = arith.subf %gather3A_275, %gather3A_274 : vector<16xf32>
          %mul3A_277 = arith.mulf %sub3A_276, %sub3A_276 : vector<16xf32>
          %add3A_278 = arith.addf %add3A_270, %mul3A_277 : vector<16xf32>
          %add3A_279 = arith.constant 32 : i32
          %add3A_280 = vector.broadcast %add3A_279 : i32 to vector<16xi32>
          %add3A_281 = arith.addi %iota3A, %add3A_280 : vector<16xi32>
          %gather3A_282 = tpu.vector_load_idx %arg11[%add3A_254, %add3A_281, %add3A_262] : memref<4x64x128xf32, #tpu.memory_space<vmem>>[vector<16xi32>, vector<16xi32>, vector<16xi32>], vector<16xf32>,
          %gather3A_283 = tpu.vector_load_idx %arg10[%add3A_258, %add3A_281] : memref<656x64xf32, #tpu.memory_space<vmem>>[vector<16xi32>, vector<16xi32>], vector<16xf32>,
          %sub3A_284 = arith.subf %gather3A_283, %gather3A_282 : vector<16xf32>
          %mul3A_285 = arith.mulf %sub3A_284, %sub3A_284 : vector<16xf32>
          %add3A_286 = arith.addf %add3A_278, %mul3A_285 : vector<16xf32>
          %add3A_287 = arith.constant 48 : i32
          %add3A_288 = vector.broadcast %add3A_287 : i32 to vector<16xi32>
          %add3A_289 = arith.addi %iota3A, %add3A_288 : vector<16xi32>
          %gather3A_290 = tpu.vector_load_idx %arg11[%add3A_254, %add3A_289, %add3A_262] : memref<4x64x128xf32, #tpu.memory_space<vmem>>[vector<16xi32>, vector<16xi32>, vector<16xi32>], vector<16xf32>,
          %gather3A_291 = tpu.vector_load_idx %arg10[%add3A_258, %add3A_289] : memref<656x64xf32, #tpu.memory_space<vmem>>[vector<16xi32>, vector<16xi32>], vector<16xf32>,
          %sub3A_292 = arith.subf %gather3A_291, %gather3A_290 : vector<16xf32>
          %mul3A_293 = arith.mulf %sub3A_292, %sub3A_292 : vector<16xf32>
          %add3A_294 = arith.addf %add3A_286, %mul3A_293 : vector<16xf32>
          scf.yield %add3A_294 : vector<16xf32>
        }
        %while3A_226 = arith.constant 1 : i32
        %while3A_227 = scf.for %while3A_228 = %while3A_223 to %while3A_219 step %while3A_226 iter_args(%while3A_229 = %while3A_225) -> (vector<16xf32>)  : i32 {
          %broadcast_in_dim3A_230 = arith.constant 0 : i32
          %broadcast_in_dim3A_231 = vector.broadcast %broadcast_in_dim3A_230 : i32 to vector<16xi32>
          %add3A_232 = vector.broadcast %while3A_228 : i32 to vector<16xi32>
          %add3A_233 = arith.addi %broadcast_in_dim3A_231, %add3A_232 : vector<16xi32>
          %gather3A = tpu.vector_load_idx %arg13[%add3A_233] : memref<16xi32, #tpu.memory_space<vmem>>[vector<16xi32>], vector<16xi32>,
          %slice3A_234 = vector.extract_strided_slice %gather3A {offsets = [0], sizes = [1], strides = [1]} : vector<16xi32> to vector<1xi32>
          %squeeze3A_235 = vector.extract %slice3A_234[0] : i32 from vector<1xi32>
          %broadcast_in_dim3A_236 = arith.constant 0 : i32
          %broadcast_in_dim3A_237 = vector.broadcast %broadcast_in_dim3A_236 : i32 to vector<16xi32>
          %add3A_238 = vector.broadcast %squeeze3A_235 : i32 to vector<16xi32>
          %add3A_239 = arith.addi %broadcast_in_dim3A_237, %add3A_238 : vector<16xi32>
          %gather3A_240 = tpu.vector_load_idx %arg8[%add3A_239] : memref<784xi32, #tpu.memory_space<vmem>>[vector<16xi32>], vector<16xi32>,
          %slice3A_241 = vector.extract_strided_slice %gather3A_240 {offsets = [0], sizes = [1], strides = [1]} : vector<16xi32> to vector<1xi32>
          %squeeze3A_242 = vector.extract %slice3A_241[0] : i32 from vector<1xi32>
          %and3A_243 = arith.constant 127 : i32
          %and3A_244 = arith.andi %squeeze3A_242, %and3A_243 : i32
          %shift_right_logical3A_245 = arith.constant 7 : i32
          %shift_right_logical3A_246 = arith.shrui %squeeze3A_242, %shift_right_logical3A_245 : i32
          %and3A_247 = arith.constant 1 : i32
          %and3A_248 = arith.andi %shift_right_logical3A_246, %and3A_247 : i32
          %add3A_249 = arith.constant 0 : i32
          %add3A_250 = arith.addi %add3A_249, %and3A_248 : i32
          %broadcast_in_dim3A_251 = arith.constant 0 : i32
          %broadcast_in_dim3A_252 = vector.broadcast %broadcast_in_dim3A_251 : i32 to vector<16xi32>
          %add3A_253 = vector.broadcast %add3A_250 : i32 to vector<16xi32>
          %add3A_254 = arith.addi %broadcast_in_dim3A_252, %add3A_253 : vector<16xi32>
          %broadcast_in_dim3A_255 = arith.constant 0 : i32
          %broadcast_in_dim3A_256 = vector.broadcast %broadcast_in_dim3A_255 : i32 to vector<16xi32>
          %add3A_257 = vector.broadcast %squeeze3A_235 : i32 to vector<16xi32>
          %add3A_258 = arith.addi %broadcast_in_dim3A_256, %add3A_257 : vector<16xi32>
          %broadcast_in_dim3A_259 = arith.constant 0 : i32
          %broadcast_in_dim3A_260 = vector.broadcast %broadcast_in_dim3A_259 : i32 to vector<16xi32>
          %add3A_261 = vector.broadcast %and3A_244 : i32 to vector<16xi32>
          %add3A_262 = arith.addi %broadcast_in_dim3A_260, %add3A_261 : vector<16xi32>
          %add3A_263 = arith.constant 0 : i32
          %add3A_264 = vector.broadcast %add3A_263 : i32 to vector<16xi32>
          %add3A_265 = arith.addi %iota3A, %add3A_264 : vector<16xi32>
          %gather3A_266 = tpu.vector_load_idx %arg11[%add3A_254, %add3A_265, %add3A_262] : memref<4x64x128xf32, #tpu.memory_space<vmem>>[vector<16xi32>, vector<16xi32>, vector<16xi32>], vector<16xf32>,
          %gather3A_267 = tpu.vector_load_idx %arg10[%add3A_258, %add3A_265] : memref<656x64xf32, #tpu.memory_space<vmem>>[vector<16xi32>, vector<16xi32>], vector<16xf32>,
          %sub3A_268 = arith.subf %gather3A_267, %gather3A_266 : vector<16xf32>
          %mul3A_269 = arith.mulf %sub3A_268, %sub3A_268 : vector<16xf32>
          %add3A_270 = arith.addf %while3A_229, %mul3A_269 : vector<16xf32>
          %add3A_271 = arith.constant 16 : i32
          %add3A_272 = vector.broadcast %add3A_271 : i32 to vector<16xi32>
          %add3A_273 = arith.addi %iota3A, %add3A_272 : vector<16xi32>
          %gather3A_274 = tpu.vector_load_idx %arg11[%add3A_254, %add3A_273, %add3A_262] : memref<4x64x128xf32, #tpu.memory_space<vmem>>[vector<16xi32>, vector<16xi32>, vector<16xi32>], vector<16xf32>,
          %gather3A_275 = tpu.vector_load_idx %arg10[%add3A_258, %add3A_273] : memref<656x64xf32, #tpu.memory_space<vmem>>[vector<16xi32>, vector<16xi32>], vector<16xf32>,
          %sub3A_276 = arith.subf %gather3A_275, %gather3A_274 : vector<16xf32>
          %mul3A_277 = arith.mulf %sub3A_276, %sub3A_276 : vector<16xf32>
          %add3A_278 = arith.addf %add3A_270, %mul3A_277 : vector<16xf32>
          %add3A_279 = arith.constant 32 : i32
          %add3A_280 = vector.broadcast %add3A_279 : i32 to vector<16xi32>
          %add3A_281 = arith.addi %iota3A, %add3A_280 : vector<16xi32>
          %gather3A_282 = tpu.vector_load_idx %arg11[%add3A_254, %add3A_281, %add3A_262] : memref<4x64x128xf32, #tpu.memory_space<vmem>>[vector<16xi32>, vector<16xi32>, vector<16xi32>], vector<16xf32>,
          %gather3A_283 = tpu.vector_load_idx %arg10[%add3A_258, %add3A_281] : memref<656x64xf32, #tpu.memory_space<vmem>>[vector<16xi32>, vector<16xi32>], vector<16xf32>,
          %sub3A_284 = arith.subf %gather3A_283, %gather3A_282 : vector<16xf32>
          %mul3A_285 = arith.mulf %sub3A_284, %sub3A_284 : vector<16xf32>
          %add3A_286 = arith.addf %add3A_278, %mul3A_285 : vector<16xf32>
          %add3A_287 = arith.constant 48 : i32
          %add3A_288 = vector.broadcast %add3A_287 : i32 to vector<16xi32>
          %add3A_289 = arith.addi %iota3A, %add3A_288 : vector<16xi32>
          %gather3A_290 = tpu.vector_load_idx %arg11[%add3A_254, %add3A_289, %add3A_262] : memref<4x64x128xf32, #tpu.memory_space<vmem>>[vector<16xi32>, vector<16xi32>, vector<16xi32>], vector<16xf32>,
          %gather3A_291 = tpu.vector_load_idx %arg10[%add3A_258, %add3A_289] : memref<656x64xf32, #tpu.memory_space<vmem>>[vector<16xi32>, vector<16xi32>], vector<16xf32>,
          %sub3A_292 = arith.subf %gather3A_291, %gather3A_290 : vector<16xf32>
          %mul3A_293 = arith.mulf %sub3A_292, %sub3A_292 : vector<16xf32>
          %add3A_294 = arith.addf %add3A_286, %mul3A_293 : vector<16xf32>
          scf.yield %add3A_294 : vector<16xf32>
        }
        scf.yield %while3A_227 : vector<16xf32>
      }
      %while3A_142 = arith.constant 1 : i32
      %while3A_143 = scf.for %while3A_189 = %while3A_139 to %while3A_135 step %while3A_142 iter_args(%while3A_190 = %while3A_141) -> (vector<16xf32>)  : i32 {
        %mul3A_191 = arith.constant 16 : i32
        %mul3A_192 = arith.muli %while3A_189, %mul3A_191 : i32
        %get3A = arith.index_cast %mul3A_192 : i32 to index
        %get3A_193 = tpu.vector_load %arg8[%get3A] {strides = array<i32>} : memref<784xi32, #tpu.memory_space<vmem>>, vector<16xi32>,
        %shift_right_logical3A_194 = arith.constant 7 : i32
        %shift_right_logical3A_195 = vector.broadcast %shift_right_logical3A_194 : i32 to vector<16xi32>
        %shift_right_logical3A_196 = arith.shrui %get3A_193, %shift_right_logical3A_195 : vector<16xi32>
        %shift_right_logical3A_197 = arith.constant 1 : i32
        %shift_right_logical3A_198 = vector.broadcast %shift_right_logical3A_197 : i32 to vector<16xi32>
        %shift_right_logical3A_199 = arith.shrui %shift_right_logical3A_196, %shift_right_logical3A_198 : vector<16xi32>
        %eq3A_200 = vector.broadcast %sub3A_132 : i32 to vector<16xi32>
        %eq3A_201 = arith.cmpi eq, %shift_right_logical3A_199, %eq3A_200 : vector<16xi32>
        %lt3A_202 = vector.broadcast %sub3A_12 : i32 to vector<16xi32>
        %lt3A_203 = arith.cmpi slt, %shift_right_logical3A_196, %lt3A_202 : vector<16xi32>
        %and3A_204 = arith.andi %eq3A_201, %lt3A_203 : vector<16xi1>
        %mul3A_205 = arith.constant 16 : i32
        %mul3A_206 = arith.muli %while3A_189, %mul3A_205 : i32
        %add3A_207 = vector.broadcast %mul3A_206 : i32 to vector<16xi32>
        %add3A_208 = arith.addi %add3A_207, %iota3A : vector<16xi32>
        %lt3A_209 = vector.broadcast %min3A_19 : i32 to vector<16xi32>
        %lt3A_210 = arith.cmpi slt, %add3A_208, %lt3A_209 : vector<16xi32>
        %and3A_211 = arith.andi %and3A_204, %lt3A_210 : vector<16xi1>
        %all_reduce_population_count3A = tpu.all_reduce %and3A_211 {dim = 0 : i64, kind = #tpu.reduction_kind<sum>} : vector<16xi1> -> vector<16xi32>
        %slice3A = vector.extract_strided_slice %all_reduce_population_count3A {offsets = [0], sizes = [1], strides = [1]} : vector<16xi32> to vector<1xi32>
        %squeeze3A = vector.extract %slice3A[0] : i32 from vector<1xi32>
        %gt3A_212 = arith.constant 0 : i32
        %gt3A_213 = arith.cmpi sgt, %squeeze3A, %gt3A_212 : i32
        %convert_element_type3A_214 = arith.extui %gt3A_213 : i1 to i32
        %cond3A_215 = arith.constant 0 : i32
        %cond3A_216 = arith.cmpi ne, %convert_element_type3A_214, %cond3A_215 : i32
        scf.if %cond3A_216 {
          %convert_element_type3A_228 = arith.extui %and3A_211 : vector<16xi1> to vector<16xi32>
          %broadcast_in_dim3A_229 = arith.constant true
          %broadcast_in_dim3A_230 = vector.broadcast %broadcast_in_dim3A_229 : i1 to vector<16xi1>
          %masked_cumsum3A = tpu.scan <sum>, %convert_element_type3A_228 masked %broadcast_in_dim3A_230 : vector<16xi32>, vector<16xi1> -> vector<16xi32>
          %sub3A_231 = arith.constant 1 : i32
          %sub3A_232 = vector.broadcast %sub3A_231 : i32 to vector<16xi32>
          %sub3A_233 = arith.subi %masked_cumsum3A, %sub3A_232 : vector<16xi32>
          %mul3A_234 = arith.constant 16 : i32
          %mul3A_235 = arith.muli %while3A_189, %mul3A_234 : i32
          %add3A_236 = vector.broadcast %mul3A_235 : i32 to vector<16xi32>
          %add3A_237 = arith.addi %add3A_236, %iota3A : vector<16xi32>
          tpu.vector_store_idx %arg13[%sub3A_233], %add3A_237 masked %and3A_211 : memref<16xi32, #tpu.memory_space<vmem>>[vector<16xi32>], vector<16xi32>, vector<16xi1>
        } else {
        }
        %while3A_217 = arith.constant 0 : i32
        %while3A_218 = arith.subi %squeeze3A, %while3A_217 : i32
        %while3A_219 = arith.addi %while3A_217, %while3A_218 : i32
        %while3A_220 = arith.constant 1 : i32
        %while3A_221 = arith.divsi %while3A_218, %while3A_220 : i32
        %while3A_222 = arith.muli %while3A_221, %while3A_220 : i32
        %while3A_223 = arith.addi %while3A_217, %while3A_222 : i32
        %while3A_224 = arith.constant 1 : i32
        %while3A_225 = scf.for %while3A_228 = %while3A_217 to %while3A_223 step %while3A_224 iter_args(%while3A_229 = %while3A_190) -> (vector<16xf32>)  : i32 {
          %broadcast_in_dim3A_230 = arith.constant 0 : i32
          %broadcast_in_dim3A_231 = vector.broadcast %broadcast_in_dim3A_230 : i32 to vector<16xi32>
          %add3A_232 = vector.broadcast %while3A_228 : i32 to vector<16xi32>
          %add3A_233 = arith.addi %broadcast_in_dim3A_231, %add3A_232 : vector<16xi32>
          %gather3A = tpu.vector_load_idx %arg13[%add3A_233] : memref<16xi32, #tpu.memory_space<vmem>>[vector<16xi32>], vector<16xi32>,
          %slice3A_234 = vector.extract_strided_slice %gather3A {offsets = [0], sizes = [1], strides = [1]} : vector<16xi32> to vector<1xi32>
          %squeeze3A_235 = vector.extract %slice3A_234[0] : i32 from vector<1xi32>
          %broadcast_in_dim3A_236 = arith.constant 0 : i32
          %broadcast_in_dim3A_237 = vector.broadcast %broadcast_in_dim3A_236 : i32 to vector<16xi32>
          %add3A_238 = vector.broadcast %squeeze3A_235 : i32 to vector<16xi32>
          %add3A_239 = arith.addi %broadcast_in_dim3A_237, %add3A_238 : vector<16xi32>
          %gather3A_240 = tpu.vector_load_idx %arg8[%add3A_239] : memref<784xi32, #tpu.memory_space<vmem>>[vector<16xi32>], vector<16xi32>,
          %slice3A_241 = vector.extract_strided_slice %gather3A_240 {offsets = [0], sizes = [1], strides = [1]} : vector<16xi32> to vector<1xi32>
          %squeeze3A_242 = vector.extract %slice3A_241[0] : i32 from vector<1xi32>
          %and3A_243 = arith.constant 127 : i32
          %and3A_244 = arith.andi %squeeze3A_242, %and3A_243 : i32
          %shift_right_logical3A_245 = arith.constant 7 : i32
          %shift_right_logical3A_246 = arith.shrui %squeeze3A_242, %shift_right_logical3A_245 : i32
          %and3A_247 = arith.constant 1 : i32
          %and3A_248 = arith.andi %shift_right_logical3A_246, %and3A_247 : i32
          %add3A_249 = arith.constant 0 : i32
          %add3A_250 = arith.addi %add3A_249, %and3A_248 : i32
          %broadcast_in_dim3A_251 = arith.constant 0 : i32
          %broadcast_in_dim3A_252 = vector.broadcast %broadcast_in_dim3A_251 : i32 to vector<16xi32>
          %add3A_253 = vector.broadcast %add3A_250 : i32 to vector<16xi32>
          %add3A_254 = arith.addi %broadcast_in_dim3A_252, %add3A_253 : vector<16xi32>
          %broadcast_in_dim3A_255 = arith.constant 0 : i32
          %broadcast_in_dim3A_256 = vector.broadcast %broadcast_in_dim3A_255 : i32 to vector<16xi32>
          %add3A_257 = vector.broadcast %squeeze3A_235 : i32 to vector<16xi32>
          %add3A_258 = arith.addi %broadcast_in_dim3A_256, %add3A_257 : vector<16xi32>
          %broadcast_in_dim3A_259 = arith.constant 0 : i32
          %broadcast_in_dim3A_260 = vector.broadcast %broadcast_in_dim3A_259 : i32 to vector<16xi32>
          %add3A_261 = vector.broadcast %and3A_244 : i32 to vector<16xi32>
          %add3A_262 = arith.addi %broadcast_in_dim3A_260, %add3A_261 : vector<16xi32>
          %add3A_263 = arith.constant 0 : i32
          %add3A_264 = vector.broadcast %add3A_263 : i32 to vector<16xi32>
          %add3A_265 = arith.addi %iota3A, %add3A_264 : vector<16xi32>
          %gather3A_266 = tpu.vector_load_idx %arg11[%add3A_254, %add3A_265, %add3A_262] : memref<4x64x128xf32, #tpu.memory_space<vmem>>[vector<16xi32>, vector<16xi32>, vector<16xi32>], vector<16xf32>,
          %gather3A_267 = tpu.vector_load_idx %arg10[%add3A_258, %add3A_265] : memref<656x64xf32, #tpu.memory_space<vmem>>[vector<16xi32>, vector<16xi32>], vector<16xf32>,
          %sub3A_268 = arith.subf %gather3A_267, %gather3A_266 : vector<16xf32>
          %mul3A_269 = arith.mulf %sub3A_268, %sub3A_268 : vector<16xf32>
          %add3A_270 = arith.addf %while3A_229, %mul3A_269 : vector<16xf32>
          %add3A_271 = arith.constant 16 : i32
          %add3A_272 = vector.broadcast %add3A_271 : i32 to vector<16xi32>
          %add3A_273 = arith.addi %iota3A, %add3A_272 : vector<16xi32>
          %gather3A_274 = tpu.vector_load_idx %arg11[%add3A_254, %add3A_273, %add3A_262] : memref<4x64x128xf32, #tpu.memory_space<vmem>>[vector<16xi32>, vector<16xi32>, vector<16xi32>], vector<16xf32>,
          %gather3A_275 = tpu.vector_load_idx %arg10[%add3A_258, %add3A_273] : memref<656x64xf32, #tpu.memory_space<vmem>>[vector<16xi32>, vector<16xi32>], vector<16xf32>,
          %sub3A_276 = arith.subf %gather3A_275, %gather3A_274 : vector<16xf32>
          %mul3A_277 = arith.mulf %sub3A_276, %sub3A_276 : vector<16xf32>
          %add3A_278 = arith.addf %add3A_270, %mul3A_277 : vector<16xf32>
          %add3A_279 = arith.constant 32 : i32
          %add3A_280 = vector.broadcast %add3A_279 : i32 to vector<16xi32>
          %add3A_281 = arith.addi %iota3A, %add3A_280 : vector<16xi32>
          %gather3A_282 = tpu.vector_load_idx %arg11[%add3A_254, %add3A_281, %add3A_262] : memref<4x64x128xf32, #tpu.memory_space<vmem>>[vector<16xi32>, vector<16xi32>, vector<16xi32>], vector<16xf32>,
          %gather3A_283 = tpu.vector_load_idx %arg10[%add3A_258, %add3A_281] : memref<656x64xf32, #tpu.memory_space<vmem>>[vector<16xi32>, vector<16xi32>], vector<16xf32>,
          %sub3A_284 = arith.subf %gather3A_283, %gather3A_282 : vector<16xf32>
          %mul3A_285 = arith.mulf %sub3A_284, %sub3A_284 : vector<16xf32>
          %add3A_286 = arith.addf %add3A_278, %mul3A_285 : vector<16xf32>
          %add3A_287 = arith.constant 48 : i32
          %add3A_288 = vector.broadcast %add3A_287 : i32 to vector<16xi32>
          %add3A_289 = arith.addi %iota3A, %add3A_288 : vector<16xi32>
          %gather3A_290 = tpu.vector_load_idx %arg11[%add3A_254, %add3A_289, %add3A_262] : memref<4x64x128xf32, #tpu.memory_space<vmem>>[vector<16xi32>, vector<16xi32>, vector<16xi32>], vector<16xf32>,
          %gather3A_291 = tpu.vector_load_idx %arg10[%add3A_258, %add3A_289] : memref<656x64xf32, #tpu.memory_space<vmem>>[vector<16xi32>, vector<16xi32>], vector<16xf32>,
          %sub3A_292 = arith.subf %gather3A_291, %gather3A_290 : vector<16xf32>
          %mul3A_293 = arith.mulf %sub3A_292, %sub3A_292 : vector<16xf32>
          %add3A_294 = arith.addf %add3A_286, %mul3A_293 : vector<16xf32>
          scf.yield %add3A_294 : vector<16xf32>
        }
        %while3A_226 = arith.constant 1 : i32
        %while3A_227 = scf.for %while3A_228 = %while3A_223 to %while3A_219 step %while3A_226 iter_args(%while3A_229 = %while3A_225) -> (vector<16xf32>)  : i32 {
          %broadcast_in_dim3A_230 = arith.constant 0 : i32
          %broadcast_in_dim3A_231 = vector.broadcast %broadcast_in_dim3A_230 : i32 to vector<16xi32>
          %add3A_232 = vector.broadcast %while3A_228 : i32 to vector<16xi32>
          %add3A_233 = arith.addi %broadcast_in_dim3A_231, %add3A_232 : vector<16xi32>
          %gather3A = tpu.vector_load_idx %arg13[%add3A_233] : memref<16xi32, #tpu.memory_space<vmem>>[vector<16xi32>], vector<16xi32>,
          %slice3A_234 = vector.extract_strided_slice %gather3A {offsets = [0], sizes = [1], strides = [1]} : vector<16xi32> to vector<1xi32>
          %squeeze3A_235 = vector.extract %slice3A_234[0] : i32 from vector<1xi32>
          %broadcast_in_dim3A_236 = arith.constant 0 : i32
          %broadcast_in_dim3A_237 = vector.broadcast %broadcast_in_dim3A_236 : i32 to vector<16xi32>
          %add3A_238 = vector.broadcast %squeeze3A_235 : i32 to vector<16xi32>
          %add3A_239 = arith.addi %broadcast_in_dim3A_237, %add3A_238 : vector<16xi32>
          %gather3A_240 = tpu.vector_load_idx %arg8[%add3A_239] : memref<784xi32, #tpu.memory_space<vmem>>[vector<16xi32>], vector<16xi32>,
          %slice3A_241 = vector.extract_strided_slice %gather3A_240 {offsets = [0], sizes = [1], strides = [1]} : vector<16xi32> to vector<1xi32>
          %squeeze3A_242 = vector.extract %slice3A_241[0] : i32 from vector<1xi32>
          %and3A_243 = arith.constant 127 : i32
          %and3A_244 = arith.andi %squeeze3A_242, %and3A_243 : i32
          %shift_right_logical3A_245 = arith.constant 7 : i32
          %shift_right_logical3A_246 = arith.shrui %squeeze3A_242, %shift_right_logical3A_245 : i32
          %and3A_247 = arith.constant 1 : i32
          %and3A_248 = arith.andi %shift_right_logical3A_246, %and3A_247 : i32
          %add3A_249 = arith.constant 0 : i32
          %add3A_250 = arith.addi %add3A_249, %and3A_248 : i32
          %broadcast_in_dim3A_251 = arith.constant 0 : i32
          %broadcast_in_dim3A_252 = vector.broadcast %broadcast_in_dim3A_251 : i32 to vector<16xi32>
          %add3A_253 = vector.broadcast %add3A_250 : i32 to vector<16xi32>
          %add3A_254 = arith.addi %broadcast_in_dim3A_252, %add3A_253 : vector<16xi32>
          %broadcast_in_dim3A_255 = arith.constant 0 : i32
          %broadcast_in_dim3A_256 = vector.broadcast %broadcast_in_dim3A_255 : i32 to vector<16xi32>
          %add3A_257 = vector.broadcast %squeeze3A_235 : i32 to vector<16xi32>
          %add3A_258 = arith.addi %broadcast_in_dim3A_256, %add3A_257 : vector<16xi32>
          %broadcast_in_dim3A_259 = arith.constant 0 : i32
          %broadcast_in_dim3A_260 = vector.broadcast %broadcast_in_dim3A_259 : i32 to vector<16xi32>
          %add3A_261 = vector.broadcast %and3A_244 : i32 to vector<16xi32>
          %add3A_262 = arith.addi %broadcast_in_dim3A_260, %add3A_261 : vector<16xi32>
          %add3A_263 = arith.constant 0 : i32
          %add3A_264 = vector.broadcast %add3A_263 : i32 to vector<16xi32>
          %add3A_265 = arith.addi %iota3A, %add3A_264 : vector<16xi32>
          %gather3A_266 = tpu.vector_load_idx %arg11[%add3A_254, %add3A_265, %add3A_262] : memref<4x64x128xf32, #tpu.memory_space<vmem>>[vector<16xi32>, vector<16xi32>, vector<16xi32>], vector<16xf32>,
          %gather3A_267 = tpu.vector_load_idx %arg10[%add3A_258, %add3A_265] : memref<656x64xf32, #tpu.memory_space<vmem>>[vector<16xi32>, vector<16xi32>], vector<16xf32>,
          %sub3A_268 = arith.subf %gather3A_267, %gather3A_266 : vector<16xf32>
          %mul3A_269 = arith.mulf %sub3A_268, %sub3A_268 : vector<16xf32>
          %add3A_270 = arith.addf %while3A_229, %mul3A_269 : vector<16xf32>
          %add3A_271 = arith.constant 16 : i32
          %add3A_272 = vector.broadcast %add3A_271 : i32 to vector<16xi32>
          %add3A_273 = arith.addi %iota3A, %add3A_272 : vector<16xi32>
          %gather3A_274 = tpu.vector_load_idx %arg11[%add3A_254, %add3A_273, %add3A_262] : memref<4x64x128xf32, #tpu.memory_space<vmem>>[vector<16xi32>, vector<16xi32>, vector<16xi32>], vector<16xf32>,
          %gather3A_275 = tpu.vector_load_idx %arg10[%add3A_258, %add3A_273] : memref<656x64xf32, #tpu.memory_space<vmem>>[vector<16xi32>, vector<16xi32>], vector<16xf32>,
          %sub3A_276 = arith.subf %gather3A_275, %gather3A_274 : vector<16xf32>
          %mul3A_277 = arith.mulf %sub3A_276, %sub3A_276 : vector<16xf32>
          %add3A_278 = arith.addf %add3A_270, %mul3A_277 : vector<16xf32>
          %add3A_279 = arith.constant 32 : i32
          %add3A_280 = vector.broadcast %add3A_279 : i32 to vector<16xi32>
          %add3A_281 = arith.addi %iota3A, %add3A_280 : vector<16xi32>
          %gather3A_282 = tpu.vector_load_idx %arg11[%add3A_254, %add3A_281, %add3A_262] : memref<4x64x128xf32, #tpu.memory_space<vmem>>[vector<16xi32>, vector<16xi32>, vector<16xi32>], vector<16xf32>,
          %gather3A_283 = tpu.vector_load_idx %arg10[%add3A_258, %add3A_281] : memref<656x64xf32, #tpu.memory_space<vmem>>[vector<16xi32>, vector<16xi32>], vector<16xf32>,
          %sub3A_284 = arith.subf %gather3A_283, %gather3A_282 : vector<16xf32>
          %mul3A_285 = arith.mulf %sub3A_284, %sub3A_284 : vector<16xf32>
          %add3A_286 = arith.addf %add3A_278, %mul3A_285 : vector<16xf32>
          %add3A_287 = arith.constant 48 : i32
          %add3A_288 = vector.broadcast %add3A_287 : i32 to vector<16xi32>
          %add3A_289 = arith.addi %iota3A, %add3A_288 : vector<16xi32>
          %gather3A_290 = tpu.vector_load_idx %arg11[%add3A_254, %add3A_289, %add3A_262] : memref<4x64x128xf32, #tpu.memory_space<vmem>>[vector<16xi32>, vector<16xi32>, vector<16xi32>], vector<16xf32>,
          %gather3A_291 = tpu.vector_load_idx %arg10[%add3A_258, %add3A_289] : memref<656x64xf32, #tpu.memory_space<vmem>>[vector<16xi32>, vector<16xi32>], vector<16xf32>,
          %sub3A_292 = arith.subf %gather3A_291, %gather3A_290 : vector<16xf32>
          %mul3A_293 = arith.mulf %sub3A_292, %sub3A_292 : vector<16xf32>
          %add3A_294 = arith.addf %add3A_286, %mul3A_293 : vector<16xf32>
          scf.yield %add3A_294 : vector<16xf32>
        }
        scf.yield %while3A_227 : vector<16xf32>
      }
      %add3A_144 = arith.constant 4 : i32
      %add3A_145 = arith.addi %add3A_103, %add3A_144 : i32
      %lt3A_146 = arith.cmpi slt, %add3A_145, %sub3A_12 : i32
      %convert_element_type3A_147 = arith.extui %lt3A_146 : i1 to i32
      %cond3A_148 = arith.constant 0 : i32
      %cond3A_149 = arith.cmpi ne, %convert_element_type3A_147, %cond3A_148 : i32
      scf.if %cond3A_149 {
        %mul3A_189 = arith.constant 128 : i32
        %mul3A_190 = arith.muli %add3A_145, %mul3A_189 : i32
        %dma_start3A = arith.constant 0 : i32
        %dma_start3A_191 = arith.constant 0 : i32
        %dma_start3A_192 = arith.constant 0 : i32
        %dma_start3A_193 = tpu.memref_slice %arg11[%dma_start3A, %dma_start3A_191, %dma_start3A_192] : memref<4x64x128xf32, #tpu.memory_space<vmem>> -> memref<1x64x128xf32, #tpu.memory_space<vmem>>
        %dma_start3A_194 = tpu.memref_squeeze %dma_start3A_193 : memref<1x64x128xf32, #tpu.memory_space<vmem>> -> memref<64x128xf32, #tpu.memory_space<vmem>>
        %dma_start3A_195 = arith.constant 0 : i32
        %dma_start3A_196 = tpu.memref_slice %arg4[%dma_start3A_195, %mul3A_190] : memref<64x1000000xf32, #tpu.memory_space<hbm>> -> memref<64x128xf32, #tpu.memory_space<hbm>>
        %dma_start3A_197 = arith.constant 0 : i32
        %dma_start3A_198 = arith.constant 0 : i32
        %dma_start3A_199 = tpu.memref_slice %arg11[%dma_start3A, %dma_start3A_197, %dma_start3A_198] : memref<4x64x128xf32, #tpu.memory_space<vmem>> -> memref<1x64x128xf32, #tpu.memory_space<vmem>>
        %dma_start3A_200 = tpu.memref_squeeze %dma_start3A_199 : memref<1x64x128xf32, #tpu.memory_space<vmem>> -> memref<64x128xf32, #tpu.memory_space<vmem>>
        %dma_start3A_201 = arith.constant 0 : i32
        %dma_start3A_202 = tpu.memref_slice %arg4[%dma_start3A_201, %mul3A_190] : memref<64x1000000xf32, #tpu.memory_space<hbm>> -> memref<64x128xf32, #tpu.memory_space<hbm>>
        tpu.enqueue_dma source(%dma_start3A_202 : memref<64x128xf32, #tpu.memory_space<hbm>>) target(%dma_start3A_200 : memref<64x128xf32, #tpu.memory_space<vmem>>) target_semaphore(%arg16 : memref<!tpu.dma_semaphore, #tpu.memory_space<semaphore_mem>>)
      } else {
      }
      %add3A_150 = arith.constant 5 : i32
      %add3A_151 = arith.addi %add3A_103, %add3A_150 : i32
      %lt3A_152 = arith.cmpi slt, %add3A_151, %sub3A_12 : i32
      %convert_element_type3A_153 = arith.extui %lt3A_152 : i1 to i32
      %cond3A_154 = arith.constant 0 : i32
      %cond3A_155 = arith.cmpi ne, %convert_element_type3A_153, %cond3A_154 : i32
      scf.if %cond3A_155 {
        %mul3A_189 = arith.constant 128 : i32
        %mul3A_190 = arith.muli %add3A_151, %mul3A_189 : i32
        %dma_start3A = arith.constant 1 : i32
        %dma_start3A_191 = arith.constant 0 : i32
        %dma_start3A_192 = arith.constant 0 : i32
        %dma_start3A_193 = tpu.memref_slice %arg11[%dma_start3A, %dma_start3A_191, %dma_start3A_192] : memref<4x64x128xf32, #tpu.memory_space<vmem>> -> memref<1x64x128xf32, #tpu.memory_space<vmem>>
        %dma_start3A_194 = tpu.memref_squeeze %dma_start3A_193 : memref<1x64x128xf32, #tpu.memory_space<vmem>> -> memref<64x128xf32, #tpu.memory_space<vmem>>
        %dma_start3A_195 = arith.constant 0 : i32
        %dma_start3A_196 = tpu.memref_slice %arg4[%dma_start3A_195, %mul3A_190] : memref<64x1000000xf32, #tpu.memory_space<hbm>> -> memref<64x128xf32, #tpu.memory_space<hbm>>
        %dma_start3A_197 = arith.constant 0 : i32
        %dma_start3A_198 = arith.constant 0 : i32
        %dma_start3A_199 = tpu.memref_slice %arg11[%dma_start3A, %dma_start3A_197, %dma_start3A_198] : memref<4x64x128xf32, #tpu.memory_space<vmem>> -> memref<1x64x128xf32, #tpu.memory_space<vmem>>
        %dma_start3A_200 = tpu.memref_squeeze %dma_start3A_199 : memref<1x64x128xf32, #tpu.memory_space<vmem>> -> memref<64x128xf32, #tpu.memory_space<vmem>>
        %dma_start3A_201 = arith.constant 0 : i32
        %dma_start3A_202 = tpu.memref_slice %arg4[%dma_start3A_201, %mul3A_190] : memref<64x1000000xf32, #tpu.memory_space<hbm>> -> memref<64x128xf32, #tpu.memory_space<hbm>>
        tpu.enqueue_dma source(%dma_start3A_202 : memref<64x128xf32, #tpu.memory_space<hbm>>) target(%dma_start3A_200 : memref<64x128xf32, #tpu.memory_space<vmem>>) target_semaphore(%arg16 : memref<!tpu.dma_semaphore, #tpu.memory_space<semaphore_mem>>)
      } else {
      }
      %add3A_156 = arith.constant 2 : i32
      %add3A_157 = arith.addi %add3A_103, %add3A_156 : i32
      %lt3A_158 = arith.cmpi slt, %add3A_157, %sub3A_12 : i32
      %convert_element_type3A_159 = arith.extui %lt3A_158 : i1 to i32
      %cond3A_160 = arith.constant 0 : i32
      %cond3A_161 = arith.cmpi ne, %convert_element_type3A_159, %cond3A_160 : i32
      scf.if %cond3A_161 {
        %dma_wait3A = arith.constant 0 : i32
        %dma_wait3A_189 = arith.constant 0 : i32
        %dma_wait3A_190 = arith.constant 0 : i32
        %dma_wait3A_191 = tpu.memref_slice %arg11[%dma_wait3A, %dma_wait3A_189, %dma_wait3A_190] : memref<4x64x128xf32, #tpu.memory_space<vmem>> -> memref<1x64x128xf32, #tpu.memory_space<vmem>>
        %dma_wait3A_192 = tpu.memref_squeeze %dma_wait3A_191 : memref<1x64x128xf32, #tpu.memory_space<vmem>> -> memref<64x128xf32, #tpu.memory_space<vmem>>
        %dma_wait3A_193 = arith.constant 0 : i32
        %dma_wait3A_194 = arith.constant 0 : i32
        %dma_wait3A_195 = tpu.memref_slice %arg4[%dma_wait3A_193, %dma_wait3A_194] : memref<64x1000000xf32, #tpu.memory_space<hbm>> -> memref<64x128xf32, #tpu.memory_space<hbm>>
        %dma_wait3A_196 = arith.constant 0 : i32
        %dma_wait3A_197 = arith.constant 0 : i32
        %dma_wait3A_198 = tpu.memref_slice %arg11[%dma_wait3A, %dma_wait3A_196, %dma_wait3A_197] : memref<4x64x128xf32, #tpu.memory_space<vmem>> -> memref<1x64x128xf32, #tpu.memory_space<vmem>>
        %dma_wait3A_199 = tpu.memref_squeeze %dma_wait3A_198 : memref<1x64x128xf32, #tpu.memory_space<vmem>> -> memref<64x128xf32, #tpu.memory_space<vmem>>
        %dma_wait3A_200 = arith.constant 0 : i32
        %dma_wait3A_201 = arith.constant 0 : i32
        %dma_wait3A_202 = tpu.memref_slice %arg4[%dma_wait3A_200, %dma_wait3A_201] : memref<64x1000000xf32, #tpu.memory_space<hbm>> -> memref<64x128xf32, #tpu.memory_space<hbm>>
        tpu.wait_dma2 semaphore(%arg17 : memref<!tpu.dma_semaphore, #tpu.memory_space<semaphore_mem>>) src(%dma_wait3A_202 : memref<64x128xf32, #tpu.memory_space<hbm>>) dst(%dma_wait3A_199 : memref<64x128xf32, #tpu.memory_space<vmem>>)
      } else {
      }
      %add3A_162 = arith.constant 3 : i32
      %add3A_163 = arith.addi %add3A_103, %add3A_162 : i32
      %lt3A_164 = arith.cmpi slt, %add3A_163, %sub3A_12 : i32
      %convert_element_type3A_165 = arith.extui %lt3A_164 : i1 to i32
      %cond3A_166 = arith.constant 0 : i32
      %cond3A_167 = arith.cmpi ne, %convert_element_type3A_165, %cond3A_166 : i32
      scf.if %cond3A_167 {
        %dma_wait3A = arith.constant 0 : i32
        %dma_wait3A_189 = arith.constant 0 : i32
        %dma_wait3A_190 = arith.constant 0 : i32
        %dma_wait3A_191 = tpu.memref_slice %arg11[%dma_wait3A, %dma_wait3A_189, %dma_wait3A_190] : memref<4x64x128xf32, #tpu.memory_space<vmem>> -> memref<1x64x128xf32, #tpu.memory_space<vmem>>
        %dma_wait3A_192 = tpu.memref_squeeze %dma_wait3A_191 : memref<1x64x128xf32, #tpu.memory_space<vmem>> -> memref<64x128xf32, #tpu.memory_space<vmem>>
        %dma_wait3A_193 = arith.constant 0 : i32
        %dma_wait3A_194 = arith.constant 0 : i32
        %dma_wait3A_195 = tpu.memref_slice %arg4[%dma_wait3A_193, %dma_wait3A_194] : memref<64x1000000xf32, #tpu.memory_space<hbm>> -> memref<64x128xf32, #tpu.memory_space<hbm>>
        %dma_wait3A_196 = arith.constant 0 : i32
        %dma_wait3A_197 = arith.constant 0 : i32
        %dma_wait3A_198 = tpu.memref_slice %arg11[%dma_wait3A, %dma_wait3A_196, %dma_wait3A_197] : memref<4x64x128xf32, #tpu.memory_space<vmem>> -> memref<1x64x128xf32, #tpu.memory_space<vmem>>
        %dma_wait3A_199 = tpu.memref_squeeze %dma_wait3A_198 : memref<1x64x128xf32, #tpu.memory_space<vmem>> -> memref<64x128xf32, #tpu.memory_space<vmem>>
        %dma_wait3A_200 = arith.constant 0 : i32
        %dma_wait3A_201 = arith.constant 0 : i32
        %dma_wait3A_202 = tpu.memref_slice %arg4[%dma_wait3A_200, %dma_wait3A_201] : memref<64x1000000xf32, #tpu.memory_space<hbm>> -> memref<64x128xf32, #tpu.memory_space<hbm>>
        tpu.wait_dma2 semaphore(%arg17 : memref<!tpu.dma_semaphore, #tpu.memory_space<semaphore_mem>>) src(%dma_wait3A_202 : memref<64x128xf32, #tpu.memory_space<hbm>>) dst(%dma_wait3A_199 : memref<64x128xf32, #tpu.memory_space<vmem>>)
      } else {
      }
      %add3A_168 = arith.constant 2 : i32
      %add3A_169 = arith.addi %add3A_103, %add3A_168 : i32
      %lt3A_170 = arith.cmpi slt, %add3A_169, %sub3A_12 : i32
      %convert_element_type3A_171 = arith.extui %lt3A_170 : i1 to i32
      %shift_right_logical3A_172 = arith.constant 1 : i32
      %shift_right_logical3A_173 = arith.shrui %add3A_169, %shift_right_logical3A_172 : i32
      %mul3A_174 = arith.muli %shift_right_logical3A_173, %convert_element_type3A_171 : i32
      %sub3A_175 = arith.constant 1 : i32
      %sub3A_176 = arith.subi %sub3A_175, %convert_element_type3A_171 : i32
      %sub3A_177 = arith.subi %mul3A_174, %sub3A_176 : i32
      %while3A_178 = arith.constant 0 : i32
      %while3A_179 = arith.subi %select_n3A, %while3A_178 : i32
      %while3A_180 = arith.addi %while3A_178, %while3A_179 : i32
      %while3A_181 = arith.constant 1 : i32
      %while3A_182 = arith.divsi %while3A_179, %while3A_181 : i32
      %while3A_183 = arith.muli %while3A_182, %while3A_181 : i32
      %while3A_184 = arith.addi %while3A_178, %while3A_183 : i32
      %while3A_185 = arith.constant 1 : i32
      %while3A_186 = scf.for %while3A_189 = %while3A_178 to %while3A_184 step %while3A_185 iter_args(%while3A_190 = %while3A_143) -> (vector<16xf32>)  : i32 {
        %mul3A_191 = arith.constant 16 : i32
        %mul3A_192 = arith.muli %while3A_189, %mul3A_191 : i32
        %get3A = arith.index_cast %mul3A_192 : i32 to index
        %get3A_193 = tpu.vector_load %arg8[%get3A] {strides = array<i32>} : memref<784xi32, #tpu.memory_space<vmem>>, vector<16xi32>,
        %shift_right_logical3A_194 = arith.constant 7 : i32
        %shift_right_logical3A_195 = vector.broadcast %shift_right_logical3A_194 : i32 to vector<16xi32>
        %shift_right_logical3A_196 = arith.shrui %get3A_193, %shift_right_logical3A_195 : vector<16xi32>
        %shift_right_logical3A_197 = arith.constant 1 : i32
        %shift_right_logical3A_198 = vector.broadcast %shift_right_logical3A_197 : i32 to vector<16xi32>
        %shift_right_logical3A_199 = arith.shrui %shift_right_logical3A_196, %shift_right_logical3A_198 : vector<16xi32>
        %eq3A_200 = vector.broadcast %sub3A_177 : i32 to vector<16xi32>
        %eq3A_201 = arith.cmpi eq, %shift_right_logical3A_199, %eq3A_200 : vector<16xi32>
        %lt3A_202 = vector.broadcast %sub3A_12 : i32 to vector<16xi32>
        %lt3A_203 = arith.cmpi slt, %shift_right_logical3A_196, %lt3A_202 : vector<16xi32>
        %and3A_204 = arith.andi %eq3A_201, %lt3A_203 : vector<16xi1>
        %mul3A_205 = arith.constant 16 : i32
        %mul3A_206 = arith.muli %while3A_189, %mul3A_205 : i32
        %add3A_207 = vector.broadcast %mul3A_206 : i32 to vector<16xi32>
        %add3A_208 = arith.addi %add3A_207, %iota3A : vector<16xi32>
        %lt3A_209 = vector.broadcast %min3A_19 : i32 to vector<16xi32>
        %lt3A_210 = arith.cmpi slt, %add3A_208, %lt3A_209 : vector<16xi32>
        %and3A_211 = arith.andi %and3A_204, %lt3A_210 : vector<16xi1>
        %all_reduce_population_count3A = tpu.all_reduce %and3A_211 {dim = 0 : i64, kind = #tpu.reduction_kind<sum>} : vector<16xi1> -> vector<16xi32>
        %slice3A = vector.extract_strided_slice %all_reduce_population_count3A {offsets = [0], sizes = [1], strides = [1]} : vector<16xi32> to vector<1xi32>
        %squeeze3A = vector.extract %slice3A[0] : i32 from vector<1xi32>
        %gt3A_212 = arith.constant 0 : i32
        %gt3A_213 = arith.cmpi sgt, %squeeze3A, %gt3A_212 : i32
        %convert_element_type3A_214 = arith.extui %gt3A_213 : i1 to i32
        %cond3A_215 = arith.constant 0 : i32
        %cond3A_216 = arith.cmpi ne, %convert_element_type3A_214, %cond3A_215 : i32
        scf.if %cond3A_216 {
          %convert_element_type3A_228 = arith.extui %and3A_211 : vector<16xi1> to vector<16xi32>
          %broadcast_in_dim3A_229 = arith.constant true
          %broadcast_in_dim3A_230 = vector.broadcast %broadcast_in_dim3A_229 : i1 to vector<16xi1>
          %masked_cumsum3A = tpu.scan <sum>, %convert_element_type3A_228 masked %broadcast_in_dim3A_230 : vector<16xi32>, vector<16xi1> -> vector<16xi32>
          %sub3A_231 = arith.constant 1 : i32
          %sub3A_232 = vector.broadcast %sub3A_231 : i32 to vector<16xi32>
          %sub3A_233 = arith.subi %masked_cumsum3A, %sub3A_232 : vector<16xi32>
          %mul3A_234 = arith.constant 16 : i32
          %mul3A_235 = arith.muli %while3A_189, %mul3A_234 : i32
          %add3A_236 = vector.broadcast %mul3A_235 : i32 to vector<16xi32>
          %add3A_237 = arith.addi %add3A_236, %iota3A : vector<16xi32>
          tpu.vector_store_idx %arg13[%sub3A_233], %add3A_237 masked %and3A_211 : memref<16xi32, #tpu.memory_space<vmem>>[vector<16xi32>], vector<16xi32>, vector<16xi1>
        } else {
        }
        %while3A_217 = arith.constant 0 : i32
        %while3A_218 = arith.subi %squeeze3A, %while3A_217 : i32
        %while3A_219 = arith.addi %while3A_217, %while3A_218 : i32
        %while3A_220 = arith.constant 1 : i32
        %while3A_221 = arith.divsi %while3A_218, %while3A_220 : i32
        %while3A_222 = arith.muli %while3A_221, %while3A_220 : i32
        %while3A_223 = arith.addi %while3A_217, %while3A_222 : i32
        %while3A_224 = arith.constant 1 : i32
        %while3A_225 = scf.for %while3A_228 = %while3A_217 to %while3A_223 step %while3A_224 iter_args(%while3A_229 = %while3A_190) -> (vector<16xf32>)  : i32 {
          %broadcast_in_dim3A_230 = arith.constant 0 : i32
          %broadcast_in_dim3A_231 = vector.broadcast %broadcast_in_dim3A_230 : i32 to vector<16xi32>
          %add3A_232 = vector.broadcast %while3A_228 : i32 to vector<16xi32>
          %add3A_233 = arith.addi %broadcast_in_dim3A_231, %add3A_232 : vector<16xi32>
          %gather3A = tpu.vector_load_idx %arg13[%add3A_233] : memref<16xi32, #tpu.memory_space<vmem>>[vector<16xi32>], vector<16xi32>,
          %slice3A_234 = vector.extract_strided_slice %gather3A {offsets = [0], sizes = [1], strides = [1]} : vector<16xi32> to vector<1xi32>
          %squeeze3A_235 = vector.extract %slice3A_234[0] : i32 from vector<1xi32>
          %broadcast_in_dim3A_236 = arith.constant 0 : i32
          %broadcast_in_dim3A_237 = vector.broadcast %broadcast_in_dim3A_236 : i32 to vector<16xi32>
          %add3A_238 = vector.broadcast %squeeze3A_235 : i32 to vector<16xi32>
          %add3A_239 = arith.addi %broadcast_in_dim3A_237, %add3A_238 : vector<16xi32>
          %gather3A_240 = tpu.vector_load_idx %arg8[%add3A_239] : memref<784xi32, #tpu.memory_space<vmem>>[vector<16xi32>], vector<16xi32>,
          %slice3A_241 = vector.extract_strided_slice %gather3A_240 {offsets = [0], sizes = [1], strides = [1]} : vector<16xi32> to vector<1xi32>
          %squeeze3A_242 = vector.extract %slice3A_241[0] : i32 from vector<1xi32>
          %and3A_243 = arith.constant 127 : i32
          %and3A_244 = arith.andi %squeeze3A_242, %and3A_243 : i32
          %shift_right_logical3A_245 = arith.constant 7 : i32
          %shift_right_logical3A_246 = arith.shrui %squeeze3A_242, %shift_right_logical3A_245 : i32
          %and3A_247 = arith.constant 1 : i32
          %and3A_248 = arith.andi %shift_right_logical3A_246, %and3A_247 : i32
          %add3A_249 = arith.constant 2 : i32
          %add3A_250 = arith.addi %add3A_249, %and3A_248 : i32
          %broadcast_in_dim3A_251 = arith.constant 0 : i32
          %broadcast_in_dim3A_252 = vector.broadcast %broadcast_in_dim3A_251 : i32 to vector<16xi32>
          %add3A_253 = vector.broadcast %add3A_250 : i32 to vector<16xi32>
          %add3A_254 = arith.addi %broadcast_in_dim3A_252, %add3A_253 : vector<16xi32>
          %broadcast_in_dim3A_255 = arith.constant 0 : i32
          %broadcast_in_dim3A_256 = vector.broadcast %broadcast_in_dim3A_255 : i32 to vector<16xi32>
          %add3A_257 = vector.broadcast %squeeze3A_235 : i32 to vector<16xi32>
          %add3A_258 = arith.addi %broadcast_in_dim3A_256, %add3A_257 : vector<16xi32>
          %broadcast_in_dim3A_259 = arith.constant 0 : i32
          %broadcast_in_dim3A_260 = vector.broadcast %broadcast_in_dim3A_259 : i32 to vector<16xi32>
          %add3A_261 = vector.broadcast %and3A_244 : i32 to vector<16xi32>
          %add3A_262 = arith.addi %broadcast_in_dim3A_260, %add3A_261 : vector<16xi32>
          %add3A_263 = arith.constant 0 : i32
          %add3A_264 = vector.broadcast %add3A_263 : i32 to vector<16xi32>
          %add3A_265 = arith.addi %iota3A, %add3A_264 : vector<16xi32>
          %gather3A_266 = tpu.vector_load_idx %arg11[%add3A_254, %add3A_265, %add3A_262] : memref<4x64x128xf32, #tpu.memory_space<vmem>>[vector<16xi32>, vector<16xi32>, vector<16xi32>], vector<16xf32>,
          %gather3A_267 = tpu.vector_load_idx %arg10[%add3A_258, %add3A_265] : memref<656x64xf32, #tpu.memory_space<vmem>>[vector<16xi32>, vector<16xi32>], vector<16xf32>,
          %sub3A_268 = arith.subf %gather3A_267, %gather3A_266 : vector<16xf32>
          %mul3A_269 = arith.mulf %sub3A_268, %sub3A_268 : vector<16xf32>
          %add3A_270 = arith.addf %while3A_229, %mul3A_269 : vector<16xf32>
          %add3A_271 = arith.constant 16 : i32
          %add3A_272 = vector.broadcast %add3A_271 : i32 to vector<16xi32>
          %add3A_273 = arith.addi %iota3A, %add3A_272 : vector<16xi32>
          %gather3A_274 = tpu.vector_load_idx %arg11[%add3A_254, %add3A_273, %add3A_262] : memref<4x64x128xf32, #tpu.memory_space<vmem>>[vector<16xi32>, vector<16xi32>, vector<16xi32>], vector<16xf32>,
          %gather3A_275 = tpu.vector_load_idx %arg10[%add3A_258, %add3A_273] : memref<656x64xf32, #tpu.memory_space<vmem>>[vector<16xi32>, vector<16xi32>], vector<16xf32>,
          %sub3A_276 = arith.subf %gather3A_275, %gather3A_274 : vector<16xf32>
          %mul3A_277 = arith.mulf %sub3A_276, %sub3A_276 : vector<16xf32>
          %add3A_278 = arith.addf %add3A_270, %mul3A_277 : vector<16xf32>
          %add3A_279 = arith.constant 32 : i32
          %add3A_280 = vector.broadcast %add3A_279 : i32 to vector<16xi32>
          %add3A_281 = arith.addi %iota3A, %add3A_280 : vector<16xi32>
          %gather3A_282 = tpu.vector_load_idx %arg11[%add3A_254, %add3A_281, %add3A_262] : memref<4x64x128xf32, #tpu.memory_space<vmem>>[vector<16xi32>, vector<16xi32>, vector<16xi32>], vector<16xf32>,
          %gather3A_283 = tpu.vector_load_idx %arg10[%add3A_258, %add3A_281] : memref<656x64xf32, #tpu.memory_space<vmem>>[vector<16xi32>, vector<16xi32>], vector<16xf32>,
          %sub3A_284 = arith.subf %gather3A_283, %gather3A_282 : vector<16xf32>
          %mul3A_285 = arith.mulf %sub3A_284, %sub3A_284 : vector<16xf32>
          %add3A_286 = arith.addf %add3A_278, %mul3A_285 : vector<16xf32>
          %add3A_287 = arith.constant 48 : i32
          %add3A_288 = vector.broadcast %add3A_287 : i32 to vector<16xi32>
          %add3A_289 = arith.addi %iota3A, %add3A_288 : vector<16xi32>
          %gather3A_290 = tpu.vector_load_idx %arg11[%add3A_254, %add3A_289, %add3A_262] : memref<4x64x128xf32, #tpu.memory_space<vmem>>[vector<16xi32>, vector<16xi32>, vector<16xi32>], vector<16xf32>,
          %gather3A_291 = tpu.vector_load_idx %arg10[%add3A_258, %add3A_289] : memref<656x64xf32, #tpu.memory_space<vmem>>[vector<16xi32>, vector<16xi32>], vector<16xf32>,
          %sub3A_292 = arith.subf %gather3A_291, %gather3A_290 : vector<16xf32>
          %mul3A_293 = arith.mulf %sub3A_292, %sub3A_292 : vector<16xf32>
          %add3A_294 = arith.addf %add3A_286, %mul3A_293 : vector<16xf32>
          scf.yield %add3A_294 : vector<16xf32>
        }
        %while3A_226 = arith.constant 1 : i32
        %while3A_227 = scf.for %while3A_228 = %while3A_223 to %while3A_219 step %while3A_226 iter_args(%while3A_229 = %while3A_225) -> (vector<16xf32>)  : i32 {
          %broadcast_in_dim3A_230 = arith.constant 0 : i32
          %broadcast_in_dim3A_231 = vector.broadcast %broadcast_in_dim3A_230 : i32 to vector<16xi32>
          %add3A_232 = vector.broadcast %while3A_228 : i32 to vector<16xi32>
          %add3A_233 = arith.addi %broadcast_in_dim3A_231, %add3A_232 : vector<16xi32>
          %gather3A = tpu.vector_load_idx %arg13[%add3A_233] : memref<16xi32, #tpu.memory_space<vmem>>[vector<16xi32>], vector<16xi32>,
          %slice3A_234 = vector.extract_strided_slice %gather3A {offsets = [0], sizes = [1], strides = [1]} : vector<16xi32> to vector<1xi32>
          %squeeze3A_235 = vector.extract %slice3A_234[0] : i32 from vector<1xi32>
          %broadcast_in_dim3A_236 = arith.constant 0 : i32
          %broadcast_in_dim3A_237 = vector.broadcast %broadcast_in_dim3A_236 : i32 to vector<16xi32>
          %add3A_238 = vector.broadcast %squeeze3A_235 : i32 to vector<16xi32>
          %add3A_239 = arith.addi %broadcast_in_dim3A_237, %add3A_238 : vector<16xi32>
          %gather3A_240 = tpu.vector_load_idx %arg8[%add3A_239] : memref<784xi32, #tpu.memory_space<vmem>>[vector<16xi32>], vector<16xi32>,
          %slice3A_241 = vector.extract_strided_slice %gather3A_240 {offsets = [0], sizes = [1], strides = [1]} : vector<16xi32> to vector<1xi32>
          %squeeze3A_242 = vector.extract %slice3A_241[0] : i32 from vector<1xi32>
          %and3A_243 = arith.constant 127 : i32
          %and3A_244 = arith.andi %squeeze3A_242, %and3A_243 : i32
          %shift_right_logical3A_245 = arith.constant 7 : i32
          %shift_right_logical3A_246 = arith.shrui %squeeze3A_242, %shift_right_logical3A_245 : i32
          %and3A_247 = arith.constant 1 : i32
          %and3A_248 = arith.andi %shift_right_logical3A_246, %and3A_247 : i32
          %add3A_249 = arith.constant 2 : i32
          %add3A_250 = arith.addi %add3A_249, %and3A_248 : i32
          %broadcast_in_dim3A_251 = arith.constant 0 : i32
          %broadcast_in_dim3A_252 = vector.broadcast %broadcast_in_dim3A_251 : i32 to vector<16xi32>
          %add3A_253 = vector.broadcast %add3A_250 : i32 to vector<16xi32>
          %add3A_254 = arith.addi %broadcast_in_dim3A_252, %add3A_253 : vector<16xi32>
          %broadcast_in_dim3A_255 = arith.constant 0 : i32
          %broadcast_in_dim3A_256 = vector.broadcast %broadcast_in_dim3A_255 : i32 to vector<16xi32>
          %add3A_257 = vector.broadcast %squeeze3A_235 : i32 to vector<16xi32>
          %add3A_258 = arith.addi %broadcast_in_dim3A_256, %add3A_257 : vector<16xi32>
          %broadcast_in_dim3A_259 = arith.constant 0 : i32
          %broadcast_in_dim3A_260 = vector.broadcast %broadcast_in_dim3A_259 : i32 to vector<16xi32>
          %add3A_261 = vector.broadcast %and3A_244 : i32 to vector<16xi32>
          %add3A_262 = arith.addi %broadcast_in_dim3A_260, %add3A_261 : vector<16xi32>
          %add3A_263 = arith.constant 0 : i32
          %add3A_264 = vector.broadcast %add3A_263 : i32 to vector<16xi32>
          %add3A_265 = arith.addi %iota3A, %add3A_264 : vector<16xi32>
          %gather3A_266 = tpu.vector_load_idx %arg11[%add3A_254, %add3A_265, %add3A_262] : memref<4x64x128xf32, #tpu.memory_space<vmem>>[vector<16xi32>, vector<16xi32>, vector<16xi32>], vector<16xf32>,
          %gather3A_267 = tpu.vector_load_idx %arg10[%add3A_258, %add3A_265] : memref<656x64xf32, #tpu.memory_space<vmem>>[vector<16xi32>, vector<16xi32>], vector<16xf32>,
          %sub3A_268 = arith.subf %gather3A_267, %gather3A_266 : vector<16xf32>
          %mul3A_269 = arith.mulf %sub3A_268, %sub3A_268 : vector<16xf32>
          %add3A_270 = arith.addf %while3A_229, %mul3A_269 : vector<16xf32>
          %add3A_271 = arith.constant 16 : i32
          %add3A_272 = vector.broadcast %add3A_271 : i32 to vector<16xi32>
          %add3A_273 = arith.addi %iota3A, %add3A_272 : vector<16xi32>
          %gather3A_274 = tpu.vector_load_idx %arg11[%add3A_254, %add3A_273, %add3A_262] : memref<4x64x128xf32, #tpu.memory_space<vmem>>[vector<16xi32>, vector<16xi32>, vector<16xi32>], vector<16xf32>,
          %gather3A_275 = tpu.vector_load_idx %arg10[%add3A_258, %add3A_273] : memref<656x64xf32, #tpu.memory_space<vmem>>[vector<16xi32>, vector<16xi32>], vector<16xf32>,
          %sub3A_276 = arith.subf %gather3A_275, %gather3A_274 : vector<16xf32>
          %mul3A_277 = arith.mulf %sub3A_276, %sub3A_276 : vector<16xf32>
          %add3A_278 = arith.addf %add3A_270, %mul3A_277 : vector<16xf32>
          %add3A_279 = arith.constant 32 : i32
          %add3A_280 = vector.broadcast %add3A_279 : i32 to vector<16xi32>
          %add3A_281 = arith.addi %iota3A, %add3A_280 : vector<16xi32>
          %gather3A_282 = tpu.vector_load_idx %arg11[%add3A_254, %add3A_281, %add3A_262] : memref<4x64x128xf32, #tpu.memory_space<vmem>>[vector<16xi32>, vector<16xi32>, vector<16xi32>], vector<16xf32>,
          %gather3A_283 = tpu.vector_load_idx %arg10[%add3A_258, %add3A_281] : memref<656x64xf32, #tpu.memory_space<vmem>>[vector<16xi32>, vector<16xi32>], vector<16xf32>,
          %sub3A_284 = arith.subf %gather3A_283, %gather3A_282 : vector<16xf32>
          %mul3A_285 = arith.mulf %sub3A_284, %sub3A_284 : vector<16xf32>
          %add3A_286 = arith.addf %add3A_278, %mul3A_285 : vector<16xf32>
          %add3A_287 = arith.constant 48 : i32
          %add3A_288 = vector.broadcast %add3A_287 : i32 to vector<16xi32>
          %add3A_289 = arith.addi %iota3A, %add3A_288 : vector<16xi32>
          %gather3A_290 = tpu.vector_load_idx %arg11[%add3A_254, %add3A_289, %add3A_262] : memref<4x64x128xf32, #tpu.memory_space<vmem>>[vector<16xi32>, vector<16xi32>, vector<16xi32>], vector<16xf32>,
          %gather3A_291 = tpu.vector_load_idx %arg10[%add3A_258, %add3A_289] : memref<656x64xf32, #tpu.memory_space<vmem>>[vector<16xi32>, vector<16xi32>], vector<16xf32>,
          %sub3A_292 = arith.subf %gather3A_291, %gather3A_290 : vector<16xf32>
          %mul3A_293 = arith.mulf %sub3A_292, %sub3A_292 : vector<16xf32>
          %add3A_294 = arith.addf %add3A_286, %mul3A_293 : vector<16xf32>
          scf.yield %add3A_294 : vector<16xf32>
        }
        scf.yield %while3A_227 : vector<16xf32>
      }
      %while3A_187 = arith.constant 1 : i32
      %while3A_188 = scf.for %while3A_189 = %while3A_184 to %while3A_180 step %while3A_187 iter_args(%while3A_190 = %while3A_186) -> (vector<16xf32>)  : i32 {
        %mul3A_191 = arith.constant 16 : i32
        %mul3A_192 = arith.muli %while3A_189, %mul3A_191 : i32
        %get3A = arith.index_cast %mul3A_192 : i32 to index
        %get3A_193 = tpu.vector_load %arg8[%get3A] {strides = array<i32>} : memref<784xi32, #tpu.memory_space<vmem>>, vector<16xi32>,
        %shift_right_logical3A_194 = arith.constant 7 : i32
        %shift_right_logical3A_195 = vector.broadcast %shift_right_logical3A_194 : i32 to vector<16xi32>
        %shift_right_logical3A_196 = arith.shrui %get3A_193, %shift_right_logical3A_195 : vector<16xi32>
        %shift_right_logical3A_197 = arith.constant 1 : i32
        %shift_right_logical3A_198 = vector.broadcast %shift_right_logical3A_197 : i32 to vector<16xi32>
        %shift_right_logical3A_199 = arith.shrui %shift_right_logical3A_196, %shift_right_logical3A_198 : vector<16xi32>
        %eq3A_200 = vector.broadcast %sub3A_177 : i32 to vector<16xi32>
        %eq3A_201 = arith.cmpi eq, %shift_right_logical3A_199, %eq3A_200 : vector<16xi32>
        %lt3A_202 = vector.broadcast %sub3A_12 : i32 to vector<16xi32>
        %lt3A_203 = arith.cmpi slt, %shift_right_logical3A_196, %lt3A_202 : vector<16xi32>
        %and3A_204 = arith.andi %eq3A_201, %lt3A_203 : vector<16xi1>
        %mul3A_205 = arith.constant 16 : i32
        %mul3A_206 = arith.muli %while3A_189, %mul3A_205 : i32
        %add3A_207 = vector.broadcast %mul3A_206 : i32 to vector<16xi32>
        %add3A_208 = arith.addi %add3A_207, %iota3A : vector<16xi32>
        %lt3A_209 = vector.broadcast %min3A_19 : i32 to vector<16xi32>
        %lt3A_210 = arith.cmpi slt, %add3A_208, %lt3A_209 : vector<16xi32>
        %and3A_211 = arith.andi %and3A_204, %lt3A_210 : vector<16xi1>
        %all_reduce_population_count3A = tpu.all_reduce %and3A_211 {dim = 0 : i64, kind = #tpu.reduction_kind<sum>} : vector<16xi1> -> vector<16xi32>
        %slice3A = vector.extract_strided_slice %all_reduce_population_count3A {offsets = [0], sizes = [1], strides = [1]} : vector<16xi32> to vector<1xi32>
        %squeeze3A = vector.extract %slice3A[0] : i32 from vector<1xi32>
        %gt3A_212 = arith.constant 0 : i32
        %gt3A_213 = arith.cmpi sgt, %squeeze3A, %gt3A_212 : i32
        %convert_element_type3A_214 = arith.extui %gt3A_213 : i1 to i32
        %cond3A_215 = arith.constant 0 : i32
        %cond3A_216 = arith.cmpi ne, %convert_element_type3A_214, %cond3A_215 : i32
        scf.if %cond3A_216 {
          %convert_element_type3A_228 = arith.extui %and3A_211 : vector<16xi1> to vector<16xi32>
          %broadcast_in_dim3A_229 = arith.constant true
          %broadcast_in_dim3A_230 = vector.broadcast %broadcast_in_dim3A_229 : i1 to vector<16xi1>
          %masked_cumsum3A = tpu.scan <sum>, %convert_element_type3A_228 masked %broadcast_in_dim3A_230 : vector<16xi32>, vector<16xi1> -> vector<16xi32>
          %sub3A_231 = arith.constant 1 : i32
          %sub3A_232 = vector.broadcast %sub3A_231 : i32 to vector<16xi32>
          %sub3A_233 = arith.subi %masked_cumsum3A, %sub3A_232 : vector<16xi32>
          %mul3A_234 = arith.constant 16 : i32
          %mul3A_235 = arith.muli %while3A_189, %mul3A_234 : i32
          %add3A_236 = vector.broadcast %mul3A_235 : i32 to vector<16xi32>
          %add3A_237 = arith.addi %add3A_236, %iota3A : vector<16xi32>
          tpu.vector_store_idx %arg13[%sub3A_233], %add3A_237 masked %and3A_211 : memref<16xi32, #tpu.memory_space<vmem>>[vector<16xi32>], vector<16xi32>, vector<16xi1>
        } else {
        }
        %while3A_217 = arith.constant 0 : i32
        %while3A_218 = arith.subi %squeeze3A, %while3A_217 : i32
        %while3A_219 = arith.addi %while3A_217, %while3A_218 : i32
        %while3A_220 = arith.constant 1 : i32
        %while3A_221 = arith.divsi %while3A_218, %while3A_220 : i32
        %while3A_222 = arith.muli %while3A_221, %while3A_220 : i32
        %while3A_223 = arith.addi %while3A_217, %while3A_222 : i32
        %while3A_224 = arith.constant 1 : i32
        %while3A_225 = scf.for %while3A_228 = %while3A_217 to %while3A_223 step %while3A_224 iter_args(%while3A_229 = %while3A_190) -> (vector<16xf32>)  : i32 {
          %broadcast_in_dim3A_230 = arith.constant 0 : i32
          %broadcast_in_dim3A_231 = vector.broadcast %broadcast_in_dim3A_230 : i32 to vector<16xi32>
          %add3A_232 = vector.broadcast %while3A_228 : i32 to vector<16xi32>
          %add3A_233 = arith.addi %broadcast_in_dim3A_231, %add3A_232 : vector<16xi32>
          %gather3A = tpu.vector_load_idx %arg13[%add3A_233] : memref<16xi32, #tpu.memory_space<vmem>>[vector<16xi32>], vector<16xi32>,
          %slice3A_234 = vector.extract_strided_slice %gather3A {offsets = [0], sizes = [1], strides = [1]} : vector<16xi32> to vector<1xi32>
          %squeeze3A_235 = vector.extract %slice3A_234[0] : i32 from vector<1xi32>
          %broadcast_in_dim3A_236 = arith.constant 0 : i32
          %broadcast_in_dim3A_237 = vector.broadcast %broadcast_in_dim3A_236 : i32 to vector<16xi32>
          %add3A_238 = vector.broadcast %squeeze3A_235 : i32 to vector<16xi32>
          %add3A_239 = arith.addi %broadcast_in_dim3A_237, %add3A_238 : vector<16xi32>
          %gather3A_240 = tpu.vector_load_idx %arg8[%add3A_239] : memref<784xi32, #tpu.memory_space<vmem>>[vector<16xi32>], vector<16xi32>,
          %slice3A_241 = vector.extract_strided_slice %gather3A_240 {offsets = [0], sizes = [1], strides = [1]} : vector<16xi32> to vector<1xi32>
          %squeeze3A_242 = vector.extract %slice3A_241[0] : i32 from vector<1xi32>
          %and3A_243 = arith.constant 127 : i32
          %and3A_244 = arith.andi %squeeze3A_242, %and3A_243 : i32
          %shift_right_logical3A_245 = arith.constant 7 : i32
          %shift_right_logical3A_246 = arith.shrui %squeeze3A_242, %shift_right_logical3A_245 : i32
          %and3A_247 = arith.constant 1 : i32
          %and3A_248 = arith.andi %shift_right_logical3A_246, %and3A_247 : i32
          %add3A_249 = arith.constant 2 : i32
          %add3A_250 = arith.addi %add3A_249, %and3A_248 : i32
          %broadcast_in_dim3A_251 = arith.constant 0 : i32
          %broadcast_in_dim3A_252 = vector.broadcast %broadcast_in_dim3A_251 : i32 to vector<16xi32>
          %add3A_253 = vector.broadcast %add3A_250 : i32 to vector<16xi32>
          %add3A_254 = arith.addi %broadcast_in_dim3A_252, %add3A_253 : vector<16xi32>
          %broadcast_in_dim3A_255 = arith.constant 0 : i32
          %broadcast_in_dim3A_256 = vector.broadcast %broadcast_in_dim3A_255 : i32 to vector<16xi32>
          %add3A_257 = vector.broadcast %squeeze3A_235 : i32 to vector<16xi32>
          %add3A_258 = arith.addi %broadcast_in_dim3A_256, %add3A_257 : vector<16xi32>
          %broadcast_in_dim3A_259 = arith.constant 0 : i32
          %broadcast_in_dim3A_260 = vector.broadcast %broadcast_in_dim3A_259 : i32 to vector<16xi32>
          %add3A_261 = vector.broadcast %and3A_244 : i32 to vector<16xi32>
          %add3A_262 = arith.addi %broadcast_in_dim3A_260, %add3A_261 : vector<16xi32>
          %add3A_263 = arith.constant 0 : i32
          %add3A_264 = vector.broadcast %add3A_263 : i32 to vector<16xi32>
          %add3A_265 = arith.addi %iota3A, %add3A_264 : vector<16xi32>
          %gather3A_266 = tpu.vector_load_idx %arg11[%add3A_254, %add3A_265, %add3A_262] : memref<4x64x128xf32, #tpu.memory_space<vmem>>[vector<16xi32>, vector<16xi32>, vector<16xi32>], vector<16xf32>,
          %gather3A_267 = tpu.vector_load_idx %arg10[%add3A_258, %add3A_265] : memref<656x64xf32, #tpu.memory_space<vmem>>[vector<16xi32>, vector<16xi32>], vector<16xf32>,
          %sub3A_268 = arith.subf %gather3A_267, %gather3A_266 : vector<16xf32>
          %mul3A_269 = arith.mulf %sub3A_268, %sub3A_268 : vector<16xf32>
          %add3A_270 = arith.addf %while3A_229, %mul3A_269 : vector<16xf32>
          %add3A_271 = arith.constant 16 : i32
          %add3A_272 = vector.broadcast %add3A_271 : i32 to vector<16xi32>
          %add3A_273 = arith.addi %iota3A, %add3A_272 : vector<16xi32>
          %gather3A_274 = tpu.vector_load_idx %arg11[%add3A_254, %add3A_273, %add3A_262] : memref<4x64x128xf32, #tpu.memory_space<vmem>>[vector<16xi32>, vector<16xi32>, vector<16xi32>], vector<16xf32>,
          %gather3A_275 = tpu.vector_load_idx %arg10[%add3A_258, %add3A_273] : memref<656x64xf32, #tpu.memory_space<vmem>>[vector<16xi32>, vector<16xi32>], vector<16xf32>,
          %sub3A_276 = arith.subf %gather3A_275, %gather3A_274 : vector<16xf32>
          %mul3A_277 = arith.mulf %sub3A_276, %sub3A_276 : vector<16xf32>
          %add3A_278 = arith.addf %add3A_270, %mul3A_277 : vector<16xf32>
          %add3A_279 = arith.constant 32 : i32
          %add3A_280 = vector.broadcast %add3A_279 : i32 to vector<16xi32>
          %add3A_281 = arith.addi %iota3A, %add3A_280 : vector<16xi32>
          %gather3A_282 = tpu.vector_load_idx %arg11[%add3A_254, %add3A_281, %add3A_262] : memref<4x64x128xf32, #tpu.memory_space<vmem>>[vector<16xi32>, vector<16xi32>, vector<16xi32>], vector<16xf32>,
          %gather3A_283 = tpu.vector_load_idx %arg10[%add3A_258, %add3A_281] : memref<656x64xf32, #tpu.memory_space<vmem>>[vector<16xi32>, vector<16xi32>], vector<16xf32>,
          %sub3A_284 = arith.subf %gather3A_283, %gather3A_282 : vector<16xf32>
          %mul3A_285 = arith.mulf %sub3A_284, %sub3A_284 : vector<16xf32>
          %add3A_286 = arith.addf %add3A_278, %mul3A_285 : vector<16xf32>
          %add3A_287 = arith.constant 48 : i32
          %add3A_288 = vector.broadcast %add3A_287 : i32 to vector<16xi32>
          %add3A_289 = arith.addi %iota3A, %add3A_288 : vector<16xi32>
          %gather3A_290 = tpu.vector_load_idx %arg11[%add3A_254, %add3A_289, %add3A_262] : memref<4x64x128xf32, #tpu.memory_space<vmem>>[vector<16xi32>, vector<16xi32>, vector<16xi32>], vector<16xf32>,
          %gather3A_291 = tpu.vector_load_idx %arg10[%add3A_258, %add3A_289] : memref<656x64xf32, #tpu.memory_space<vmem>>[vector<16xi32>, vector<16xi32>], vector<16xf32>,
          %sub3A_292 = arith.subf %gather3A_291, %gather3A_290 : vector<16xf32>
          %mul3A_293 = arith.mulf %sub3A_292, %sub3A_292 : vector<16xf32>
          %add3A_294 = arith.addf %add3A_286, %mul3A_293 : vector<16xf32>
          scf.yield %add3A_294 : vector<16xf32>
        }
        %while3A_226 = arith.constant 1 : i32
        %while3A_227 = scf.for %while3A_228 = %while3A_223 to %while3A_219 step %while3A_226 iter_args(%while3A_229 = %while3A_225) -> (vector<16xf32>)  : i32 {
          %broadcast_in_dim3A_230 = arith.constant 0 : i32
          %broadcast_in_dim3A_231 = vector.broadcast %broadcast_in_dim3A_230 : i32 to vector<16xi32>
          %add3A_232 = vector.broadcast %while3A_228 : i32 to vector<16xi32>
          %add3A_233 = arith.addi %broadcast_in_dim3A_231, %add3A_232 : vector<16xi32>
          %gather3A = tpu.vector_load_idx %arg13[%add3A_233] : memref<16xi32, #tpu.memory_space<vmem>>[vector<16xi32>], vector<16xi32>,
          %slice3A_234 = vector.extract_strided_slice %gather3A {offsets = [0], sizes = [1], strides = [1]} : vector<16xi32> to vector<1xi32>
          %squeeze3A_235 = vector.extract %slice3A_234[0] : i32 from vector<1xi32>
          %broadcast_in_dim3A_236 = arith.constant 0 : i32
          %broadcast_in_dim3A_237 = vector.broadcast %broadcast_in_dim3A_236 : i32 to vector<16xi32>
          %add3A_238 = vector.broadcast %squeeze3A_235 : i32 to vector<16xi32>
          %add3A_239 = arith.addi %broadcast_in_dim3A_237, %add3A_238 : vector<16xi32>
          %gather3A_240 = tpu.vector_load_idx %arg8[%add3A_239] : memref<784xi32, #tpu.memory_space<vmem>>[vector<16xi32>], vector<16xi32>,
          %slice3A_241 = vector.extract_strided_slice %gather3A_240 {offsets = [0], sizes = [1], strides = [1]} : vector<16xi32> to vector<1xi32>
          %squeeze3A_242 = vector.extract %slice3A_241[0] : i32 from vector<1xi32>
          %and3A_243 = arith.constant 127 : i32
          %and3A_244 = arith.andi %squeeze3A_242, %and3A_243 : i32
          %shift_right_logical3A_245 = arith.constant 7 : i32
          %shift_right_logical3A_246 = arith.shrui %squeeze3A_242, %shift_right_logical3A_245 : i32
          %and3A_247 = arith.constant 1 : i32
          %and3A_248 = arith.andi %shift_right_logical3A_246, %and3A_247 : i32
          %add3A_249 = arith.constant 2 : i32
          %add3A_250 = arith.addi %add3A_249, %and3A_248 : i32
          %broadcast_in_dim3A_251 = arith.constant 0 : i32
          %broadcast_in_dim3A_252 = vector.broadcast %broadcast_in_dim3A_251 : i32 to vector<16xi32>
          %add3A_253 = vector.broadcast %add3A_250 : i32 to vector<16xi32>
          %add3A_254 = arith.addi %broadcast_in_dim3A_252, %add3A_253 : vector<16xi32>
          %broadcast_in_dim3A_255 = arith.constant 0 : i32
          %broadcast_in_dim3A_256 = vector.broadcast %broadcast_in_dim3A_255 : i32 to vector<16xi32>
          %add3A_257 = vector.broadcast %squeeze3A_235 : i32 to vector<16xi32>
          %add3A_258 = arith.addi %broadcast_in_dim3A_256, %add3A_257 : vector<16xi32>
          %broadcast_in_dim3A_259 = arith.constant 0 : i32
          %broadcast_in_dim3A_260 = vector.broadcast %broadcast_in_dim3A_259 : i32 to vector<16xi32>
          %add3A_261 = vector.broadcast %and3A_244 : i32 to vector<16xi32>
          %add3A_262 = arith.addi %broadcast_in_dim3A_260, %add3A_261 : vector<16xi32>
          %add3A_263 = arith.constant 0 : i32
          %add3A_264 = vector.broadcast %add3A_263 : i32 to vector<16xi32>
          %add3A_265 = arith.addi %iota3A, %add3A_264 : vector<16xi32>
          %gather3A_266 = tpu.vector_load_idx %arg11[%add3A_254, %add3A_265, %add3A_262] : memref<4x64x128xf32, #tpu.memory_space<vmem>>[vector<16xi32>, vector<16xi32>, vector<16xi32>], vector<16xf32>,
          %gather3A_267 = tpu.vector_load_idx %arg10[%add3A_258, %add3A_265] : memref<656x64xf32, #tpu.memory_space<vmem>>[vector<16xi32>, vector<16xi32>], vector<16xf32>,
          %sub3A_268 = arith.subf %gather3A_267, %gather3A_266 : vector<16xf32>
          %mul3A_269 = arith.mulf %sub3A_268, %sub3A_268 : vector<16xf32>
          %add3A_270 = arith.addf %while3A_229, %mul3A_269 : vector<16xf32>
          %add3A_271 = arith.constant 16 : i32
          %add3A_272 = vector.broadcast %add3A_271 : i32 to vector<16xi32>
          %add3A_273 = arith.addi %iota3A, %add3A_272 : vector<16xi32>
          %gather3A_274 = tpu.vector_load_idx %arg11[%add3A_254, %add3A_273, %add3A_262] : memref<4x64x128xf32, #tpu.memory_space<vmem>>[vector<16xi32>, vector<16xi32>, vector<16xi32>], vector<16xf32>,
          %gather3A_275 = tpu.vector_load_idx %arg10[%add3A_258, %add3A_273] : memref<656x64xf32, #tpu.memory_space<vmem>>[vector<16xi32>, vector<16xi32>], vector<16xf32>,
          %sub3A_276 = arith.subf %gather3A_275, %gather3A_274 : vector<16xf32>
          %mul3A_277 = arith.mulf %sub3A_276, %sub3A_276 : vector<16xf32>
          %add3A_278 = arith.addf %add3A_270, %mul3A_277 : vector<16xf32>
          %add3A_279 = arith.constant 32 : i32
          %add3A_280 = vector.broadcast %add3A_279 : i32 to vector<16xi32>
          %add3A_281 = arith.addi %iota3A, %add3A_280 : vector<16xi32>
          %gather3A_282 = tpu.vector_load_idx %arg11[%add3A_254, %add3A_281, %add3A_262] : memref<4x64x128xf32, #tpu.memory_space<vmem>>[vector<16xi32>, vector<16xi32>, vector<16xi32>], vector<16xf32>,
          %gather3A_283 = tpu.vector_load_idx %arg10[%add3A_258, %add3A_281] : memref<656x64xf32, #tpu.memory_space<vmem>>[vector<16xi32>, vector<16xi32>], vector<16xf32>,
          %sub3A_284 = arith.subf %gather3A_283, %gather3A_282 : vector<16xf32>
          %mul3A_285 = arith.mulf %sub3A_284, %sub3A_284 : vector<16xf32>
          %add3A_286 = arith.addf %add3A_278, %mul3A_285 : vector<16xf32>
          %add3A_287 = arith.constant 48 : i32
          %add3A_288 = vector.broadcast %add3A_287 : i32 to vector<16xi32>
          %add3A_289 = arith.addi %iota3A, %add3A_288 : vector<16xi32>
          %gather3A_290 = tpu.vector_load_idx %arg11[%add3A_254, %add3A_289, %add3A_262] : memref<4x64x128xf32, #tpu.memory_space<vmem>>[vector<16xi32>, vector<16xi32>, vector<16xi32>], vector<16xf32>,
          %gather3A_291 = tpu.vector_load_idx %arg10[%add3A_258, %add3A_289] : memref<656x64xf32, #tpu.memory_space<vmem>>[vector<16xi32>, vector<16xi32>], vector<16xf32>,
          %sub3A_292 = arith.subf %gather3A_291, %gather3A_290 : vector<16xf32>
          %mul3A_293 = arith.mulf %sub3A_292, %sub3A_292 : vector<16xf32>
          %add3A_294 = arith.addf %add3A_286, %mul3A_293 : vector<16xf32>
          scf.yield %add3A_294 : vector<16xf32>
        }
        scf.yield %while3A_227 : vector<16xf32>
      }
      scf.yield %while3A_188 : vector<16xf32>
    }
    %scan3A_74 = arith.constant 62 : i32
    %eq3A = arith.constant 31 : i32
    %eq3A_75 = arith.cmpi eq, %add3A, %eq3A : i32
    %convert_element_type3A_76 = arith.extui %eq3A_75 : i1 to i32
    %cond3A_77 = arith.constant 0 : i32
    %cond3A_78 = arith.cmpi ne, %convert_element_type3A_76, %cond3A_77 : i32
    scf.if %cond3A_78 {
      "tpu.region"() ({
        %run_scoped3A = tpu.sem_alloc : memref<!tpu.dma_semaphore, #tpu.memory_space<semaphore_mem>>
        tpu.enqueue_dma source(%arg5 : memref<64x64xf32, #tpu.memory_space<hbm>>) target(%arg12 : memref<64x64xf32, #tpu.memory_space<vmem>>) target_semaphore(%run_scoped3A : memref<!tpu.dma_semaphore, #tpu.memory_space<semaphore_mem>>)
        tpu.wait_dma2 semaphore(%run_scoped3A : memref<!tpu.dma_semaphore, #tpu.memory_space<semaphore_mem>>) src(%arg5 : memref<64x64xf32, #tpu.memory_space<hbm>>) dst(%arg12 : memref<64x64xf32, #tpu.memory_space<vmem>>)
        tpu.yield
      }) : () -> ()
    } else {
    }
    %eq3A_79 = arith.constant 31 : i32
    %eq3A_80 = arith.cmpi eq, %add3A, %eq3A_79 : i32
    %convert_element_type3A_81 = arith.extui %eq3A_80 : i1 to i32
    %mul3A_82 = arith.constant 7812 : i32
    %mul3A_83 = arith.muli %mul3A_82, %convert_element_type3A_81 : i32
    %sub3A_84 = arith.constant 1 : i32
    %sub3A_85 = arith.subi %sub3A_84, %convert_element_type3A_81 : i32
    %sub3A_86 = arith.subi %mul3A_83, %sub3A_85 : i32
    %while3A_87 = arith.constant 0 : i32
    %while3A_88 = arith.subi %select_n3A, %while3A_87 : i32
    %while3A_89 = arith.addi %while3A_87, %while3A_88 : i32
    %while3A_90 = arith.constant 1 : i32
    %while3A_91 = arith.divsi %while3A_88, %while3A_90 : i32
    %while3A_92 = arith.muli %while3A_91, %while3A_90 : i32
    %while3A_93 = arith.addi %while3A_87, %while3A_92 : i32
    %while3A_94 = arith.constant 1 : i32
    %while3A_95 = scf.for %while3A_99 = %while3A_87 to %while3A_93 step %while3A_94 iter_args(%while3A_100 = %scan3A_73) -> (vector<16xf32>)  : i32 {
      %mul3A_101 = arith.constant 16 : i32
      %mul3A_102 = arith.muli %while3A_99, %mul3A_101 : i32
      %get3A = arith.index_cast %mul3A_102 : i32 to index
      %get3A_103 = tpu.vector_load %arg8[%get3A] {strides = array<i32>} : memref<784xi32, #tpu.memory_space<vmem>>, vector<16xi32>,
      %shift_right_logical3A = arith.constant 7 : i32
      %shift_right_logical3A_104 = vector.broadcast %shift_right_logical3A : i32 to vector<16xi32>
      %shift_right_logical3A_105 = arith.shrui %get3A_103, %shift_right_logical3A_104 : vector<16xi32>
      %eq3A_106 = vector.broadcast %sub3A_86 : i32 to vector<16xi32>
      %eq3A_107 = arith.cmpi eq, %shift_right_logical3A_105, %eq3A_106 : vector<16xi32>
      %mul3A_108 = arith.constant 16 : i32
      %mul3A_109 = arith.muli %while3A_99, %mul3A_108 : i32
      %add3A_110 = vector.broadcast %mul3A_109 : i32 to vector<16xi32>
      %add3A_111 = arith.addi %add3A_110, %iota3A : vector<16xi32>
      %lt3A_112 = vector.broadcast %min3A_19 : i32 to vector<16xi32>
      %lt3A_113 = arith.cmpi slt, %add3A_111, %lt3A_112 : vector<16xi32>
      %and3A_114 = arith.andi %eq3A_107, %lt3A_113 : vector<16xi1>
      %convert_element_type3A_115 = arith.extui %and3A_114 : vector<16xi1> to vector<16xi32>
      %broadcast_in_dim3A_116 = arith.constant true
      %broadcast_in_dim3A_117 = vector.broadcast %broadcast_in_dim3A_116 : i1 to vector<16xi1>
      %masked_cumsum3A = tpu.scan <sum>, %convert_element_type3A_115 masked %broadcast_in_dim3A_117 : vector<16xi32>, vector<16xi1> -> vector<16xi32>
      %sub3A_118 = arith.constant 1 : i32
      %sub3A_119 = vector.broadcast %sub3A_118 : i32 to vector<16xi32>
      %sub3A_120 = arith.subi %masked_cumsum3A, %sub3A_119 : vector<16xi32>
      %mul3A_121 = arith.constant 16 : i32
      %mul3A_122 = arith.muli %while3A_99, %mul3A_121 : i32
      %add3A_123 = vector.broadcast %mul3A_122 : i32 to vector<16xi32>
      %add3A_124 = arith.addi %add3A_123, %iota3A : vector<16xi32>
      tpu.vector_store_idx %arg13[%sub3A_120], %add3A_124 masked %and3A_114 : memref<16xi32, #tpu.memory_space<vmem>>[vector<16xi32>], vector<16xi32>, vector<16xi1>
      %all_reduce_population_count3A = tpu.all_reduce %and3A_114 {dim = 0 : i64, kind = #tpu.reduction_kind<sum>} : vector<16xi1> -> vector<16xi32>
      %slice3A = vector.extract_strided_slice %all_reduce_population_count3A {offsets = [0], sizes = [1], strides = [1]} : vector<16xi32> to vector<1xi32>
      %squeeze3A = vector.extract %slice3A[0] : i32 from vector<1xi32>
      %while3A_125 = arith.constant 0 : i32
      %while3A_126 = arith.subi %squeeze3A, %while3A_125 : i32
      %while3A_127 = arith.addi %while3A_125, %while3A_126 : i32
      %while3A_128 = arith.constant 1 : i32
      %while3A_129 = arith.divsi %while3A_126, %while3A_128 : i32
      %while3A_130 = arith.muli %while3A_129, %while3A_128 : i32
      %while3A_131 = arith.addi %while3A_125, %while3A_130 : i32
      %while3A_132 = arith.constant 1 : i32
      %while3A_133 = scf.for %while3A_136 = %while3A_125 to %while3A_131 step %while3A_132 iter_args(%while3A_137 = %while3A_100) -> (vector<16xf32>)  : i32 {
        %broadcast_in_dim3A_138 = arith.constant 0 : i32
        %broadcast_in_dim3A_139 = vector.broadcast %broadcast_in_dim3A_138 : i32 to vector<16xi32>
        %add3A_140 = vector.broadcast %while3A_136 : i32 to vector<16xi32>
        %add3A_141 = arith.addi %broadcast_in_dim3A_139, %add3A_140 : vector<16xi32>
        %gather3A = tpu.vector_load_idx %arg13[%add3A_141] : memref<16xi32, #tpu.memory_space<vmem>>[vector<16xi32>], vector<16xi32>,
        %slice3A_142 = vector.extract_strided_slice %gather3A {offsets = [0], sizes = [1], strides = [1]} : vector<16xi32> to vector<1xi32>
        %squeeze3A_143 = vector.extract %slice3A_142[0] : i32 from vector<1xi32>
        %broadcast_in_dim3A_144 = arith.constant 0 : i32
        %broadcast_in_dim3A_145 = vector.broadcast %broadcast_in_dim3A_144 : i32 to vector<16xi32>
        %add3A_146 = vector.broadcast %squeeze3A_143 : i32 to vector<16xi32>
        %add3A_147 = arith.addi %broadcast_in_dim3A_145, %add3A_146 : vector<16xi32>
        %gather3A_148 = tpu.vector_load_idx %arg8[%add3A_147] : memref<784xi32, #tpu.memory_space<vmem>>[vector<16xi32>], vector<16xi32>,
        %slice3A_149 = vector.extract_strided_slice %gather3A_148 {offsets = [0], sizes = [1], strides = [1]} : vector<16xi32> to vector<1xi32>
        %squeeze3A_150 = vector.extract %slice3A_149[0] : i32 from vector<1xi32>
        %sub3A_151 = arith.constant 999936 : i32
        %sub3A_152 = arith.subi %squeeze3A_150, %sub3A_151 : i32
        %broadcast_in_dim3A_153 = arith.constant 0 : i32
        %broadcast_in_dim3A_154 = vector.broadcast %broadcast_in_dim3A_153 : i32 to vector<16xi32>
        %add3A_155 = vector.broadcast %squeeze3A_143 : i32 to vector<16xi32>
        %add3A_156 = arith.addi %broadcast_in_dim3A_154, %add3A_155 : vector<16xi32>
        %broadcast_in_dim3A_157 = arith.constant 0 : i32
        %broadcast_in_dim3A_158 = vector.broadcast %broadcast_in_dim3A_157 : i32 to vector<16xi32>
        %add3A_159 = vector.broadcast %sub3A_152 : i32 to vector<16xi32>
        %add3A_160 = arith.addi %broadcast_in_dim3A_158, %add3A_159 : vector<16xi32>
        %add3A_161 = arith.constant 0 : i32
        %add3A_162 = vector.broadcast %add3A_161 : i32 to vector<16xi32>
        %add3A_163 = arith.addi %iota3A, %add3A_162 : vector<16xi32>
        %gather3A_164 = tpu.vector_load_idx %arg12[%add3A_160, %add3A_163] : memref<64x64xf32, #tpu.memory_space<vmem>>[vector<16xi32>, vector<16xi32>], vector<16xf32>,
        %gather3A_165 = tpu.vector_load_idx %arg10[%add3A_156, %add3A_163] : memref<656x64xf32, #tpu.memory_space<vmem>>[vector<16xi32>, vector<16xi32>], vector<16xf32>,
        %sub3A_166 = arith.subf %gather3A_165, %gather3A_164 : vector<16xf32>
        %mul3A_167 = arith.mulf %sub3A_166, %sub3A_166 : vector<16xf32>
        %add3A_168 = arith.addf %while3A_137, %mul3A_167 : vector<16xf32>
        %add3A_169 = arith.constant 16 : i32
        %add3A_170 = vector.broadcast %add3A_169 : i32 to vector<16xi32>
        %add3A_171 = arith.addi %iota3A, %add3A_170 : vector<16xi32>
        %gather3A_172 = tpu.vector_load_idx %arg12[%add3A_160, %add3A_171] : memref<64x64xf32, #tpu.memory_space<vmem>>[vector<16xi32>, vector<16xi32>], vector<16xf32>,
        %gather3A_173 = tpu.vector_load_idx %arg10[%add3A_156, %add3A_171] : memref<656x64xf32, #tpu.memory_space<vmem>>[vector<16xi32>, vector<16xi32>], vector<16xf32>,
        %sub3A_174 = arith.subf %gather3A_173, %gather3A_172 : vector<16xf32>
        %mul3A_175 = arith.mulf %sub3A_174, %sub3A_174 : vector<16xf32>
        %add3A_176 = arith.addf %add3A_168, %mul3A_175 : vector<16xf32>
        %add3A_177 = arith.constant 32 : i32
        %add3A_178 = vector.broadcast %add3A_177 : i32 to vector<16xi32>
        %add3A_179 = arith.addi %iota3A, %add3A_178 : vector<16xi32>
        %gather3A_180 = tpu.vector_load_idx %arg12[%add3A_160, %add3A_179] : memref<64x64xf32, #tpu.memory_space<vmem>>[vector<16xi32>, vector<16xi32>], vector<16xf32>,
        %gather3A_181 = tpu.vector_load_idx %arg10[%add3A_156, %add3A_179] : memref<656x64xf32, #tpu.memory_space<vmem>>[vector<16xi32>, vector<16xi32>], vector<16xf32>,
        %sub3A_182 = arith.subf %gather3A_181, %gather3A_180 : vector<16xf32>
        %mul3A_183 = arith.mulf %sub3A_182, %sub3A_182 : vector<16xf32>
        %add3A_184 = arith.addf %add3A_176, %mul3A_183 : vector<16xf32>
        %add3A_185 = arith.constant 48 : i32
        %add3A_186 = vector.broadcast %add3A_185 : i32 to vector<16xi32>
        %add3A_187 = arith.addi %iota3A, %add3A_186 : vector<16xi32>
        %gather3A_188 = tpu.vector_load_idx %arg12[%add3A_160, %add3A_187] : memref<64x64xf32, #tpu.memory_space<vmem>>[vector<16xi32>, vector<16xi32>], vector<16xf32>,
        %gather3A_189 = tpu.vector_load_idx %arg10[%add3A_156, %add3A_187] : memref<656x64xf32, #tpu.memory_space<vmem>>[vector<16xi32>, vector<16xi32>], vector<16xf32>,
        %sub3A_190 = arith.subf %gather3A_189, %gather3A_188 : vector<16xf32>
        %mul3A_191 = arith.mulf %sub3A_190, %sub3A_190 : vector<16xf32>
        %add3A_192 = arith.addf %add3A_184, %mul3A_191 : vector<16xf32>
        scf.yield %add3A_192 : vector<16xf32>
      }
      %while3A_134 = arith.constant 1 : i32
      %while3A_135 = scf.for %while3A_136 = %while3A_131 to %while3A_127 step %while3A_134 iter_args(%while3A_137 = %while3A_133) -> (vector<16xf32>)  : i32 {
        %broadcast_in_dim3A_138 = arith.constant 0 : i32
        %broadcast_in_dim3A_139 = vector.broadcast %broadcast_in_dim3A_138 : i32 to vector<16xi32>
        %add3A_140 = vector.broadcast %while3A_136 : i32 to vector<16xi32>
        %add3A_141 = arith.addi %broadcast_in_dim3A_139, %add3A_140 : vector<16xi32>
        %gather3A = tpu.vector_load_idx %arg13[%add3A_141] : memref<16xi32, #tpu.memory_space<vmem>>[vector<16xi32>], vector<16xi32>,
        %slice3A_142 = vector.extract_strided_slice %gather3A {offsets = [0], sizes = [1], strides = [1]} : vector<16xi32> to vector<1xi32>
        %squeeze3A_143 = vector.extract %slice3A_142[0] : i32 from vector<1xi32>
        %broadcast_in_dim3A_144 = arith.constant 0 : i32
        %broadcast_in_dim3A_145 = vector.broadcast %broadcast_in_dim3A_144 : i32 to vector<16xi32>
        %add3A_146 = vector.broadcast %squeeze3A_143 : i32 to vector<16xi32>
        %add3A_147 = arith.addi %broadcast_in_dim3A_145, %add3A_146 : vector<16xi32>
        %gather3A_148 = tpu.vector_load_idx %arg8[%add3A_147] : memref<784xi32, #tpu.memory_space<vmem>>[vector<16xi32>], vector<16xi32>,
        %slice3A_149 = vector.extract_strided_slice %gather3A_148 {offsets = [0], sizes = [1], strides = [1]} : vector<16xi32> to vector<1xi32>
        %squeeze3A_150 = vector.extract %slice3A_149[0] : i32 from vector<1xi32>
        %sub3A_151 = arith.constant 999936 : i32
        %sub3A_152 = arith.subi %squeeze3A_150, %sub3A_151 : i32
        %broadcast_in_dim3A_153 = arith.constant 0 : i32
        %broadcast_in_dim3A_154 = vector.broadcast %broadcast_in_dim3A_153 : i32 to vector<16xi32>
        %add3A_155 = vector.broadcast %squeeze3A_143 : i32 to vector<16xi32>
        %add3A_156 = arith.addi %broadcast_in_dim3A_154, %add3A_155 : vector<16xi32>
        %broadcast_in_dim3A_157 = arith.constant 0 : i32
        %broadcast_in_dim3A_158 = vector.broadcast %broadcast_in_dim3A_157 : i32 to vector<16xi32>
        %add3A_159 = vector.broadcast %sub3A_152 : i32 to vector<16xi32>
        %add3A_160 = arith.addi %broadcast_in_dim3A_158, %add3A_159 : vector<16xi32>
        %add3A_161 = arith.constant 0 : i32
        %add3A_162 = vector.broadcast %add3A_161 : i32 to vector<16xi32>
        %add3A_163 = arith.addi %iota3A, %add3A_162 : vector<16xi32>
        %gather3A_164 = tpu.vector_load_idx %arg12[%add3A_160, %add3A_163] : memref<64x64xf32, #tpu.memory_space<vmem>>[vector<16xi32>, vector<16xi32>], vector<16xf32>,
        %gather3A_165 = tpu.vector_load_idx %arg10[%add3A_156, %add3A_163] : memref<656x64xf32, #tpu.memory_space<vmem>>[vector<16xi32>, vector<16xi32>], vector<16xf32>,
        %sub3A_166 = arith.subf %gather3A_165, %gather3A_164 : vector<16xf32>
        %mul3A_167 = arith.mulf %sub3A_166, %sub3A_166 : vector<16xf32>
        %add3A_168 = arith.addf %while3A_137, %mul3A_167 : vector<16xf32>
        %add3A_169 = arith.constant 16 : i32
        %add3A_170 = vector.broadcast %add3A_169 : i32 to vector<16xi32>
        %add3A_171 = arith.addi %iota3A, %add3A_170 : vector<16xi32>
        %gather3A_172 = tpu.vector_load_idx %arg12[%add3A_160, %add3A_171] : memref<64x64xf32, #tpu.memory_space<vmem>>[vector<16xi32>, vector<16xi32>], vector<16xf32>,
        %gather3A_173 = tpu.vector_load_idx %arg10[%add3A_156, %add3A_171] : memref<656x64xf32, #tpu.memory_space<vmem>>[vector<16xi32>, vector<16xi32>], vector<16xf32>,
        %sub3A_174 = arith.subf %gather3A_173, %gather3A_172 : vector<16xf32>
        %mul3A_175 = arith.mulf %sub3A_174, %sub3A_174 : vector<16xf32>
        %add3A_176 = arith.addf %add3A_168, %mul3A_175 : vector<16xf32>
        %add3A_177 = arith.constant 32 : i32
        %add3A_178 = vector.broadcast %add3A_177 : i32 to vector<16xi32>
        %add3A_179 = arith.addi %iota3A, %add3A_178 : vector<16xi32>
        %gather3A_180 = tpu.vector_load_idx %arg12[%add3A_160, %add3A_179] : memref<64x64xf32, #tpu.memory_space<vmem>>[vector<16xi32>, vector<16xi32>], vector<16xf32>,
        %gather3A_181 = tpu.vector_load_idx %arg10[%add3A_156, %add3A_179] : memref<656x64xf32, #tpu.memory_space<vmem>>[vector<16xi32>, vector<16xi32>], vector<16xf32>,
        %sub3A_182 = arith.subf %gather3A_181, %gather3A_180 : vector<16xf32>
        %mul3A_183 = arith.mulf %sub3A_182, %sub3A_182 : vector<16xf32>
        %add3A_184 = arith.addf %add3A_176, %mul3A_183 : vector<16xf32>
        %add3A_185 = arith.constant 48 : i32
        %add3A_186 = vector.broadcast %add3A_185 : i32 to vector<16xi32>
        %add3A_187 = arith.addi %iota3A, %add3A_186 : vector<16xi32>
        %gather3A_188 = tpu.vector_load_idx %arg12[%add3A_160, %add3A_187] : memref<64x64xf32, #tpu.memory_space<vmem>>[vector<16xi32>, vector<16xi32>], vector<16xf32>,
        %gather3A_189 = tpu.vector_load_idx %arg10[%add3A_156, %add3A_187] : memref<656x64xf32, #tpu.memory_space<vmem>>[vector<16xi32>, vector<16xi32>], vector<16xf32>,
        %sub3A_190 = arith.subf %gather3A_189, %gather3A_188 : vector<16xf32>
        %mul3A_191 = arith.mulf %sub3A_190, %sub3A_190 : vector<16xf32>
        %add3A_192 = arith.addf %add3A_184, %mul3A_191 : vector<16xf32>
        scf.yield %add3A_192 : vector<16xf32>
      }
      scf.yield %while3A_135 : vector<16xf32>
    }
    %while3A_96 = arith.constant 1 : i32
    %while3A_97 = scf.for %while3A_99 = %while3A_93 to %while3A_89 step %while3A_96 iter_args(%while3A_100 = %while3A_95) -> (vector<16xf32>)  : i32 {
      %mul3A_101 = arith.constant 16 : i32
      %mul3A_102 = arith.muli %while3A_99, %mul3A_101 : i32
      %get3A = arith.index_cast %mul3A_102 : i32 to index
      %get3A_103 = tpu.vector_load %arg8[%get3A] {strides = array<i32>} : memref<784xi32, #tpu.memory_space<vmem>>, vector<16xi32>,
      %shift_right_logical3A = arith.constant 7 : i32
      %shift_right_logical3A_104 = vector.broadcast %shift_right_logical3A : i32 to vector<16xi32>
      %shift_right_logical3A_105 = arith.shrui %get3A_103, %shift_right_logical3A_104 : vector<16xi32>
      %eq3A_106 = vector.broadcast %sub3A_86 : i32 to vector<16xi32>
      %eq3A_107 = arith.cmpi eq, %shift_right_logical3A_105, %eq3A_106 : vector<16xi32>
      %mul3A_108 = arith.constant 16 : i32
      %mul3A_109 = arith.muli %while3A_99, %mul3A_108 : i32
      %add3A_110 = vector.broadcast %mul3A_109 : i32 to vector<16xi32>
      %add3A_111 = arith.addi %add3A_110, %iota3A : vector<16xi32>
      %lt3A_112 = vector.broadcast %min3A_19 : i32 to vector<16xi32>
      %lt3A_113 = arith.cmpi slt, %add3A_111, %lt3A_112 : vector<16xi32>
      %and3A_114 = arith.andi %eq3A_107, %lt3A_113 : vector<16xi1>
      %convert_element_type3A_115 = arith.extui %and3A_114 : vector<16xi1> to vector<16xi32>
      %broadcast_in_dim3A_116 = arith.constant true
      %broadcast_in_dim3A_117 = vector.broadcast %broadcast_in_dim3A_116 : i1 to vector<16xi1>
      %masked_cumsum3A = tpu.scan <sum>, %convert_element_type3A_115 masked %broadcast_in_dim3A_117 : vector<16xi32>, vector<16xi1> -> vector<16xi32>
      %sub3A_118 = arith.constant 1 : i32
      %sub3A_119 = vector.broadcast %sub3A_118 : i32 to vector<16xi32>
      %sub3A_120 = arith.subi %masked_cumsum3A, %sub3A_119 : vector<16xi32>
      %mul3A_121 = arith.constant 16 : i32
      %mul3A_122 = arith.muli %while3A_99, %mul3A_121 : i32
      %add3A_123 = vector.broadcast %mul3A_122 : i32 to vector<16xi32>
      %add3A_124 = arith.addi %add3A_123, %iota3A : vector<16xi32>
      tpu.vector_store_idx %arg13[%sub3A_120], %add3A_124 masked %and3A_114 : memref<16xi32, #tpu.memory_space<vmem>>[vector<16xi32>], vector<16xi32>, vector<16xi1>
      %all_reduce_population_count3A = tpu.all_reduce %and3A_114 {dim = 0 : i64, kind = #tpu.reduction_kind<sum>} : vector<16xi1> -> vector<16xi32>
      %slice3A = vector.extract_strided_slice %all_reduce_population_count3A {offsets = [0], sizes = [1], strides = [1]} : vector<16xi32> to vector<1xi32>
      %squeeze3A = vector.extract %slice3A[0] : i32 from vector<1xi32>
      %while3A_125 = arith.constant 0 : i32
      %while3A_126 = arith.subi %squeeze3A, %while3A_125 : i32
      %while3A_127 = arith.addi %while3A_125, %while3A_126 : i32
      %while3A_128 = arith.constant 1 : i32
      %while3A_129 = arith.divsi %while3A_126, %while3A_128 : i32
      %while3A_130 = arith.muli %while3A_129, %while3A_128 : i32
      %while3A_131 = arith.addi %while3A_125, %while3A_130 : i32
      %while3A_132 = arith.constant 1 : i32
      %while3A_133 = scf.for %while3A_136 = %while3A_125 to %while3A_131 step %while3A_132 iter_args(%while3A_137 = %while3A_100) -> (vector<16xf32>)  : i32 {
        %broadcast_in_dim3A_138 = arith.constant 0 : i32
        %broadcast_in_dim3A_139 = vector.broadcast %broadcast_in_dim3A_138 : i32 to vector<16xi32>
        %add3A_140 = vector.broadcast %while3A_136 : i32 to vector<16xi32>
        %add3A_141 = arith.addi %broadcast_in_dim3A_139, %add3A_140 : vector<16xi32>
        %gather3A = tpu.vector_load_idx %arg13[%add3A_141] : memref<16xi32, #tpu.memory_space<vmem>>[vector<16xi32>], vector<16xi32>,
        %slice3A_142 = vector.extract_strided_slice %gather3A {offsets = [0], sizes = [1], strides = [1]} : vector<16xi32> to vector<1xi32>
        %squeeze3A_143 = vector.extract %slice3A_142[0] : i32 from vector<1xi32>
        %broadcast_in_dim3A_144 = arith.constant 0 : i32
        %broadcast_in_dim3A_145 = vector.broadcast %broadcast_in_dim3A_144 : i32 to vector<16xi32>
        %add3A_146 = vector.broadcast %squeeze3A_143 : i32 to vector<16xi32>
        %add3A_147 = arith.addi %broadcast_in_dim3A_145, %add3A_146 : vector<16xi32>
        %gather3A_148 = tpu.vector_load_idx %arg8[%add3A_147] : memref<784xi32, #tpu.memory_space<vmem>>[vector<16xi32>], vector<16xi32>,
        %slice3A_149 = vector.extract_strided_slice %gather3A_148 {offsets = [0], sizes = [1], strides = [1]} : vector<16xi32> to vector<1xi32>
        %squeeze3A_150 = vector.extract %slice3A_149[0] : i32 from vector<1xi32>
        %sub3A_151 = arith.constant 999936 : i32
        %sub3A_152 = arith.subi %squeeze3A_150, %sub3A_151 : i32
        %broadcast_in_dim3A_153 = arith.constant 0 : i32
        %broadcast_in_dim3A_154 = vector.broadcast %broadcast_in_dim3A_153 : i32 to vector<16xi32>
        %add3A_155 = vector.broadcast %squeeze3A_143 : i32 to vector<16xi32>
        %add3A_156 = arith.addi %broadcast_in_dim3A_154, %add3A_155 : vector<16xi32>
        %broadcast_in_dim3A_157 = arith.constant 0 : i32
        %broadcast_in_dim3A_158 = vector.broadcast %broadcast_in_dim3A_157 : i32 to vector<16xi32>
        %add3A_159 = vector.broadcast %sub3A_152 : i32 to vector<16xi32>
        %add3A_160 = arith.addi %broadcast_in_dim3A_158, %add3A_159 : vector<16xi32>
        %add3A_161 = arith.constant 0 : i32
        %add3A_162 = vector.broadcast %add3A_161 : i32 to vector<16xi32>
        %add3A_163 = arith.addi %iota3A, %add3A_162 : vector<16xi32>
        %gather3A_164 = tpu.vector_load_idx %arg12[%add3A_160, %add3A_163] : memref<64x64xf32, #tpu.memory_space<vmem>>[vector<16xi32>, vector<16xi32>], vector<16xf32>,
        %gather3A_165 = tpu.vector_load_idx %arg10[%add3A_156, %add3A_163] : memref<656x64xf32, #tpu.memory_space<vmem>>[vector<16xi32>, vector<16xi32>], vector<16xf32>,
        %sub3A_166 = arith.subf %gather3A_165, %gather3A_164 : vector<16xf32>
        %mul3A_167 = arith.mulf %sub3A_166, %sub3A_166 : vector<16xf32>
        %add3A_168 = arith.addf %while3A_137, %mul3A_167 : vector<16xf32>
        %add3A_169 = arith.constant 16 : i32
        %add3A_170 = vector.broadcast %add3A_169 : i32 to vector<16xi32>
        %add3A_171 = arith.addi %iota3A, %add3A_170 : vector<16xi32>
        %gather3A_172 = tpu.vector_load_idx %arg12[%add3A_160, %add3A_171] : memref<64x64xf32, #tpu.memory_space<vmem>>[vector<16xi32>, vector<16xi32>], vector<16xf32>,
        %gather3A_173 = tpu.vector_load_idx %arg10[%add3A_156, %add3A_171] : memref<656x64xf32, #tpu.memory_space<vmem>>[vector<16xi32>, vector<16xi32>], vector<16xf32>,
        %sub3A_174 = arith.subf %gather3A_173, %gather3A_172 : vector<16xf32>
        %mul3A_175 = arith.mulf %sub3A_174, %sub3A_174 : vector<16xf32>
        %add3A_176 = arith.addf %add3A_168, %mul3A_175 : vector<16xf32>
        %add3A_177 = arith.constant 32 : i32
        %add3A_178 = vector.broadcast %add3A_177 : i32 to vector<16xi32>
        %add3A_179 = arith.addi %iota3A, %add3A_178 : vector<16xi32>
        %gather3A_180 = tpu.vector_load_idx %arg12[%add3A_160, %add3A_179] : memref<64x64xf32, #tpu.memory_space<vmem>>[vector<16xi32>, vector<16xi32>], vector<16xf32>,
        %gather3A_181 = tpu.vector_load_idx %arg10[%add3A_156, %add3A_179] : memref<656x64xf32, #tpu.memory_space<vmem>>[vector<16xi32>, vector<16xi32>], vector<16xf32>,
        %sub3A_182 = arith.subf %gather3A_181, %gather3A_180 : vector<16xf32>
        %mul3A_183 = arith.mulf %sub3A_182, %sub3A_182 : vector<16xf32>
        %add3A_184 = arith.addf %add3A_176, %mul3A_183 : vector<16xf32>
        %add3A_185 = arith.constant 48 : i32
        %add3A_186 = vector.broadcast %add3A_185 : i32 to vector<16xi32>
        %add3A_187 = arith.addi %iota3A, %add3A_186 : vector<16xi32>
        %gather3A_188 = tpu.vector_load_idx %arg12[%add3A_160, %add3A_187] : memref<64x64xf32, #tpu.memory_space<vmem>>[vector<16xi32>, vector<16xi32>], vector<16xf32>,
        %gather3A_189 = tpu.vector_load_idx %arg10[%add3A_156, %add3A_187] : memref<656x64xf32, #tpu.memory_space<vmem>>[vector<16xi32>, vector<16xi32>], vector<16xf32>,
        %sub3A_190 = arith.subf %gather3A_189, %gather3A_188 : vector<16xf32>
        %mul3A_191 = arith.mulf %sub3A_190, %sub3A_190 : vector<16xf32>
        %add3A_192 = arith.addf %add3A_184, %mul3A_191 : vector<16xf32>
        scf.yield %add3A_192 : vector<16xf32>
      }
      %while3A_134 = arith.constant 1 : i32
      %while3A_135 = scf.for %while3A_136 = %while3A_131 to %while3A_127 step %while3A_134 iter_args(%while3A_137 = %while3A_133) -> (vector<16xf32>)  : i32 {
        %broadcast_in_dim3A_138 = arith.constant 0 : i32
        %broadcast_in_dim3A_139 = vector.broadcast %broadcast_in_dim3A_138 : i32 to vector<16xi32>
        %add3A_140 = vector.broadcast %while3A_136 : i32 to vector<16xi32>
        %add3A_141 = arith.addi %broadcast_in_dim3A_139, %add3A_140 : vector<16xi32>
        %gather3A = tpu.vector_load_idx %arg13[%add3A_141] : memref<16xi32, #tpu.memory_space<vmem>>[vector<16xi32>], vector<16xi32>,
        %slice3A_142 = vector.extract_strided_slice %gather3A {offsets = [0], sizes = [1], strides = [1]} : vector<16xi32> to vector<1xi32>
        %squeeze3A_143 = vector.extract %slice3A_142[0] : i32 from vector<1xi32>
        %broadcast_in_dim3A_144 = arith.constant 0 : i32
        %broadcast_in_dim3A_145 = vector.broadcast %broadcast_in_dim3A_144 : i32 to vector<16xi32>
        %add3A_146 = vector.broadcast %squeeze3A_143 : i32 to vector<16xi32>
        %add3A_147 = arith.addi %broadcast_in_dim3A_145, %add3A_146 : vector<16xi32>
        %gather3A_148 = tpu.vector_load_idx %arg8[%add3A_147] : memref<784xi32, #tpu.memory_space<vmem>>[vector<16xi32>], vector<16xi32>,
        %slice3A_149 = vector.extract_strided_slice %gather3A_148 {offsets = [0], sizes = [1], strides = [1]} : vector<16xi32> to vector<1xi32>
        %squeeze3A_150 = vector.extract %slice3A_149[0] : i32 from vector<1xi32>
        %sub3A_151 = arith.constant 999936 : i32
        %sub3A_152 = arith.subi %squeeze3A_150, %sub3A_151 : i32
        %broadcast_in_dim3A_153 = arith.constant 0 : i32
        %broadcast_in_dim3A_154 = vector.broadcast %broadcast_in_dim3A_153 : i32 to vector<16xi32>
        %add3A_155 = vector.broadcast %squeeze3A_143 : i32 to vector<16xi32>
        %add3A_156 = arith.addi %broadcast_in_dim3A_154, %add3A_155 : vector<16xi32>
        %broadcast_in_dim3A_157 = arith.constant 0 : i32
        %broadcast_in_dim3A_158 = vector.broadcast %broadcast_in_dim3A_157 : i32 to vector<16xi32>
        %add3A_159 = vector.broadcast %sub3A_152 : i32 to vector<16xi32>
        %add3A_160 = arith.addi %broadcast_in_dim3A_158, %add3A_159 : vector<16xi32>
        %add3A_161 = arith.constant 0 : i32
        %add3A_162 = vector.broadcast %add3A_161 : i32 to vector<16xi32>
        %add3A_163 = arith.addi %iota3A, %add3A_162 : vector<16xi32>
        %gather3A_164 = tpu.vector_load_idx %arg12[%add3A_160, %add3A_163] : memref<64x64xf32, #tpu.memory_space<vmem>>[vector<16xi32>, vector<16xi32>], vector<16xf32>,
        %gather3A_165 = tpu.vector_load_idx %arg10[%add3A_156, %add3A_163] : memref<656x64xf32, #tpu.memory_space<vmem>>[vector<16xi32>, vector<16xi32>], vector<16xf32>,
        %sub3A_166 = arith.subf %gather3A_165, %gather3A_164 : vector<16xf32>
        %mul3A_167 = arith.mulf %sub3A_166, %sub3A_166 : vector<16xf32>
        %add3A_168 = arith.addf %while3A_137, %mul3A_167 : vector<16xf32>
        %add3A_169 = arith.constant 16 : i32
        %add3A_170 = vector.broadcast %add3A_169 : i32 to vector<16xi32>
        %add3A_171 = arith.addi %iota3A, %add3A_170 : vector<16xi32>
        %gather3A_172 = tpu.vector_load_idx %arg12[%add3A_160, %add3A_171] : memref<64x64xf32, #tpu.memory_space<vmem>>[vector<16xi32>, vector<16xi32>], vector<16xf32>,
        %gather3A_173 = tpu.vector_load_idx %arg10[%add3A_156, %add3A_171] : memref<656x64xf32, #tpu.memory_space<vmem>>[vector<16xi32>, vector<16xi32>], vector<16xf32>,
        %sub3A_174 = arith.subf %gather3A_173, %gather3A_172 : vector<16xf32>
        %mul3A_175 = arith.mulf %sub3A_174, %sub3A_174 : vector<16xf32>
        %add3A_176 = arith.addf %add3A_168, %mul3A_175 : vector<16xf32>
        %add3A_177 = arith.constant 32 : i32
        %add3A_178 = vector.broadcast %add3A_177 : i32 to vector<16xi32>
        %add3A_179 = arith.addi %iota3A, %add3A_178 : vector<16xi32>
        %gather3A_180 = tpu.vector_load_idx %arg12[%add3A_160, %add3A_179] : memref<64x64xf32, #tpu.memory_space<vmem>>[vector<16xi32>, vector<16xi32>], vector<16xf32>,
        %gather3A_181 = tpu.vector_load_idx %arg10[%add3A_156, %add3A_179] : memref<656x64xf32, #tpu.memory_space<vmem>>[vector<16xi32>, vector<16xi32>], vector<16xf32>,
        %sub3A_182 = arith.subf %gather3A_181, %gather3A_180 : vector<16xf32>
        %mul3A_183 = arith.mulf %sub3A_182, %sub3A_182 : vector<16xf32>
        %add3A_184 = arith.addf %add3A_176, %mul3A_183 : vector<16xf32>
        %add3A_185 = arith.constant 48 : i32
        %add3A_186 = vector.broadcast %add3A_185 : i32 to vector<16xi32>
        %add3A_187 = arith.addi %iota3A, %add3A_186 : vector<16xi32>
        %gather3A_188 = tpu.vector_load_idx %arg12[%add3A_160, %add3A_187] : memref<64x64xf32, #tpu.memory_space<vmem>>[vector<16xi32>, vector<16xi32>], vector<16xf32>,
        %gather3A_189 = tpu.vector_load_idx %arg10[%add3A_156, %add3A_187] : memref<656x64xf32, #tpu.memory_space<vmem>>[vector<16xi32>, vector<16xi32>], vector<16xf32>,
        %sub3A_190 = arith.subf %gather3A_189, %gather3A_188 : vector<16xf32>
        %mul3A_191 = arith.mulf %sub3A_190, %sub3A_190 : vector<16xf32>
        %add3A_192 = arith.addf %add3A_184, %mul3A_191 : vector<16xf32>
        scf.yield %add3A_192 : vector<16xf32>
      }
      scf.yield %while3A_135 : vector<16xf32>
    }
    %swap3A = arith.constant 0 : index
    %swap3A_98 = tpu.vector_load %arg14[%swap3A] {strides = array<i32>} : memref<16xf32, #tpu.memory_space<vmem>>, vector<16xf32>,
    tpu.vector_store %arg14[%swap3A], %while3A_97 {strides = array<i32>} : memref<16xf32, #tpu.memory_space<vmem>>, vector<16xf32>,
    "tpu.region"() ({
      %run_scoped3A = tpu.sem_alloc : memref<!tpu.dma_semaphore, #tpu.memory_space<semaphore_mem>>
      %dma_start3A = arith.constant 0 : i32
      %dma_start3A_99 = tpu.memref_slice %arg6[%add3A, %dma_start3A] : memref<32x16xf32, #tpu.memory_space<hbm>> -> memref<1x16xf32, #tpu.memory_space<hbm>>
      %dma_start3A_100 = tpu.memref_squeeze %dma_start3A_99 : memref<1x16xf32, #tpu.memory_space<hbm>> -> memref<16xf32, #tpu.memory_space<hbm>>
      %dma_start3A_101 = arith.constant 0 : i32
      %dma_start3A_102 = tpu.memref_slice %arg6[%add3A, %dma_start3A_101] : memref<32x16xf32, #tpu.memory_space<hbm>> -> memref<1x16xf32, #tpu.memory_space<hbm>>
      %dma_start3A_103 = tpu.memref_squeeze %dma_start3A_102 : memref<1x16xf32, #tpu.memory_space<hbm>> -> memref<16xf32, #tpu.memory_space<hbm>>
      tpu.enqueue_dma source(%arg14 : memref<16xf32, #tpu.memory_space<vmem>>) target(%dma_start3A_103 : memref<16xf32, #tpu.memory_space<hbm>>) target_semaphore(%run_scoped3A : memref<!tpu.dma_semaphore, #tpu.memory_space<semaphore_mem>>)
      %dma_wait3A = arith.constant 0 : i32
      %dma_wait3A_104 = tpu.memref_slice %arg6[%add3A, %dma_wait3A] : memref<32x16xf32, #tpu.memory_space<hbm>> -> memref<1x16xf32, #tpu.memory_space<hbm>>
      %dma_wait3A_105 = tpu.memref_squeeze %dma_wait3A_104 : memref<1x16xf32, #tpu.memory_space<hbm>> -> memref<16xf32, #tpu.memory_space<hbm>>
      %dma_wait3A_106 = arith.constant 0 : i32
      %dma_wait3A_107 = tpu.memref_slice %arg6[%add3A, %dma_wait3A_106] : memref<32x16xf32, #tpu.memory_space<hbm>> -> memref<1x16xf32, #tpu.memory_space<hbm>>
      %dma_wait3A_108 = tpu.memref_squeeze %dma_wait3A_107 : memref<1x16xf32, #tpu.memory_space<hbm>> -> memref<16xf32, #tpu.memory_space<hbm>>
      tpu.wait_dma2 semaphore(%run_scoped3A : memref<!tpu.dma_semaphore, #tpu.memory_space<semaphore_mem>>) src(%arg14 : memref<16xf32, #tpu.memory_space<vmem>>) dst(%dma_wait3A_108 : memref<16xf32, #tpu.memory_space<hbm>>)
      tpu.yield
    }) : () -> ()
    return
  }
}

</mosaic_0001>

<sc_bundles>
// kernel: _center_loss_scan.3.cloned.1.call-start
scs
__scs_entry_jumppad:
0x0: {  	(pc) =	sbr.rel $0x88, $3  }
0x1: {  	(tag) =	ssettag $0x0;
	lr =	simm.s32 $0x1  }
0x2: {  	[smem:$0x3F9D] =	sst lr;
	_ =	strace $0xD0000000  }
0x3: {  	_ = 	snop  }
0x4: {  	_ = 	snop  }
0x5: {  	_ = 	snop  }
0x6: {  	_ = 	snop  }
0x7: {  	_ = 	snop  }
__scs_overlays_trampoline_lowered:
0x8: {  	[smem:$0x3FAC] =	sst s0  }
0x9: {  	[smem:$0x3FAD] =	sst s1  }
0xa: {  	[smem:$0x3FAE] =	sst s2  }
0xb: {  	[smem:$0x3FAF] =	sst s3  }
0xc: {  	[smem:$0x3FB0] =	sst s4  }
0xd: {  	[smem:$0x3FB1] =	sst s5  }
0xe: {  	[smem:$0x3FB2] =	sst s6  }
0xf: {  	[smem:$0x3FB3] =	sst s7  }
0x10: {  	[smem:$0x3FB4] =	sst s8  }
0x11: {  	[smem:$0x3FB5] =	sst s9;
	s0 =	simm.s32 @!p0 $0x0  }
0x12: {  	s1 =	sld [smem:$0x3F9B];
	s0 =	simm.s32 @p0 $0x1  }
0x13: {  	[smem:$0x3FB6] =	sst s0;
	s0 =	simm.s32 @!p1 $0x0  }
0x14: {  	s2 =	sld [smem:$0x3F9A];
	s0 =	simm.s32 @p1 $0x1  }
0x15: {  	[smem:$0x3FB7] =	sst s0;
	s0 =	simm.s32 @!p2 $0x0  }
0x16: {  	s3 =	sld [smem:$0x3FDB];
	s0 =	simm.s32 @p2 $0x1  }
0x17: {  	s4 =	simm.s32 $0x1BF5;
	[smem:$0x3FB9] =	sst s0  }
0x18: {  	s0 =	sld [smem:$0x3F9C];
	_ =	swait.ge [sflag:s4], $0x0  }
0x19: {  	s7 =	sld [smem:$0x3F9D]  }
0x1a: {  	s8 =	sadd.s32 $0xFFFFE003, lr  }
0x1b: {  	s9 =	sadd.s32 $0xFFFFFEF7, lr;
	s5 =	simm.s32 $0xFFFFFFFF;
	p2 =	slt.u32 s8, $0xFFFFF086  }
0x1c: {  	p1 =	slt.u32 s9, $0xF7A;
	s5 =	simm.s32 @!p2 $0x0  }
0x1d: {  	s5 =	simm.s32 @p1 $0x1;
	p0 =	seq.s32 s7, s2  }
0x1e: {  	s7 =	smul.u32 @!p0 $0xF7A, s2;
	p2 =	seq.s32 @!p0 s5, $0x0  }
0x1f: {  	s9 =	smul.u32 $0xF7A, s1;
	s8 =	simm.s32 @!p0 $0x1BF5;
	p2 =	por !p2, p0  }
0x20: {  	[sflag:s8] =	ssyncset.s32 @!p0 $0xFFFFF086;
	s6 =	sadd.s32 @!p0 s3, s7;
	s7 =	simm.s32 @!p0 $0x108  }
0x21: {  	s3 =	sadd.s32 s3, s9;
	s6 =	sadd.s32 @!p0 $0x88, s6;
	s7 =	simm.s32 @p2 $0x1082  }
0x22: {  	[simem:s7], [sflag:s8] =	dma.local @!p0 [hbm:s6], $0xF7A  }
0x23: {  	s9 =	sor.u32 $0xD0000000, s2;
	s6 =	simm.s32 $0x108;
	_ =	swait.ge @!p0 [sflag:s8], $0x0  }
0x24: {  	s3 =	sadd.s32 $0x88, s3;
	s6 =	simm.s32 @!p1 $0x1082;
	[sflag:s4] =	ssyncset.s32 $0xFFFFF086  }
0x25: {  	[simem:s6], [sflag:s4] =	dma.local [hbm:s3], $0xF7A  }
0x26: {  	[smem:$0x3F9D] =	sst s1;
	(tag) =	ssettag s2;
	_ =	strace s9  }
0x27: {  	s1 =	sld [smem:$0x3FAD]  }
0x28: {  	s2 =	sld [smem:$0x3FAE]  }
0x29: {  	s4 =	sld [smem:$0x3FB0]  }
0x2a: {  	p0 =	seq.s32 s5, $0x0;
	s5 =	sld [smem:$0x3FB1]  }
0x2b: {  	s6 =	sld [smem:$0x3FB2]  }
0x2c: {  	s7 =	sld [smem:$0x3FB3]  }
0x2d: {  	s3 =	simm.s32 $0x108;
	s8 =	sld [smem:$0x3FB4]  }
0x2e: {  	s3 =	simm.s32 @!p0 $0x1082;
	s9 =	sld [smem:$0x3FB5]  }
0x2f: {  	lr =	sadd.s32 s0, s3;
	s0 =	sld [smem:$0x3FAC]  }
0x30: {  	s3 =	sld [smem:$0x3FAF]  }
0x31: {  	[smem:$0x3FB8] =	sst s10  }
0x32: {  	s10 =	sld [smem:$0x3FB6];
	_ =	sdelay $0x3  }
0x33: {  	p0 =	seq.s32 s10, $0x1;
	s10 =	sld [smem:$0x3FB8];
	_ =	sdelay $0x3  }
0x34: {  	[smem:$0x3FB8] =	sst s10  }
0x35: {  	s10 =	sld [smem:$0x3FB7];
	_ =	sdelay $0x3  }
0x36: {  	p1 =	seq.s32 s10, $0x1;
	s10 =	sld [smem:$0x3FB8];
	_ =	sdelay $0x3  }
0x37: {  	[smem:$0x3FB8] =	sst s10  }
0x38: {  	s10 =	sld [smem:$0x3FB9]  }
0x39: {  	_ = 	snop;
	(pc) =	sbr.ind lr, $3  }
0x3a: {  	_ = 	snop  }
0x3b: {  	_ = 	snop  }
0x3c: {  	p2 =	seq.s32 s10, $0x1;
	s10 =	sld [smem:$0x3FB8]  }
0x3d: {  	_ =	shalt  }
0x3e: {  	_ =	shalt  }
0x3f: {  	_ =	shalt  }
0x40: {  	_ =	shalt  }
0x41: {  	_ =	shalt  }
0x42: {  	_ =	shalt  }
0x43: {  	_ =	shalt  }
0x44: {  	_ =	shalt  }
0x45: {  	_ =	shalt  }
0x46: {  	_ =	shalt  }
0x47: {  	_ =	shalt  }
0x48: {  	_ =	shalt  }
0x49: {  	_ =	shalt  }
0x4a: {  	_ =	shalt  }
0x4b: {  	_ =	shalt  }
0x4c: {  	_ =	shalt  }
0x4d: {  	_ =	shalt  }
0x4e: {  	_ =	shalt  }
0x4f: {  	_ =	shalt  }
0x50: {  	_ =	shalt  }
0x51: {  	_ =	shalt  }
0x52: {  	_ =	shalt  }
0x53: {  	_ =	shalt  }
0x54: {  	_ =	shalt  }
0x55: {  	_ =	shalt  }
0x56: {  	_ =	shalt  }
0x57: {  	_ =	shalt  }
0x58: {  	_ =	shalt  }
0x59: {  	_ =	shalt  }
0x5a: {  	_ =	shalt  }
0x5b: {  	_ =	shalt  }
0x5c: {  	_ =	shalt  }
0x5d: {  	_ =	shalt  }
0x5e: {  	_ =	shalt  }
0x5f: {  	_ =	shalt  }
0x60: {  	_ =	shalt  }
0x61: {  	_ =	shalt  }
0x62: {  	_ =	shalt  }
0x63: {  	_ =	shalt  }
0x64: {  	_ =	shalt  }
0x65: {  	_ =	shalt  }
0x66: {  	_ =	shalt  }
0x67: {  	_ =	shalt  }
0x68: {  	_ =	shalt  }
0x69: {  	_ =	shalt  }
0x6a: {  	_ =	shalt  }
0x6b: {  	_ =	shalt  }
0x6c: {  	_ =	shalt  }
0x6d: {  	_ =	shalt  }
0x6e: {  	_ =	shalt  }
0x6f: {  	_ =	shalt  }
0x70: {  	_ =	shalt  }
0x71: {  	_ =	shalt  }
0x72: {  	_ =	shalt  }
0x73: {  	_ =	shalt  }
0x74: {  	_ =	shalt  }
0x75: {  	_ =	shalt  }
0x76: {  	_ =	shalt  }
0x77: {  	_ =	shalt  }
0x78: {  	_ =	shalt  }
0x79: {  	_ =	shalt  }
0x7a: {  	_ =	shalt  }
0x7b: {  	_ =	shalt  }
0x7c: {  	_ =	shalt  }
0x7d: {  	_ =	shalt  }
0x7e: {  	_ =	shalt  }
0x7f: {  	_ =	shalt  }
0x80: {  	_ =	shalt  }
0x81: {  	_ =	shalt  }
0x82: {  	_ =	shalt  }
0x83: {  	_ =	shalt  }
0x84: {  	_ =	shalt  }
0x85: {  	_ =	shalt  }
0x86: {  	_ =	shalt  }
0x87: {  	_ =	shalt  }
.Lfunc_end0:
.L_simem_size_0:
called_computation_lowered:
.L_overlay_start_0:
0x88: {  	s2 =	sld [smem:$0x3FD9]  }
0x89: {  	s3 =	sld [smem:$0x3FFE];
	_ =	sdelay $0x1  }
0x8a: {  	s1 =	srdreg.scid  }
0x8b: {  	s0 =	sand.u32 $0x1, s1  }
0x8c: {  	s17 =	sshll.u32 s0, $0xA;
	s2 =	sadd.s32 s3, s2  }
0x8d: {  	s2 =	sadd.s32 s2, s17  }
0x8e: {  	[smem:$0x3FC4] =	sst s2  }
0x8f: {  	_ = 	snop  }
0x90: {  	s2 =	sld [smem:$0x3FC8]  }
0x91: {  	s18 =	sld [smem:$0x3FC7]  }
0x92: {  	s4 =	sld [smem:$0x3FC6];
	(tm) =	ssettm $0x1  }
0x93: {  	s5 =	sld [smem:$0x3FFB];
	_ =	sdelay $0x3  }
0x94: {  	_ =	strace s5  }
0x95: {  	s5 =	sld [smem:$0x3FFC];
	_ =	sdelay $0x3  }
0x96: {  	_ =	strace s5  }
0x97: {  	s5 =	sld [smem:$0x3FFD];
	_ =	sdelay $0x3  }
0x98: {  	_ =	strace s5  }
0x99: {  	_ =	strace $0x8FFFFFFF  }
0x9a: {  	s19 =	sld [smem:$0x3FDB];
	_ =	sdelay $0x1  }
0x9b: {  	s6 =	simm.s32 $_scs_section_size  }
0x9c: {  	s7 =	simm.s32 $_size__tile_overlayer_lowered;
	s8 =	simm.s32 $_tile_overlayer_lowered  }
0x9d: {  	s22 =	simm.s32 $0x1BFF;
	s21 =	sshll.u32 s8, $0x1;
	s5 =	sadd.s32 s6, s19  }
0x9e: {  	s9 =	simm.s32 $0x0;
	s20 =	sshll.u32 s7, $0x1;
	s7 =	sadd.s32 s21, s5  }
0x9f: {  	[timem:s9], [sflag:s22] =	dma.local [hbm:s7], s20  }
0xa0: {  	_ =	swait.ge [sflag:s22], s20  }
0xa1: {  	s6 =	ssub.s32 $0x0, s20;
	[sflag:s22] =	ssyncset.done $0x0  }
0xa2: {  	[sflag:s22] =	ssyncadd.s32 s6;
	_ =	sdelay $0x1  }
0xa3: {  	s23 =	simm.s32 $0x1B8B  }
0xa4: {  	_ =	swait.ge [sflag:s23], $0x1  }
0xa5: {  	[sflag:s23] =	ssyncset.done $0x0  }
0xa6: {  	s25 =	simm.s32 $0x1B8E;
	s24 =	sld [smem:$0x3FFE];
	[sflag:s23] =	ssyncadd.s32 $0xFFFFFFFF  }
0xa7: {  	s26 =	simm.s32 $execute0_lowered;
	[smem:$0x3FD2] =	sst s25  }
0xa8: {  	s7 =	sshll.u32 s26, $0x1;
	_ =	strace $0x80000046;
	[dreg:$0x1] =	wrdreg $0xFFFFFFFF  }
0xa9: {  	s28 =	simm.s32 $_size_execute0_lowered;
	s5 =	sadd.s32 s5, s7;
	[dreg:$0x0] =	wrdreg $0x0  }
0xaa: {  	s7 =	sshll.u32 s28, $0x1;
	[dreg:$0x2] =	wrdreg s5  }
0xab: {  	[dreg:$0x3] =	wrdreg s7  }
0xac: {  	[dreg:$0x4] =	wrdreg $0xC0  }
0xad: {  	_ =	task [dreg:s9], $0x5FFFF  }
0xae: {  	[dreg:$0x1] =	wrdreg $0xFFFFFFFF  }
0xaf: {  	[dreg:$0x0] =	wrdreg $0x60  }
0xb0: {  	[dreg:$0x2] =	wrdreg s24  }
0xb1: {  	[dreg:$0x3] =	wrdreg s2  }
0xb2: {  	[dreg:$0x4] =	wrdreg s18  }
0xb3: {  	[dreg:$0x5] =	wrdreg s4  }
0xb4: {  	[dreg:$0x6] =	wrdreg $0x9  }
0xb5: {  	_ =	task.clear_ibuf [dreg:s9], $0x7FFFF;
	_ =	strace $0x90000046  }
0xb6: {  	s29 =	simm.s32 $0x9;
	_ =	strace $0x80000048  }
0xb7: {  	_ =	swait.ge [sflag:s29], $0x1  }
0xb8: {  	[sflag:s29] =	ssyncadd.s32 $0xFFFFFFFF  }
0xb9: {  	_ =	strace $0x90000048  }
0xba: {  	_ =	sfence  }
0xbb: {  	s30 =	sld [smem:$0x0];
	_ =	sdelay $0x2  }
0xbc: {  	s31 =	sshll.u32 s1, $0xD;
	s1 =	sshrl.u32 s1, $0x2  }
0xbd: {  	s3 =	sand.u32 $0x4000, s31;
	s1 =	sadd.s32 s1, s30  }
0xbe: {  	s0 =	sor.u32 s3, s0;
	s1 =	sshll.u32 s1, $0x11  }
0xbf: {  	s0 =	sor.u32 s1, s0  }
0xc0: {  	s0 =	sadd.s32 $0x8F2B, s0  }
0xc1: {  	[sflag:s0] =	ssyncadd.remote.s32 $0x1  }
0xc2: {  	_ =	sfence.sel $0xFFFF  }
0xc3: {  	[dreg:$0x0] =	wrdreg $0xFFFFFFFF;
	(pc) =	sbr.abs _section_cstart, $3  }
0xc4: {  	[dreg:$0x1] =	wrdreg $0xFFFFFFFF  }
0xc5: {  	_ =	task.clear_ibuf [dreg:s9], $0x2FFFF;
	_ =	strace $0x9FFFFFFF  }
0xc6: {  	(tm) =	ssettm $0x7FFFFFFF  }
0xc7: {  	_ =	shalt  }
tec
execute0_lowered:
.L_overlay_start_1:
0x0: {  	(tag) =	ssettag $0x1  }
0x1: {  	s1 =	rddreg [dreg:$0x0]  }
0x2: {  	s2 =	rddreg [dreg:$0x1]  }
0x3: {  	s4 =	rddreg [dreg:$0x2]  }
0x4: {  	s0 =	srdreg.scid;
	s3 =	stileid.u32;
	s6 =	simm.s32 $0x0  }
0x5: {  	s15 =	simm.s32 $0x4;
	s16 =	simm.s32 $0x1000;
	s17 =	simm.s32 $0x1380  }
0x6: {  	s18 =	simm.s32 $0x1;
	s19 =	simm.s32 $0x1FF00;
	s20 =	simm.s32 $0x15F00  }
0x7: {  	s21 =	simm.s32 $0x1700;
	s0 =	sand.u32 $0x1, s0;
	s3 =	sshll.u32 s3, $0x1  }
0x8: {  	s22 =	simm.s32 $0x1DF00;
	[smem:$0x7FF] =	sst s6;
	s3 =	sor.u32 s0, s3  }
0x9: {  	_ =	strace $0x80000047;
	s0 =	ssub.s32 $0x2, s0;
	s7 =	smul.u32 $0xF6, s3  }
0xa: {  	s5 =	sshll.u32 s3, $0x4;
	s8 =	sshrl.u32 s0, $0x1;
	s9 =	smul.u32 $0x7B00, s3  }
0xb: {  	p0 =	sne.s32 s3, $0x1F;
	s3 =	simm.s32 $0xFFFFFFFF;
	s0 =	ssub.s32 s0, s8  }
0xc: {  	s3 =	simm.s32 @!p0 $0x0;
	s10 =	sor.u32 $0x1, s7;
	s11 =	smin.u32 s7, $0x1D8E  }
0xd: {  	s9 =	sadd.s32 s4, s9;
	[dreg:$0x7] =	wrdreg s3;
	s14 =	smax.u32 s0, $0x1  }
0xe: {  	s8 =	sadd.s32 $0xF6, s11;
	[dreg:$0x5] =	wrdreg s9;
	s9 =	simm.s32 @!p0 $0x0  }
0xf: {  	s12 =	sshll.u32 s10, $0x7;
	s9 =	simm.s32 @p0 $0x1;
	p0 =	sge.u32 s7, s8  }
.Ltmp0:
0x10: {  	v0 =	vlaneseq.u32;
	s31 =	sadd.s32 s4, s12;
	s0 =	simm.s32 @!p0 $0x0;
	(pc) =	sbr.rel .LBB2_1-.Ltmp0, $4  }
0x11: {  	v1 =	vmul.u32 $0x80, v0;
	[dreg:$0x6] =	wrdreg s31;
	s0 =	simm.s32 @p0 $0x1;
	p0 =	sge.u32 s10, s8  }
0x12: {  	v4 =	vimm.s32 $0x0;
	s24 =	simm.s32 $0x0;
	v6 =	vor.u32 $0x10, v0;
	v8 =	vor.u32 $0x20, v0;
	[smem:$0x7FC] =	sst s0;
	s0 =	simm.s32 @!p0 $0x0  }
0x13: {  	v10 =	vor.u32 $0x30, v0;
	v5 =	vor.u32 $0x800, v1;
	v7 =	vor.u32 $0x1000, v1;
	s5 =	sadd.s32 s5, s1;
	[smem:$0x7FB] =	sst s9;
	s0 =	simm.s32 @p0 $0x1  }
0x14: {  	v9 =	vor.u32 $0x1800, v1;
	s13 =	sadd.s32 $0x40000, s5;
	v2 =	vmov s7;
	s11 =	sadd.s32 $0xF5, s11;
	v3 =	vmov s8;
	[smem:$0x7FD] =	sst s0  }
.LBB2_73:
0x15: {  	s24 =	sadd.s32 $0x1, s24  }
0x16: {  	p0 =	sne.s32 s24, s14  }
.Ltmp1:
0x17: {  	[tilespmem:$0x1FF80] =	vst v12;
	s0 =	simm.s32 $0x1FF80;
	(pc) =	sbr.rel @!p0 .LBB2_74-.Ltmp1, $4  }
0x18: {  	[hbm4b:s13+s6] =	stream.linear.scatter [tilespmem:s0], [sflag:$0x4], $0x80, $0x38;
	v63 =	vld [tilespmem:$0x0]  }
0x19: {  	_ =	swait.ge [sflag:s15], $0x80  }
0x1a: {  	[sflag:s15] =	ssyncset.done $0x0  }
0x1b: {  	[sflag:s15] =	ssyncadd.s32 $0xFFFFFF80  }
.LBB2_1:
0x1c: {  	s3 =	simm.s32 $0x0;
	s0 =	simm.s32 $0x0;
	s5 =	simm.s32 $0x0  }
.LBB2_2:
0x1d: {  	s9 =	sshll.u32 s5, $0x9  }
0x1e: {  	s10 =	simm.s32 $0x0;
	s9 =	sadd.s32 s2, s9  }
0x1f: {  	[tilespmem:s10], [sflag:$0x4] =	stream.linear.gather [hbm4b:s9+s10], $0x1000, $0x38;
	v63 =	vld [tilespmem:$0x0]  }
0x20: {  	_ =	swait.ge [sflag:s15], $0x1000  }
0x21: {  	[sflag:s15] =	ssyncset.done $0x0  }
0x22: {  	s30 =	simm.s32 $0x0;
	[sflag:s15] =	ssyncadd.s32 $0xFFFFF000  }
0x23: {  	v11 =	vld [tilespmem:s30+$0x0];
	_ =	sdelay $0x4  }
0x24: {  	v12 =	vshrl.u32 v11, $0x7  }
0x25: {  	vm0 =	vge.u32 v12, v2;
	vm1 =	vlt.u32 v12, v3  }
0x26: {  	vm0 =	vmand vm0, vm1  }
0x27: {  	v60 =	vsel vm0, $0x1, v4;
	v13 =	vmpcnt.ones.xlane vm0  }
0x28: {  	(xrf0) =	vadd.scan.msk.s32 $0xffff, v60  }
0x29: {  	(v2sf) =	vpush v13, $0x0;
	_ =	sdelay $0x1  }
0x2a: {  	v61 =	vmov s0  }
0x2b: {  	v12 =	vadd.s32 $0xFFFFFFFF, v61  }
0x2c: {  	v12 =	vbroadcast v12, $0x0  }
0x2d: {  	v62, _, _ =	vpop (xrf0)  }
0x2e: {  	v12 =	vadd.s32 v62, v12  }
0x2f: {  	vm15 =	vlt.s32 v12, $0x30F  }
0x30: {  	v12 =	vnsel vm15, $0x30F, v12;
	_ =	sdelay $0x4  }
0x31: {  	[tilespmem:v12+s16+$0x0] =	vst.idx.msk vm0, v11;
	v11 =	vor.u32 s3, v0  }
0x32: {  	s31 =	simm.s32 $0x10;
	[tilespmem:v12+s17+$0x0] =	vst.idx.msk vm0, v11  }
0x33: {  	s12 =	simm.s32 $0x80;
	s9 =	smov.u32 s3;
	v11 =	vld [tilespmem:s31+$0x0];
	s10 =	spop (v2sf)  }
.LBB2_3:
0x34: {  	s0 =	sadd.s32 s0, s10  }
0x35: {  	s9 =	sadd.s32 $0x10, s9;
	s10 =	smov.u32 s12;
	s23 =	sadd.s32 $0x40, s12  }
0x36: {  	p0 =	sne.s32 s12, $0x3FC0;
	v12 =	vmov s0  }
0x37: {  	v12 =	vadd.s32 $0xFFFFFFFF, v12;
	_ =	sdelay $0x1  }
0x38: {  	v13 =	vshrl.u32 v11, $0x7  }
0x39: {  	vm0 =	vge.u32 v13, v2;
	vm1 =	vlt.u32 v13, v3  }
0x3a: {  	vm0 =	vmand vm0, vm1  }
0x3b: {  	v13 =	vsel vm0, $0x1, v4;
	v14 =	vmpcnt.ones.xlane vm0  }
0x3c: {  	(xrf0) =	vadd.scan.msk.s32 $0xffff, v13  }
0x3d: {  	(v2sf) =	vpush v14, $0x0;
	_ =	sdelay $0x3  }
0x3e: {  	v12 =	vbroadcast v12, $0x0  }
0x3f: {  	v13, _, _ =	vpop (xrf0)  }
0x40: {  	v12 =	vadd.s32 v13, v12  }
0x41: {  	vm1 =	vlt.s32 v12, $0x30F  }
0x42: {  	v12 =	vnsel vm1, $0x30F, v12;
	_ =	sdelay $0x2  }
.Ltmp2:
0x43: {  	(pc) =	sbr.rel @p0 .LBB2_3-.Ltmp2, $4  }
0x44: {  	_ = 	snop  }
0x45: {  	[tilespmem:v12+s16+$0x0] =	vst.idx.msk vm0, v11;
	v11 =	vor.u32 s9, v0  }
0x46: {  	s10 =	sshra.s32 s10, $0x2;
	[tilespmem:v12+s17+$0x0] =	vst.idx.msk vm0, v11  }
0x47: {  	s12 =	smov.u32 s23;
	v11 =	vld [tilespmem:s10+$0x0];
	s10 =	spop (v2sf)  }
0x48: {  	_ =	sdelay $0x3  }
0x49: {  	v12 =	vshrl.u32 v11, $0x7  }
0x4a: {  	vm0 =	vge.u32 v12, v2;
	vm1 =	vlt.u32 v12, v3  }
0x4b: {  	vm0 =	vmand vm0, vm1  }
0x4c: {  	v61 =	vmpcnt.ones.xlane vm0;
	_ =	sdelay $0x1  }
0x4d: {  	v13 =	vsel vm0, $0x1, v4;
	(v2sf) =	vpush v61, $0x0  }
0x4e: {  	(xrf0) =	vadd.scan.msk.s32 $0xffff, v13;
	_ =	sdelay $0x1  }
0x4f: {  	s0 =	sadd.s32 s0, s10  }
0x50: {  	v62 =	vmov s0  }
0x51: {  	v12 =	vadd.s32 $0xFFFFFFFF, v62  }
0x52: {  	v12 =	vbroadcast v12, $0x0  }
0x53: {  	v13, _, _ =	vpop (xrf0)  }
0x54: {  	v12 =	vadd.s32 v13, v12  }
0x55: {  	vm15 =	vlt.s32 v12, $0x30F  }
0x56: {  	s5 =	sadd.s32 $0x1, s5;
	v12 =	vnsel vm15, $0x30F, v12  }
0x57: {  	p0 =	sne.s32 s5, $0x4  }
.Ltmp3:
0x58: {  	_ = 	snop;
	(pc) =	sbr.rel @p0 .LBB2_2-.Ltmp3, $4  }
0x59: {  	_ = 	snop  }
0x5a: {  	s9 =	sadd.s32 $0x10, s9  }
0x5b: {  	[tilespmem:v12+s16+$0x0] =	vst.idx.msk vm0, v11;
	v11 =	vor.u32 s9, v0;
	s31 =	spop (v2sf)  }
0x5c: {  	s3 =	sadd.s32 $0x1000, s3;
	[tilespmem:v12+s17+$0x0] =	vst.idx.msk vm0, v11;
	s0 =	sadd.s32 s0, s31  }
0x5d: {  	p1 =	slt.s32 s0, $0x1  }
.Ltmp4:
0x5e: {  	_ = 	snop;
	(pc) =	sbr.rel @p1 .LBB2_14-.Ltmp4, $3  }
0x5f: {  	_ =	sdelay $0x1  }
0x60: {  	p0 =	slt.s32 s0, $0x290;
	s3 =	smov.u32 s0  }
0x61: {  	s3 =	simm.s32 @!p0 $0x290  }
0x62: {  	s5 =	simm.s32 $0x0  }
0x63: {  	v11 =	vmov s5;
	_ =	sdelay $0x4  }
0x64: {  	p1 =	sne.s32 s3, $0x1;
	v11 =	vld.idx.msk [tilespmem:v11+s17+$0x0], $0xffff  }
.Ltmp5:
0x65: {  	_ = 	snop;
	(pc) =	sbr.rel @!p1 .LBB2_7-.Ltmp5, $2  }
0x66: {  	_ =	sdelay $0x2  }
0x67: {  	s9 =	simm.s32 $0x1;
	p0 =	por $0x0, $0x0;
	s5 =	simm.s32 $0x1700;
	(v2sf) =	vpush v11, $0x0  }
0x68: {  	_ =	sdelay $0xd  }
0x69: {  	v11 =	vmov s9;
	s31 =	spop (v2sf)  }
0x6a: {  	s9 =	sshll.u32 s31, $0x4  }
0x6b: {  	s9 =	sand.u32 $0x1FFFFFF0, s9  }
0x6c: {  	s9 =	sadd.s32 s1, s9  }
0x6d: {  	[tilespmem:s5], [sflag:$0x1] =	stream.linear.gather [hbm4b:s9+s6], $0x80, $0x38;
	v63 =	vld [tilespmem:$0x0]  }
0x6e: {  	p1 =	sne.s32 s3, $0x2;
	v11 =	vld.idx.msk [tilespmem:v11+s17+$0x0], $0xffff  }
.Ltmp6:
0x6f: {  	_ = 	snop;
	(pc) =	sbr.rel @!p1 .LBB2_9-.Ltmp6, $2  }
0x70: {  	_ =	sdelay $0x2  }
0x71: {  	s10 =	simm.s32 $0x2;
	p0 =	por $0x1, $0x1;
	s9 =	simm.s32 $0x1700;
	(v2sf) =	vpush v11, $0x0  }
.LBB2_10:
0x72: {  	_ =	sdelay $0xd  }
0x73: {  	v11 =	vmov s10;
	s10 =	sadd.s32 $0x1, s10;
	s12 =	spop (v2sf)  }
0x74: {  	p1 =	sne.s32 s3, s10;
	s12 =	sshll.u32 s12, $0x4  }
0x75: {  	s12 =	sand.u32 $0x1FFFFFF0, s12  }
0x76: {  	s9 =	sadd.s32 $0x80, s9;
	s12 =	sadd.s32 s1, s12  }
0x77: {  	[tilespmem:s9], [sflag:$0x1] =	stream.linear.gather [hbm4b:s12+s6], $0x80, $0x38;
	v63 =	vld [tilespmem:$0x0]  }
0x78: {  	v11 =	vld.idx.msk [tilespmem:v11+s17+$0x0], $0xffff;
	_ =	sdelay $0x1  }
.Ltmp7:
0x79: {  	(pc) =	sbr.rel @p1 .LBB2_10-.Ltmp7, $2  }
0x7a: {  	_ =	sdelay $0x2  }
0x7b: {  	(v2sf) =	vpush v11, $0x0  }
.LBB2_11:
0x7c: {  	_ =	sdelay $0xd  }
0x7d: {  	s9 =	sadd.s32 @p0 $0x80, s9;
	s10 =	spop (v2sf)  }
0x7e: {  	s5 =	smov.u32 @p0 s9;
	p0 =	sne.s32 s3, $0x1;
	s10 =	sshll.u32 s10, $0x4  }
.Ltmp8:
0x7f: {  	s10 =	sand.u32 $0x1FFFFFF0, s10;
	(pc) =	sbr.rel @!p0 .LBB2_13-.Ltmp8, $4  }
0x80: {  	s10 =	sadd.s32 s1, s10  }
0x81: {  	[tilespmem:s5], [sflag:$0x1] =	stream.linear.gather [hbm4b:s10+s6], $0x80, $0x38;
	v63 =	vld [tilespmem:$0x0]  }
0x82: {  	_ =	swait.ge [sflag:s18], $0x80  }
0x83: {  	s5 =	sadd.s32 $0xFFFFFFFF, s3;
	[sflag:s18] =	ssyncset.done $0x0  }
.LBB2_12:
0x84: {  	p0 =	sne.s32 s5, $0x1;
	s5 =	sadd.s32 $0xFFFFFFFF, s5;
	[sflag:s18] =	ssyncadd.s32 $0xFFFFFF80  }
.Ltmp9:
0x85: {  	(pc) =	sbr.rel @p0 .LBB2_12-.Ltmp9, $3  }
0x86: {  	_ =	sdelay $0x1  }
0x87: {  	_ =	swait.ge [sflag:s18], $0x80  }
0x88: {  	[sflag:s18] =	ssyncset.done $0x0  }
.LBB2_13:
0x89: {  	[sflag:s18] =	ssyncadd.s32 $0xFFFFFF80  }
.LBB2_14:
0x8a: {  	s5 =	sld [smem:$0x7FC]  }
0x8b: {  	s12 =	rddreg [dreg:$0x5]  }
0x8c: {  	s26 =	sld [smem:$0x7FD];
	s28 =	sadd.s32 $0xF, s3;
	p6 =	slt.s32 s0, $0xFFFFFFF2  }
0x8d: {  	s29 =	sand.u32 $0xF, s28;
	s30 =	sshra.s32 s28, $0x1F;
	p0 =	seq.s32 s5, $0x1  }
0x8e: {  	s5 =	simm.s32 @!p0 $0x400;
	s9 =	simm.s32 @!p0 $0x7A1400;
	s10 =	simm.s32 @!p0 $0x15F00  }
0x8f: {  	[tilespmem:s10], [sflag:$0x2] =	stream.strided.gather @!p0 [hbm4b:s12+s5], $0x2000, s9, s5, $0x38;
	v63 =	vld [tilespmem:$0x0]  }
0x90: {  	p1 =	sne.s32 s29, $0x0;
	p0 =	seq.s32 s26, $0x1;
	s12 =	rddreg [dreg:$0x6]  }
0x91: {  	s5 =	simm.s32 @!p0 $0x400;
	s9 =	simm.s32 @!p0 $0x7A1400;
	s10 =	simm.s32 @!p0 $0x17F00  }
0x92: {  	[tilespmem:s10], [sflag:$0x2] =	stream.strided.gather @!p0 [hbm4b:s12+s5], $0x2000, s9, s5, $0x38;
	v63 =	vld [tilespmem:$0x0]  }
0x93: {  	s31 =	sshrl.u32 s30, $0x1C;
	p0 =	por !p6, !p1  }
0x94: {  	s0 =	sadd.s32 s31, s28;
	s5 =	simm.s32 $0x1;
	p0 =	por !p0, !p0  }
0x95: {  	s0 =	sshra.s32 s0, $0x4;
	s5 =	simm.s32 @!p0 $0x0  }
.Ltmp10:
0x96: {  	s25 =	ssub.s32 s0, s5;
	(pc) =	sbr.rel .LBB2_15-.Ltmp10, $4  }
0x97: {  	p0 =	slt.s32 s25, $0x1  }
0x98: {  	s0 =	simm.s32 @!p0 $0x0  }
0x99: {  	s0 =	simm.s32 @p0 $0x1  }
0x9a: {  	v11 =	vmov s3;
	v12 =	vimm.f32 $0.0e+00;
	s26 =	simm.s32 $0x0;
	[smem:$0x7FA] =	sst s0  }
.LBB2_53:
0x9b: {  	s26 =	sadd.s32 $0x1, s26  }
0x9c: {  	p0 =	sne.s32 s26, $0x3E  }
.Ltmp11:
0x9d: {  	_ = 	snop;
	(pc) =	sbr.rel @!p0 .LBB2_54-.Ltmp11, $1  }
0x9e: {  	_ =	sdelay $0x3  }
.LBB2_15:
0x9f: {  	s0 =	sshll.u32 s26, $0x2  }
0xa0: {  	s29 =	sadd.s32 s7, s0  }
0xa1: {  	s28 =	sadd.s32 $0x2, s29  }
0xa2: {  	p0 =	sge.u32 s28, s8  }
0xa3: {  	s0 =	sshll.u32 @!p0 s28, $0x7  }
0xa4: {  	s3 =	simm.s32 @!p0 $0x400;
	s0 =	sand.u32 @!p0 $0x1FFFFF00, s0  }
0xa5: {  	s5 =	simm.s32 @!p0 $0x7A1400;
	s9 =	simm.s32 @!p0 $0x19F00;
	s0 =	sadd.s32 @!p0 s4, s0  }
0xa6: {  	[tilespmem:s9], [sflag:$0x3] =	stream.strided.gather @!p0 [hbm4b:s0+s3], $0x2000, s5, s3, $0x38;
	v63 =	vld [tilespmem:$0x0]  }
0xa7: {  	s0 =	sadd.s32 $0x3, s29  }
0xa8: {  	s10 =	simm.s32 @!p0 $0x0;
	p5 =	sge.u32 s0, s8  }
0xa9: {  	s10 =	simm.s32 @p0 $0x1;
	s0 =	sshll.u32 @!p5 s0, $0x7  }
0xaa: {  	p0 =	sge.u32 s29, s8;
	s3 =	simm.s32 @!p5 $0x400;
	s0 =	sand.u32 @!p5 $0x1FFFFF80, s0  }
0xab: {  	s5 =	simm.s32 @!p5 $0x7A1400;
	s9 =	simm.s32 @!p5 $0x1BF00;
	s0 =	sadd.s32 @!p5 s4, s0  }
0xac: {  	[tilespmem:s9], [sflag:$0x3] =	stream.strided.gather @!p5 [hbm4b:s0+s3], $0x2000, s5, s3, $0x38;
	v63 =	vld [tilespmem:$0x0]  }
0xad: {  	[smem:$0x7F9] =	sst s10;
	s0 =	simm.s32 @!p0 $0x2  }
0xae: {  	_ =	swait.ge @!p0 [sflag:s0], $0x2000  }
0xaf: {  	p1 =	sge.u32 s29, s11;
	[sflag:s0] =	ssyncset.done @!p0 $0x0  }
0xb0: {  	[sflag:s0] =	ssyncadd.s32 @!p0 $0xFFFFE000;
	s0 =	simm.s32 @!p1 $0x2  }
0xb1: {  	_ =	swait.ge @!p1 [sflag:s0], $0x2000  }
0xb2: {  	s31 =	sld [smem:$0x7FA];
	_ =	sdelay $0x2  }
0xb3: {  	p0 =	seq.s32 s31, $0x1  }
.Ltmp12:
0xb4: {  	_ = 	snop;
	(pc) =	sbr.rel @p0 .LBB2_34-.Ltmp12, $3  }
0xb5: {  	_ =	sdelay $0x1  }
0xb6: {  	[sflag:s0] =	ssyncset.done @!p1 $0x0  }
0xb7: {  	[sflag:s0] =	ssyncadd.s32 @!p1 $0xFFFFE000  }
.Ltmp13:
0xb8: {  	(pc) =	sbr.rel .LBB2_17-.Ltmp13, $4  }
0xb9: {  	_ = 	snop  }
0xba: {  	p0 =	slt.u32 s29, s8;
	s0 =	sshrl.u32 s29, $0x1  }
0xbb: {  	s0 =	simm.s32 @!p0 $0xFFFFFFFF  }
0xbc: {  	s30 =	simm.s32 $0x0;
	v13 =	vmov s0  }
.LBB2_19:
0xbd: {  	_ = 	snop  }
.LBB2_32:
0xbe: {  	_ =	sdelay $0x2  }
0xbf: {  	v34 =	vor.u32 @p2 v0, v34  }
0xc0: {  	v32 =	vld.idx.msk @p0 [tilespmem:v32+s20+$0x0], $0xffff;
	v42 =	vadd.f32 @p3 v42, v46;
	v44 =	vmul.f32 @p3 v44, v44;
	v16 =	vbroadcast v16, $0x0  }
0xc1: {  	s9 =	sand.u32 @p2 $0x2000, s31;
	v37 =	vld.idx.msk @p0 [tilespmem:v37+s20+$0x0], $0xffff;
	v45 =	vmul.f32 @p3 v45, v45;
	v21 =	vpsel p1, v47, v21;
	v19 =	vpsel p6, v19, v23  }
0xc2: {  	v49 =	vld.idx.msk @p2 [tilespmem:v49+s21+$0x0], $0xffff;
	s3 =	sor.u32 @p2 s3, s9;
	(v2sf) =	vpush @p6 v15, $0x0;
	v21 =	vor.u32 @p1 v0, v21;
	v14 =	vpsel p6, v19, v14  }
0xc3: {  	v22 =	vld.idx.msk @p2 [tilespmem:v22+s21+$0x0], $0xffff;
	v46 =	vor.u32 @p2 s3, v1;
	v51 =	vor.u32 @p2 s3, v5;
	v42 =	vadd.f32 @p3 v44, v42  }
0xc4: {  	v15 =	vld.idx.msk @p2 [tilespmem:v43+s21+$0x0], $0xffff;
	v44 =	vor.u32 @p1 v10, v47;
	v41 =	vsub.f32 @p0 v41, v48;
	v43 =	vor.u32 @p2 s3, v7  }
0xc5: {  	v14 =	vor.u32 @p6 v0, v14;
	v25 =	vsub.f32 @p0 v25, v50;
	v26 =	vpsel p2, v43, v26  }
0xc6: {  	v23 =	vpsel p1, v44, v31;
	v42 =	vadd.f32 @p3 v45, v42;
	v45 =	vor.u32 @p2 s3, v9  }
0xc7: {  	v41 =	vmul.f32 @p0 v41, v41;
	v25 =	vmul.f32 @p0 v25, v25;
	v32 =	vsub.f32 @p0 v40, v32  }
0xc8: {  	v34 =	vld.idx.msk @p2 [tilespmem:v34+s21+$0x0], $0xffff;
	v37 =	vsub.f32 @p0 v39, v37;
	v24 =	vpsel p2, v49, v24;
	v30 =	vpsel p2, v45, v30  }
0xc9: {  	v22 =	vpsel p2, v22, v27;
	v40 =	vpsel p3, v42, v12;
	v42 =	vor.u32 @p1 v8, v47;
	v21 =	vld.idx.msk @p1 [tilespmem:v21+s21+$0x0], $0xffff  }
0xca: {  	v15 =	vpsel p2, v15, v29;
	v39 =	vld.idx.msk @p2 [tilespmem:v46+s20+$0x0], $0xffff;
	v40 =	vadd.f32 @p0 v41, v40;
	v41 =	vor.u32 @p1 v6, v47;
	s3 =	spop @p1 (v2sf)  }
0xcb: {  	v46 =	vld.idx.msk @p2 [tilespmem:v51+s20+$0x0], $0xffff;
	v25 =	vpsel p0, v25, v0;
	v32 =	vpsel p0, v32, v0;
	v33 =	vpsel p1, v42, v33;
	s9 =	sshll.u32 @p1 s3, $0x6  }
0xcc: {  	v47 =	vld.idx.msk [tilespmem:v16+s16+$0x0], $0xffff;
	v37 =	vpsel p0, v37, v0;
	v36 =	vpsel p1, v41, v36;
	s3 =	sand.u32 @p1 $0x7F, s3;
	v31 =	vpsel p0, v40, v0;
	s0 =	smov.u32 @p1 s9  }
0xcd: {  	v29 =	vmul.f32 @p0 v32, v32;
	s5 =	smov.u32 @p1 s3;
	v25 =	vadd.f32 @p0 v25, v31;
	s0 =	sand.u32 @p1 $0x2000, s0;
	v27 =	vld.idx.msk @p2 [tilespmem:v30+s20+$0x0], $0xffff;
	v30 =	vor.u32 @p6 v10, v19  }
0xce: {  	v26 =	vld.idx.msk @p2 [tilespmem:v26+s20+$0x0], $0xffff;
	v28 =	vpsel p2, v34, v28;
	v31 =	vmul.f32 @p0 v37, v37;
	s0 =	sor.u32 @p1 s5, s0;
	v17 =	vpsel p6, v30, v17  }
0xcf: {  	v34 =	vpsel p2, v39, v35;
	v25 =	vadd.f32 @p0 v29, v25;
	v29 =	vor.u32 @p1 s0, v1  }
0xd0: {  	v21 =	vpsel p1, v21, v0;
	v35 =	vpsel p2, v46, v38;
	v28 =	vsub.f32 @p2 v28, v34  }
0xd1: {  	(v2sf) =	vpush v47, $0x0;
	v32 =	vld.idx.msk @p1 [tilespmem:v36+s21+$0x0], $0xffff;
	v34 =	vor.u32 @p1 s0, v5;
	v25 =	vadd.f32 @p0 v31, v25  }
0xd2: {  	v24 =	vsub.f32 @p2 v24, v35;
	v35 =	vor.u32 @p1 s0, v9;
	v28 =	vmul.f32 @p2 v28, v28  }
0xd3: {  	v33 =	vld.idx.msk @p1 [tilespmem:v33+s21+$0x0], $0xffff;
	v15 =	vsub.f32 @p2 v15, v26;
	v31 =	vor.u32 @p1 s0, v7;
	v25 =	vpsel p0, v25, v12  }
0xd4: {  	v22 =	vsub.f32 @p2 v22, v27;
	v25 =	vadd.f32 @p2 v28, v25;
	v27 =	vld.idx.msk @p1 [tilespmem:v29+s20+$0x0], $0xffff;
	v29 =	vpsel p1, v31, v0  }
0xd5: {  	v26 =	vor.u32 @p6 v8, v19;
	v24 =	vmul.f32 @p2 v24, v24;
	s0 =	spop @p6 (v2sf);
	v28 =	vor.u32 @p6 v6, v19  }
0xd6: {  	s3 =	sshll.u32 @p6 s0, $0x6;
	v19 =	vpsel p1, v35, v0;
	v31 =	vpsel p1, v32, v0;
	v32 =	vld.idx.msk @p1 [tilespmem:v34+s20+$0x0], $0xffff;
	v25 =	vpsel p2, v25, v0  }
0xd7: {  	v23 =	vld.idx.msk @p1 [tilespmem:v23+s21+$0x0], $0xffff;
	v18 =	vpsel p6, v26, v18;
	v15 =	vpsel p2, v15, v0;
	s0 =	sand.u32 @p6 $0x7F, s0;
	v24 =	vpsel p2, v24, v0;
	s23 =	smov.u32 @p6 s3  }
0xd8: {  	v15 =	vmul.f32 @p2 v15, v15;
	v22 =	vpsel p2, v22, v0;
	s12 =	smov.u32 @p6 s0;
	s0 =	sand.u32 @p6 $0x2000, s23;
	v24 =	vadd.f32 @p2 v24, v25  }
0xd9: {  	v16 =	vshll.u32 v16, $0x7;
	v20 =	vpsel p6, v28, v20;
	v22 =	vmul.f32 @p2 v22, v22;
	s0 =	sor.u32 @p6 s12, s0;
	v25 =	vmovc @p1 v33;
	v29 =	vld.idx.msk @p1 [tilespmem:v29+s20+$0x0], $0xffff  }
0xda: {  	v26 =	vpsel p1, v27, v0;
	v27 =	vor.u32 @p6 s0, v1;
	v15 =	vadd.f32 @p2 v15, v24  }
0xdb: {  	v19 =	vld.idx.msk @p1 [tilespmem:v19+s20+$0x0], $0xffff;
	v28 =	vpsel p1, v32, v0;
	v24 =	vpsel p1, v25, v0;
	v21 =	vsub.f32 @p1 v21, v26  }
0xdc: {  	v26 =	vor.u32 @p6 s0, v5;
	v15 =	vadd.f32 @p2 v22, v15;
	v22 =	vpsel p1, v23, v0;
	v25 =	vmovc @p1 v31  }
0xdd: {  	v14 =	vld.idx.msk @p6 [tilespmem:v14+s21+$0x0], $0xffff;
	v23 =	vor.u32 @p6 s0, v7;
	v21 =	vmul.f32 @p1 v21, v21;
	v25 =	vsub.f32 @p1 v25, v28  }
0xde: {  	v17 =	vld.idx.msk @p6 [tilespmem:v17+s21+$0x0], $0xffff;
	v28 =	vor.u32 @p6 s0, v9;
	v15 =	vpsel p2, v15, v12;
	v24 =	vsub.f32 @p1 v24, v29  }
0xdf: {  	v27 =	vld.idx.msk @p6 [tilespmem:v27+s20+$0x0], $0xffff;
	v15 =	vadd.f32 @p1 v21, v15;
	v21 =	vpsel p6, v23, v0;
	v25 =	vmul.f32 @p1 v25, v25  }
0xe0: {  	v48 =	vor.u32 v8, v16;
	v20 =	vld.idx.msk @p6 [tilespmem:v20+s21+$0x0], $0xffff;
	v19 =	vsub.f32 @p1 v22, v19;
	v23 =	vpsel p6, v28, v0  }
0xe1: {  	s23 =	spop (v2sf);
	v26 =	vld.idx.msk @p6 [tilespmem:v26+s20+$0x0], $0xffff;
	v15 =	vpsel p1, v15, v0;
	v24 =	vpsel p1, v24, v0;
	v25 =	vpsel p1, v25, v0  }
0xe2: {  	v49 =	vor.u32 v6, v16;
	s31 =	sshll.u32 s23, $0x6;
	v24 =	vmul.f32 @p1 v24, v24;
	v15 =	vadd.f32 @p1 v25, v15  }
0xe3: {  	v50 =	vor.u32 v0, v16;
	v14 =	vpsel p6, v14, v0;
	v18 =	vld.idx.msk @p6 [tilespmem:v18+s21+$0x0], $0xffff;
	s0 =	sand.u32 $0x7F, s23;
	v19 =	vpsel p1, v19, v0;
	s3 =	sand.u32 $0x2000, s31  }
0xe4: {  	s0 =	sor.u32 s0, s3;
	v19 =	vmul.f32 @p1 v19, v19;
	v25 =	vpsel p6, v27, v0;
	v21 =	vld.idx.msk @p6 [tilespmem:v21+s20+$0x0], $0xffff;
	v15 =	vadd.f32 @p1 v24, v15  }
0xe5: {  	v17 =	vpsel p6, v17, v0;
	v51 =	vor.u32 s0, v1;
	v23 =	vld.idx.msk @p6 [tilespmem:v23+s20+$0x0], $0xffff;
	v14 =	vsub.f32 @p6 v14, v25  }
0xe6: {  	v20 =	vpsel p6, v20, v0;
	v25 =	vpsel p6, v26, v0;
	v15 =	vadd.f32 @p1 v19, v15  }
0xe7: {  	v52 =	vor.u32 s0, v5;
	v20 =	vsub.f32 @p6 v20, v25;
	v14 =	vmul.f32 @p6 v14, v14  }
0xe8: {  	v18 =	vpsel p6, v18, v0;
	v53 =	vor.u32 s0, v7;
	v15 =	vpsel p1, v15, v12  }
0xe9: {  	v54 =	vld.idx.msk [tilespmem:v50+s21+$0x0], $0xffff;
	v20 =	vmul.f32 @p6 v20, v20;
	v18 =	vsub.f32 @p6 v18, v21;
	v14 =	vadd.f32 @p6 v14, v15  }
0xea: {  	v55 =	vor.u32 s0, v9;
	v56 =	vld.idx.msk [tilespmem:v51+s20+$0x0], $0xffff;
	v17 =	vsub.f32 @p6 v17, v23;
	v15 =	vor.u32 v10, v16  }
0xeb: {  	v57 =	vld.idx.msk [tilespmem:v49+s21+$0x0], $0xffff;
	v20 =	vpsel p6, v20, v0;
	v18 =	vpsel p6, v18, v0;
	v14 =	vpsel p6, v14, v0  }
0xec: {  	v19 =	vld.idx.msk [tilespmem:v52+s20+$0x0], $0xffff;
	v18 =	vmul.f32 @p6 v18, v18;
	v14 =	vadd.f32 @p6 v20, v14  }
0xed: {  	v58 =	vld.idx.msk [tilespmem:v48+s21+$0x0], $0xffff;
	v17 =	vpsel p6, v17, v0  }
0xee: {  	v59 =	vld.idx.msk [tilespmem:v53+s20+$0x0], $0xffff;
	v17 =	vmul.f32 @p6 v17, v17;
	v14 =	vadd.f32 @p6 v18, v14  }
0xef: {  	v16 =	vld.idx.msk [tilespmem:v55+s20+$0x0], $0xffff;
	v60 =	vsub.f32 v54, v56  }
0xf0: {  	v15 =	vld.idx.msk [tilespmem:v15+s21+$0x0], $0xffff;
	v14 =	vadd.f32 @p6 v17, v14  }
0xf1: {  	v61 =	vsub.f32 v57, v19;
	v18 =	vmul.f32 v60, v60  }
0xf2: {  	v12 =	vpsel p6, v14, v12  }
0xf3: {  	v62 =	vsub.f32 v58, v59;
	v14 =	vmul.f32 v61, v61;
	v12 =	vadd.f32 v18, v12;
	_ =	sdelay $0x1  }
0xf4: {  	v15 =	vsub.f32 v15, v16;
	v12 =	vadd.f32 v14, v12;
	v14 =	vmul.f32 v62, v62;
	_ =	sdelay $0x1  }
0xf5: {  	v15 =	vmul.f32 v15, v15;
	v12 =	vadd.f32 v14, v12;
	_ =	sdelay $0x1  }
0xf6: {  	v12 =	vadd.f32 v15, v12  }
.LBB2_33:
0xf7: {  	s30 =	sadd.s32 $0x1, s30  }
0xf8: {  	p0 =	sne.s32 s30, s25  }
.Ltmp14:
0xf9: {  	_ = 	snop;
	(pc) =	sbr.rel @!p0 .LBB2_34-.Ltmp14, $1  }
0xfa: {  	_ =	sdelay $0x3  }
.LBB2_17:
0xfb: {  	s0 =	sshll.u32 s30, $0x4  }
0xfc: {  	v14 =	vld [tilespmem:s0+$0x1000];
	_ =	sdelay $0x4  }
0xfd: {  	v15 =	vshrl.u32 v14, $0x7;
	v14 =	vshrl.u32 v14, $0x8  }
0xfe: {  	vm0 =	veq.s32 v14, v13;
	vm1 =	vlt.u32 v15, v3;
	v14 =	vor.u32 s0, v0  }
0xff: {  	vm0 =	vmand vm0, vm1;
	vm1 =	vlt.s32 v14, v11  }
0x100: {  	vm0 =	vmand vm1, vm0  }
0x101: {  	v15 =	vmpcnt.ones.xlane vm0;
	_ =	sdelay $0x1  }
0x102: {  	(v2sf) =	vpush v15, $0x0;
	_ =	sdelay $0xe  }
0x103: {  	s9 =	spop (v2sf)  }
0x104: {  	p0 =	slt.s32 s9, $0x1  }
.Ltmp15:
0x105: {  	_ = 	snop;
	(pc) =	sbr.rel @p0 .LBB2_33-.Ltmp15, $1  }
0x106: {  	_ =	sdelay $0x3  }
0x107: {  	v15 =	vsel vm0, $0x1, v4  }
0x108: {  	(xrf0) =	vadd.scan.msk.s32 $0xffff, v15;
	_ =	sdelay $0x5  }
0x109: {  	v15, _, _ =	vpop (xrf0)  }
0x10a: {  	s0 =	simm.s32 $0x0;
	v15 =	vadd.s32 $0xFFFFFFFF, v15  }
0x10b: {  	p4 =	sne.s32 s9, $0x1;
	v16 =	vmov s0  }
.Ltmp16:
0x10c: {  	_ = 	snop;
	(pc) =	sbr.rel @!p4 .LBB2_19-.Ltmp16, $3  }
0x10d: {  	_ =	sdelay $0x1  }
0x10e: {  	p6 =	por $0x0, $0x0;
	p1 =	por $0x0, $0x0;
	p2 =	por $0x0, $0x0;
	[tilespmem:v15+s19+$0x0] =	vst.idx.msk vm0, v14  }
0x10f: {  	p0 =	por $0x0, $0x0;
	p3 =	por $0x0, $0x0;
	s0 =	simm.s32 $0x1;
	v16 =	vld.idx.msk [tilespmem:v16+s19+$0x0], $0xffff  }
0x110: {  	_ =	sdelay $0x3  }
0x111: {  	v14 =	vmov s0;
	v15 =	vbroadcast v16, $0x0  }
0x112: {  	p4 =	sne.s32 s9, $0x2  }
.Ltmp17:
0x113: {  	_ = 	snop;
	(pc) =	sbr.rel @!p4 .LBB2_21-.Ltmp17, $3  }
0x114: {  	_ =	sdelay $0x1  }
0x115: {  	v16 =	vld.idx.msk [tilespmem:v14+s19+$0x0], $0xffff  }
0x116: {  	s0 =	simm.s32 $0x2;
	p6 =	por $0x1, $0x1;
	v14 =	vshll.u32 v15, $0x7;
	v15 =	vld.idx.msk [tilespmem:v15+s16+$0x0], $0xffff  }
0x117: {  	_ =	sdelay $0x2  }
0x118: {  	v17 =	vmov s0;
	v18 =	vbroadcast v16, $0x0  }
0x119: {  	p4 =	sne.s32 s9, $0x3  }
.Ltmp18:
0x11a: {  	_ = 	snop;
	(pc) =	sbr.rel @!p4 .LBB2_23-.Ltmp18, $3  }
0x11b: {  	_ =	sdelay $0x1  }
0x11c: {  	v16 =	vld.idx.msk [tilespmem:v17+s19+$0x0], $0xffff  }
0x11d: {  	s0 =	simm.s32 $0x3;
	p1 =	por $0x1, $0x1;
	(v2sf) =	vpush v15, $0x0;
	v21 =	vshll.u32 v18, $0x7;
	v15 =	vld.idx.msk [tilespmem:v18+s16+$0x0], $0xffff  }
0x11e: {  	_ =	sdelay $0x8  }
0x11f: {  	v18 =	vmov s0;
	v19 =	vbroadcast v16, $0x0  }
0x120: {  	p4 =	sne.s32 s9, $0x4  }
.Ltmp19:
0x121: {  	_ = 	snop;
	(pc) =	sbr.rel @!p4 .LBB2_25-.Ltmp19, $3  }
0x122: {  	_ =	sdelay $0x1  }
0x123: {  	s0 =	simm.s32 $0x4;
	v17 =	vor.u32 v10, v14;
	v20 =	vor.u32 v6, v14;
	v16 =	vld.idx.msk [tilespmem:v18+s19+$0x0], $0xffff;
	s3 =	spop (v2sf)  }
0x124: {  	p2 =	por $0x1, $0x1;
	(v2sf) =	vpush v15, $0x0;
	v23 =	vshll.u32 v19, $0x7;
	v18 =	vor.u32 v8, v14;
	v15 =	vld.idx.msk [tilespmem:v19+s16+$0x0], $0xffff;
	s12 =	sand.u32 $0x7F, s3;
	s23 =	sshll.u32 s3, $0x6  }
0x125: {  	_ =	sdelay $0x5  }
0x126: {  	v19 =	vmov s0;
	s31 =	sand.u32 $0x2000, s23  }
0x127: {  	v25 =	vor.u32 v0, v14;
	s0 =	sor.u32 s12, s31  }
0x128: {  	v27 =	vld.idx.msk [tilespmem:v17+s21+$0x0], $0xffff;
	v30 =	vor.u32 s0, v1  }
0x129: {  	v29 =	vld.idx.msk [tilespmem:v18+s21+$0x0], $0xffff;
	v32 =	vor.u32 s0, v5;
	v22 =	vbroadcast v16, $0x0  }
0x12a: {  	v24 =	vld.idx.msk [tilespmem:v20+s21+$0x0], $0xffff;
	p4 =	sne.s32 s9, $0x5  }
.Ltmp20:
0x12b: {  	v16 =	vld.idx.msk [tilespmem:v19+s19+$0x0], $0xffff;
	(pc) =	sbr.rel @!p4 .LBB2_27-.Ltmp20, $4  }
0x12c: {  	v28 =	vld.idx.msk [tilespmem:v25+s21+$0x0], $0xffff  }
0x12d: {  	v31 =	vor.u32 v10, v21;
	v35 =	vld.idx.msk [tilespmem:v30+s20+$0x0], $0xffff  }
0x12e: {  	s3 =	simm.s32 $0x5;
	v33 =	vor.u32 v8, v21;
	v36 =	vor.u32 v6, v21;
	v26 =	vor.u32 s0, v7;
	v38 =	vld.idx.msk [tilespmem:v32+s20+$0x0], $0xffff;
	s10 =	spop (v2sf)  }
0x12f: {  	p0 =	por $0x1, $0x1;
	(v2sf) =	vpush v15, $0x0;
	v19 =	vshll.u32 v22, $0x7;
	v30 =	vor.u32 s0, v9;
	v15 =	vld.idx.msk [tilespmem:v22+s16+$0x0], $0xffff;
	s5 =	sand.u32 $0x7F, s10;
	s0 =	sshll.u32 s10, $0x6  }
0x130: {  	_ =	sdelay $0x5  }
0x131: {  	v32 =	vmov s3;
	v34 =	vld.idx.msk [tilespmem:v26+s20+$0x0], $0xffff  }
0x132: {  	s10 =	sand.u32 $0x2000, s0;
	v42 =	vbroadcast v16, $0x0;
	v37 =	vor.u32 v0, v21;
	v43 =	vld.idx.msk [tilespmem:v30+s20+$0x0], $0xffff  }
0x133: {  	v39 =	vld.idx.msk [tilespmem:v31+s21+$0x0], $0xffff;
	s3 =	sor.u32 s5, s10  }
0x134: {  	v40 =	vld.idx.msk [tilespmem:v33+s21+$0x0], $0xffff;
	v46 =	vor.u32 s3, v1;
	(v2sf) =	vpush v15, $0x0  }
0x135: {  	v25 =	vld.idx.msk [tilespmem:v36+s21+$0x0], $0xffff;
	p4 =	sne.s32 s9, $0x6;
	v47 =	vor.u32 s3, v5  }
.Ltmp21:
0x136: {  	v44 =	vsub.f32 v28, v35;
	v16 =	vld.idx.msk [tilespmem:v32+s19+$0x0], $0xffff;
	v32 =	vor.u32 s3, v7;
	(pc) =	sbr.rel @!p4 .LBB2_29-.Ltmp21, $4  }
0x137: {  	v22 =	vor.u32 v10, v23;
	v45 =	vsub.f32 v24, v38;
	v41 =	vld.idx.msk [tilespmem:v37+s21+$0x0], $0xffff;
	v37 =	vor.u32 s3, v9  }
0x138: {  	v51 =	vshll.u32 v42, $0x7;
	v49 =	vmul.f32 v44, v44;
	v44 =	vsub.f32 v29, v34;
	v15 =	vld.idx.msk [tilespmem:v42+s16+$0x0], $0xffff  }
0x139: {  	p3 =	por $0x1, $0x1;
	v42 =	vmul.f32 v45, v45;
	v45 =	vsub.f32 v27, v43;
	v43 =	vor.u32 v8, v23;
	v48 =	vld.idx.msk [tilespmem:v46+s20+$0x0], $0xffff;
	s31 =	spop (v2sf)  }
0x13a: {  	s10 =	simm.s32 $0x6;
	v34 =	vmov v23;
	v46 =	vadd.f32 v49, v12;
	v49 =	vor.u32 v6, v23;
	v50 =	vld.idx.msk [tilespmem:v47+s20+$0x0], $0xffff;
	s3 =	sand.u32 $0x7F, s31;
	s31 =	sshll.u32 s31, $0x6  }
.LBB2_30:
0x13b: {  	v47 =	vmov s10;
	s10 =	sadd.s32 $0x1, s10;
	s31 =	sand.u32 $0x2000, s31;
	v52 =	vld.idx.msk [tilespmem:v32+s20+$0x0], $0xffff;
	v53 =	vmov v25  }
0x13c: {  	v54 =	vbroadcast v16, $0x0;
	v55 =	vor.u32 v0, v34;
	v34 =	vmovc v19;
	v19 =	vmov v51;
	p4 =	sne.s32 s9, s10;
	s3 =	sor.u32 s3, s31;
	v56 =	vld.idx.msk [tilespmem:v37+s20+$0x0], $0xffff  }
0x13d: {  	v16 =	vadd.f32 v42, v46;
	v32 =	vmul.f32 v44, v44;
	v57 =	vld.idx.msk [tilespmem:v22+s21+$0x0], $0xffff;
	v22 =	vor.u32 v10, v34  }
0x13e: {  	v46 =	vor.u32 s3, v1;
	(v2sf) =	vpush v15, $0x0;
	v58 =	vld.idx.msk [tilespmem:v43+s21+$0x0], $0xffff;
	v15 =	vmul.f32 v45, v45  }
0x13f: {  	v59 =	vor.u32 s3, v5;
	v42 =	vsub.f32 v41, v48;
	v43 =	vadd.f32 v32, v16;
	v25 =	vld.idx.msk [tilespmem:v49+s21+$0x0], $0xffff  }
.Ltmp22:
0x140: {  	v51 =	vshll.u32 v54, $0x7;
	v32 =	vor.u32 s3, v7;
	v44 =	vsub.f32 v53, v50;
	v16 =	vld.idx.msk [tilespmem:v47+s19+$0x0], $0xffff;
	(pc) =	sbr.rel @p4 .LBB2_30-.Ltmp22, $4  }
0x141: {  	v37 =	vor.u32 s3, v9;
	v47 =	vmul.f32 v42, v42;
	v49 =	vadd.f32 v15, v43;
	v41 =	vld.idx.msk [tilespmem:v55+s21+$0x0], $0xffff  }
0x142: {  	v42 =	vmul.f32 v44, v44;
	v44 =	vsub.f32 v40, v52;
	v45 =	vsub.f32 v39, v56;
	v15 =	vld.idx.msk [tilespmem:v54+s16+$0x0], $0xffff  }
0x143: {  	v43 =	vor.u32 v8, v34;
	v39 =	vmov v57;
	s31 =	spop (v2sf);
	v48 =	vld.idx.msk [tilespmem:v46+s20+$0x0], $0xffff;
	v46 =	vadd.f32 v47, v49  }
0x144: {  	v49 =	vor.u32 v6, v34;
	v40 =	vmov v58;
	s3 =	sand.u32 $0x7F, s31;
	s31 =	sshll.u32 s31, $0x6;
	v50 =	vld.idx.msk [tilespmem:v59+s20+$0x0], $0xffff  }
.Ltmp23:
0x145: {  	(pc) =	sbr.rel .LBB2_32-.Ltmp23, $2  }
0x146: {  	_ =	sdelay $0x2  }
0x147: {  	v47 =	vmov v19;
	v19 =	vmov v51  }
.LBB2_21:
.Ltmp24:
0x148: {  	(pc) =	sbr.rel .LBB2_32-.Ltmp24, $2  }
0x149: {  	_ =	sdelay $0x2  }
0x14a: {  	v19 =	vmov v14  }
.LBB2_23:
.Ltmp25:
0x14b: {  	(pc) =	sbr.rel .LBB2_32-.Ltmp25, $2  }
0x14c: {  	_ =	sdelay $0x2  }
0x14d: {  	v47 =	vmov v14;
	v19 =	vmov v21  }
.LBB2_25:
.Ltmp26:
0x14e: {  	(pc) =	sbr.rel .LBB2_32-.Ltmp26, $3  }
0x14f: {  	_ =	sdelay $0x1  }
0x150: {  	v47 =	vmov v21  }
0x151: {  	v19 =	vmovc v23;
	s31 =	smov.u32 s23;
	s3 =	smov.u32 s12;
	v34 =	vmovc v14;
	v22 =	vmov v17;
	v43 =	vmov v18;
	v49 =	vmov v20  }
.LBB2_27:
.Ltmp27:
0x152: {  	(pc) =	sbr.rel .LBB2_32-.Ltmp27, $4  }
0x153: {  	_ = 	snop  }
0x154: {  	v32 =	vmov v26;
	v25 =	vmov v24;
	v34 =	vmov v21  }
0x155: {  	v37 =	vmovc v30;
	v47 =	vmovc v23;
	v22 =	vmov v31;
	v43 =	vmov v33;
	v49 =	vmov v36  }
0x156: {  	s31 =	smov.u32 s0;
	s3 =	smov.u32 s5;
	v40 =	vmovc v29;
	v39 =	vmovc v27;
	v41 =	vmov v28;
	v48 =	vmov v35;
	v50 =	vmov v38  }
.LBB2_29:
.Ltmp28:
0x157: {  	(pc) =	sbr.rel .LBB2_32-.Ltmp28, $2  }
0x158: {  	_ =	sdelay $0x2  }
0x159: {  	v47 =	vmov v19;
	v34 =	vmov v23;
	v19 =	vmov v51  }
.LBB2_34:
0x15a: {  	s0 =	sadd.s32 $0x4, s29  }
0x15b: {  	p0 =	sge.u32 s0, s8  }
0x15c: {  	s0 =	sshll.u32 @!p0 s0, $0x7  }
0x15d: {  	s3 =	simm.s32 @!p0 $0x400;
	s0 =	sand.u32 @!p0 $0x1FFFFF00, s0  }
0x15e: {  	s5 =	simm.s32 @!p0 $0x7A1400;
	s9 =	simm.s32 @!p0 $0x15F00;
	s0 =	sadd.s32 @!p0 s4, s0  }
0x15f: {  	[tilespmem:s9], [sflag:$0x2] =	stream.strided.gather @!p0 [hbm4b:s0+s3], $0x2000, s5, s3, $0x38;
	v63 =	vld [tilespmem:$0x0]  }
0x160: {  	s0 =	sadd.s32 $0x5, s29  }
0x161: {  	p0 =	sge.u32 s0, s8  }
0x162: {  	s0 =	sshll.u32 @!p0 s0, $0x7  }
0x163: {  	s30 =	sld [smem:$0x7F9];
	s3 =	simm.s32 @!p0 $0x400;
	s0 =	sand.u32 @!p0 $0x1FFFFF80, s0  }
0x164: {  	s5 =	simm.s32 @!p0 $0x7A1400;
	s9 =	simm.s32 @!p0 $0x17F00;
	s0 =	sadd.s32 @!p0 s4, s0  }
0x165: {  	[tilespmem:s9], [sflag:$0x2] =	stream.strided.gather @!p0 [hbm4b:s0+s3], $0x2000, s5, s3, $0x38;
	v63 =	vld [tilespmem:$0x0]  }
0x166: {  	p0 =	seq.s32 s30, $0x1  }
0x167: {  	s0 =	simm.s32 @!p0 $0x3  }
0x168: {  	_ =	swait.ge @!p0 [sflag:s0], $0x2000  }
0x169: {  	[sflag:s0] =	ssyncset.done @!p0 $0x0  }
0x16a: {  	[sflag:s0] =	ssyncadd.s32 @!p0 $0xFFFFE000;
	s0 =	simm.s32 @!p5 $0x3  }
0x16b: {  	_ =	swait.ge @!p5 [sflag:s0], $0x2000  }
0x16c: {  	s31 =	sld [smem:$0x7FA];
	_ =	sdelay $0x2  }
0x16d: {  	p0 =	seq.s32 s31, $0x1  }
.Ltmp29:
0x16e: {  	_ = 	snop;
	(pc) =	sbr.rel @p0 .LBB2_53-.Ltmp29, $3  }
0x16f: {  	_ =	sdelay $0x1  }
0x170: {  	[sflag:s0] =	ssyncset.done @!p5 $0x0  }
0x171: {  	[sflag:s0] =	ssyncadd.s32 @!p5 $0xFFFFE000  }
.Ltmp30:
0x172: {  	(pc) =	sbr.rel .LBB2_36-.Ltmp30, $4  }
0x173: {  	_ = 	snop  }
0x174: {  	p0 =	slt.u32 s28, s8;
	s0 =	sshrl.u32 s28, $0x1  }
0x175: {  	s0 =	simm.s32 @!p0 $0xFFFFFFFF  }
0x176: {  	s28 =	simm.s32 $0x0;
	v13 =	vmov s0  }
.LBB2_38:
0x177: {  	_ = 	snop  }
.LBB2_51:
0x178: {  	_ =	sdelay $0x1  }
0x179: {  	v36 =	vor.u32 @p1 v0, v36  }
0x17a: {  	v42 =	vadd.f32 @p0 v42, v46;
	v44 =	vmul.f32 @p0 v44, v44;
	v16 =	vbroadcast v16, $0x0  }
0x17b: {  	s5 =	sand.u32 @p1 $0x2000, s5;
	v32 =	vld.idx.msk @p2 [tilespmem:v32+s20+$0x0], $0xffff;
	v45 =	vmul.f32 @p0 v45, v45;
	v21 =	vpsel p5, v47, v21;
	v20 =	vpsel p4, v20, v23  }
0x17c: {  	v37 =	vld.idx.msk @p2 [tilespmem:v37+s20+$0x0], $0xffff;
	s5 =	sor.u32 @p1 s12, s5;
	(v2sf) =	vpush @p4 v15, $0x0;
	v21 =	vor.u32 @p5 v0, v21;
	v14 =	vpsel p4, v20, v14  }
0x17d: {  	v49 =	vld.idx.msk @p1 [tilespmem:v49+s21+$0x0], $0xffff;
	s5 =	sor.u32 @p1 $0x4000, s5;
	v42 =	vadd.f32 @p0 v44, v42;
	v44 =	vor.u32 @p5 v10, v47;
	v41 =	vsub.f32 @p2 v41, v48  }
0x17e: {  	v22 =	vld.idx.msk @p1 [tilespmem:v22+s21+$0x0], $0xffff;
	v14 =	vor.u32 @p4 v0, v14;
	v46 =	vor.u32 @p1 s5, v1;
	v51 =	vor.u32 @p1 s5, v5  }
0x17f: {  	v15 =	vld.idx.msk @p1 [tilespmem:v43+s21+$0x0], $0xffff;
	v26 =	vsub.f32 @p2 v26, v50;
	v43 =	vor.u32 @p1 s5, v7;
	v23 =	vpsel p5, v44, v31  }
0x180: {  	v42 =	vadd.f32 @p0 v45, v42;
	v45 =	vor.u32 @p1 s5, v9;
	v41 =	vmul.f32 @p2 v41, v41  }
0x181: {  	v25 =	vpsel p1, v43, v25;
	v26 =	vmul.f32 @p2 v26, v26;
	v32 =	vsub.f32 @p2 v40, v32  }
0x182: {  	v36 =	vld.idx.msk @p1 [tilespmem:v36+s21+$0x0], $0xffff;
	v37 =	vsub.f32 @p2 v39, v37;
	v24 =	vpsel p1, v49, v24;
	v30 =	vpsel p1, v45, v30  }
0x183: {  	v22 =	vpsel p1, v22, v28;
	v40 =	vpsel p0, v42, v12;
	v42 =	vor.u32 @p5 v8, v47;
	v21 =	vld.idx.msk @p5 [tilespmem:v21+s21+$0x0], $0xffff;
	s5 =	spop @p5 (v2sf)  }
0x184: {  	v15 =	vpsel p1, v15, v29;
	v40 =	vadd.f32 @p2 v41, v40;
	v41 =	vor.u32 @p5 v6, v47;
	v39 =	vld.idx.msk @p1 [tilespmem:v46+s20+$0x0], $0xffff;
	s9 =	sshll.u32 @p5 s5, $0x6  }
0x185: {  	v26 =	vpsel p2, v26, v0;
	v32 =	vpsel p2, v32, v0;
	v47 =	vld.idx.msk [tilespmem:v16+s16+$0x0], $0xffff;
	v33 =	vpsel p5, v42, v33;
	s5 =	sand.u32 @p5 $0x7F, s5;
	s0 =	smov.u32 @p5 s9  }
0x186: {  	v37 =	vpsel p2, v37, v0;
	v46 =	vld.idx.msk @p1 [tilespmem:v51+s20+$0x0], $0xffff;
	v35 =	vpsel p5, v41, v35;
	v31 =	vpsel p2, v40, v0;
	s3 =	smov.u32 @p5 s5;
	s0 =	sand.u32 @p5 $0x2000, s0  }
0x187: {  	v29 =	vmul.f32 @p2 v32, v32;
	v26 =	vadd.f32 @p2 v26, v31;
	v28 =	vld.idx.msk @p1 [tilespmem:v30+s20+$0x0], $0xffff;
	v30 =	vor.u32 @p4 v10, v20;
	s0 =	sor.u32 @p5 s3, s0  }
0x188: {  	v25 =	vld.idx.msk @p1 [tilespmem:v25+s20+$0x0], $0xffff;
	v27 =	vpsel p1, v36, v27;
	v31 =	vmul.f32 @p2 v37, v37;
	v17 =	vpsel p4, v30, v17;
	s0 =	sor.u32 @p5 $0x4000, s0  }
0x189: {  	v26 =	vadd.f32 @p2 v29, v26;
	v34 =	vpsel p1, v39, v34;
	v29 =	vor.u32 @p5 s0, v1  }
0x18a: {  	v21 =	vpsel p5, v21, v0;
	(v2sf) =	vpush v47, $0x0;
	v27 =	vsub.f32 @p1 v27, v34  }
0x18b: {  	v36 =	vpsel p1, v46, v38;
	v32 =	vld.idx.msk @p5 [tilespmem:v35+s21+$0x0], $0xffff;
	v34 =	vor.u32 @p5 s0, v5;
	v26 =	vadd.f32 @p2 v31, v26  }
0x18c: {  	v35 =	vor.u32 @p5 s0, v9;
	v24 =	vsub.f32 @p1 v24, v36;
	v27 =	vmul.f32 @p1 v27, v27  }
0x18d: {  	v33 =	vld.idx.msk @p5 [tilespmem:v33+s21+$0x0], $0xffff;
	v31 =	vor.u32 @p5 s0, v7;
	v15 =	vsub.f32 @p1 v15, v25;
	v25 =	vpsel p2, v26, v12  }
0x18e: {  	v22 =	vsub.f32 @p1 v22, v28;
	s0 =	spop @p4 (v2sf);
	v25 =	vadd.f32 @p1 v27, v25;
	v27 =	vld.idx.msk @p5 [tilespmem:v29+s20+$0x0], $0xffff;
	v29 =	vpsel p5, v31, v0  }
0x18f: {  	v28 =	vor.u32 @p4 v6, v20;
	v24 =	vmul.f32 @p1 v24, v24;
	v26 =	vor.u32 @p4 v8, v20;
	s3 =	sshll.u32 @p4 s0, $0x6  }
0x190: {  	v20 =	vpsel p5, v35, v0;
	s0 =	sand.u32 @p4 $0x7F, s0;
	v31 =	vpsel p5, v32, v0;
	s30 =	smov.u32 @p4 s3;
	v32 =	vld.idx.msk @p5 [tilespmem:v34+s20+$0x0], $0xffff;
	v25 =	vpsel p1, v25, v0  }
0x191: {  	v23 =	vld.idx.msk @p5 [tilespmem:v23+s21+$0x0], $0xffff;
	v15 =	vpsel p1, v15, v0;
	v19 =	vpsel p4, v28, v19;
	s29 =	smov.u32 @p4 s0;
	v24 =	vpsel p1, v24, v0;
	s0 =	sand.u32 @p4 $0x2000, s30  }
0x192: {  	v22 =	vpsel p1, v22, v0;
	v15 =	vmul.f32 @p1 v15, v15;
	s0 =	sor.u32 @p4 s29, s0;
	v24 =	vadd.f32 @p1 v24, v25  }
0x193: {  	v16 =	vshll.u32 v16, $0x7;
	v18 =	vpsel p4, v26, v18;
	v22 =	vmul.f32 @p1 v22, v22;
	s0 =	sor.u32 @p4 $0x4000, s0;
	v25 =	vmovc @p5 v33;
	v29 =	vld.idx.msk @p5 [tilespmem:v29+s20+$0x0], $0xffff  }
0x194: {  	v26 =	vpsel p5, v27, v0;
	v27 =	vor.u32 @p4 s0, v1;
	v15 =	vadd.f32 @p1 v15, v24  }
0x195: {  	v20 =	vld.idx.msk @p5 [tilespmem:v20+s20+$0x0], $0xffff;
	v28 =	vpsel p5, v32, v0;
	v24 =	vpsel p5, v25, v0;
	v21 =	vsub.f32 @p5 v21, v26  }
0x196: {  	v26 =	vor.u32 @p4 s0, v5;
	v15 =	vadd.f32 @p1 v22, v15;
	v22 =	vpsel p5, v23, v0;
	v25 =	vmovc @p5 v31  }
0x197: {  	v14 =	vld.idx.msk @p4 [tilespmem:v14+s21+$0x0], $0xffff;
	v23 =	vor.u32 @p4 s0, v7;
	v21 =	vmul.f32 @p5 v21, v21;
	v25 =	vsub.f32 @p5 v25, v28  }
0x198: {  	v17 =	vld.idx.msk @p4 [tilespmem:v17+s21+$0x0], $0xffff;
	v28 =	vor.u32 @p4 s0, v9;
	v15 =	vpsel p1, v15, v12;
	v24 =	vsub.f32 @p5 v24, v29  }
0x199: {  	v27 =	vld.idx.msk @p4 [tilespmem:v27+s20+$0x0], $0xffff;
	v15 =	vadd.f32 @p5 v21, v15;
	v21 =	vpsel p4, v23, v0;
	v25 =	vmul.f32 @p5 v25, v25  }
0x19a: {  	v48 =	vor.u32 v8, v16;
	v19 =	vld.idx.msk @p4 [tilespmem:v19+s21+$0x0], $0xffff;
	v20 =	vsub.f32 @p5 v22, v20;
	s30 =	spop (v2sf);
	v23 =	vpsel p4, v28, v0  }
0x19b: {  	s31 =	sshll.u32 s30, $0x6;
	v26 =	vld.idx.msk @p4 [tilespmem:v26+s20+$0x0], $0xffff;
	v15 =	vpsel p5, v15, v0;
	v24 =	vpsel p5, v24, v0;
	v25 =	vpsel p5, v25, v0  }
0x19c: {  	v49 =	vor.u32 v6, v16;
	s0 =	sand.u32 $0x7F, s30;
	s3 =	sand.u32 $0x2000, s31;
	v24 =	vmul.f32 @p5 v24, v24;
	v15 =	vadd.f32 @p5 v25, v15  }
0x19d: {  	v50 =	vor.u32 v0, v16;
	v14 =	vpsel p4, v14, v0;
	v18 =	vld.idx.msk @p4 [tilespmem:v18+s21+$0x0], $0xffff;
	v20 =	vpsel p5, v20, v0;
	s0 =	sor.u32 s0, s3  }
0x19e: {  	v20 =	vmul.f32 @p5 v20, v20;
	s0 =	sor.u32 $0x4000, s0;
	v25 =	vpsel p4, v27, v0;
	v21 =	vld.idx.msk @p4 [tilespmem:v21+s20+$0x0], $0xffff;
	v15 =	vadd.f32 @p5 v24, v15  }
0x19f: {  	v17 =	vpsel p4, v17, v0;
	v51 =	vor.u32 s0, v1;
	v23 =	vld.idx.msk @p4 [tilespmem:v23+s20+$0x0], $0xffff;
	v14 =	vsub.f32 @p4 v14, v25  }
0x1a0: {  	v19 =	vpsel p4, v19, v0;
	v25 =	vpsel p4, v26, v0;
	v15 =	vadd.f32 @p5 v20, v15  }
0x1a1: {  	v52 =	vor.u32 s0, v5;
	v19 =	vsub.f32 @p4 v19, v25;
	v14 =	vmul.f32 @p4 v14, v14  }
0x1a2: {  	v18 =	vpsel p4, v18, v0;
	v53 =	vor.u32 s0, v7;
	v15 =	vpsel p5, v15, v12  }
0x1a3: {  	v54 =	vld.idx.msk [tilespmem:v50+s21+$0x0], $0xffff;
	v19 =	vmul.f32 @p4 v19, v19;
	v18 =	vsub.f32 @p4 v18, v21;
	v14 =	vadd.f32 @p4 v14, v15  }
0x1a4: {  	v55 =	vor.u32 s0, v9;
	v56 =	vld.idx.msk [tilespmem:v51+s20+$0x0], $0xffff;
	v17 =	vsub.f32 @p4 v17, v23;
	v15 =	vor.u32 v10, v16  }
0x1a5: {  	v57 =	vld.idx.msk [tilespmem:v49+s21+$0x0], $0xffff;
	v19 =	vpsel p4, v19, v0;
	v18 =	vpsel p4, v18, v0;
	v14 =	vpsel p4, v14, v0  }
0x1a6: {  	v20 =	vld.idx.msk [tilespmem:v52+s20+$0x0], $0xffff;
	v18 =	vmul.f32 @p4 v18, v18;
	v14 =	vadd.f32 @p4 v19, v14  }
0x1a7: {  	v58 =	vld.idx.msk [tilespmem:v48+s21+$0x0], $0xffff;
	v17 =	vpsel p4, v17, v0  }
0x1a8: {  	v59 =	vld.idx.msk [tilespmem:v53+s20+$0x0], $0xffff;
	v17 =	vmul.f32 @p4 v17, v17;
	v14 =	vadd.f32 @p4 v18, v14  }
0x1a9: {  	v16 =	vld.idx.msk [tilespmem:v55+s20+$0x0], $0xffff;
	v60 =	vsub.f32 v54, v56  }
0x1aa: {  	v15 =	vld.idx.msk [tilespmem:v15+s21+$0x0], $0xffff;
	v14 =	vadd.f32 @p4 v17, v14  }
0x1ab: {  	v61 =	vsub.f32 v57, v20;
	v18 =	vmul.f32 v60, v60  }
0x1ac: {  	v12 =	vpsel p4, v14, v12  }
0x1ad: {  	v62 =	vsub.f32 v58, v59;
	v14 =	vmul.f32 v61, v61;
	v12 =	vadd.f32 v18, v12;
	_ =	sdelay $0x1  }
0x1ae: {  	v15 =	vsub.f32 v15, v16;
	v12 =	vadd.f32 v14, v12;
	v14 =	vmul.f32 v62, v62;
	_ =	sdelay $0x1  }
0x1af: {  	v15 =	vmul.f32 v15, v15;
	v12 =	vadd.f32 v14, v12;
	_ =	sdelay $0x1  }
0x1b0: {  	v12 =	vadd.f32 v15, v12  }
.LBB2_52:
0x1b1: {  	s28 =	sadd.s32 $0x1, s28  }
0x1b2: {  	p0 =	sne.s32 s28, s25  }
.Ltmp31:
0x1b3: {  	_ = 	snop;
	(pc) =	sbr.rel @!p0 .LBB2_53-.Ltmp31, $1  }
0x1b4: {  	_ =	sdelay $0x3  }
.LBB2_36:
0x1b5: {  	s0 =	sshll.u32 s28, $0x4  }
0x1b6: {  	v14 =	vld [tilespmem:s0+$0x1000];
	_ =	sdelay $0x4  }
0x1b7: {  	v15 =	vshrl.u32 v14, $0x7;
	v14 =	vshrl.u32 v14, $0x8  }
0x1b8: {  	vm0 =	veq.s32 v14, v13;
	vm1 =	vlt.u32 v15, v3;
	v14 =	vor.u32 s0, v0  }
0x1b9: {  	vm0 =	vmand vm0, vm1;
	vm1 =	vlt.s32 v14, v11  }
0x1ba: {  	vm0 =	vmand vm1, vm0  }
0x1bb: {  	v15 =	vmpcnt.ones.xlane vm0;
	_ =	sdelay $0x1  }
0x1bc: {  	(v2sf) =	vpush v15, $0x0;
	_ =	sdelay $0xe  }
0x1bd: {  	s23 =	spop (v2sf)  }
0x1be: {  	p0 =	slt.s32 s23, $0x1  }
.Ltmp32:
0x1bf: {  	_ = 	snop;
	(pc) =	sbr.rel @p0 .LBB2_52-.Ltmp32, $1  }
0x1c0: {  	_ =	sdelay $0x3  }
0x1c1: {  	v15 =	vsel vm0, $0x1, v4  }
0x1c2: {  	(xrf0) =	vadd.scan.msk.s32 $0xffff, v15;
	_ =	sdelay $0x5  }
0x1c3: {  	v15, _, _ =	vpop (xrf0)  }
0x1c4: {  	s0 =	simm.s32 $0x0;
	v15 =	vadd.s32 $0xFFFFFFFF, v15  }
0x1c5: {  	v16 =	vmov s0  }
0x1c6: {  	p3 =	sne.s32 s23, $0x1  }
.Ltmp33:
0x1c7: {  	_ = 	snop;
	(pc) =	sbr.rel @!p3 .LBB2_38-.Ltmp33, $4  }
0x1c8: {  	_ = 	snop  }
0x1c9: {  	[tilespmem:v15+s19+$0x0] =	vst.idx.msk vm0, v14  }
0x1ca: {  	p4 =	por $0x0, $0x0;
	p5 =	por $0x0, $0x0;
	p1 =	por $0x0, $0x0;
	v16 =	vld.idx.msk [tilespmem:v16+s19+$0x0], $0xffff  }
0x1cb: {  	p2 =	por $0x0, $0x0;
	p0 =	por $0x0, $0x0;
	s0 =	simm.s32 $0x1  }
0x1cc: {  	_ =	sdelay $0x2  }
0x1cd: {  	v14 =	vmov s0;
	v15 =	vbroadcast v16, $0x0  }
0x1ce: {  	p3 =	sne.s32 s23, $0x2  }
.Ltmp34:
0x1cf: {  	_ = 	snop;
	(pc) =	sbr.rel @!p3 .LBB2_40-.Ltmp34, $3  }
0x1d0: {  	_ =	sdelay $0x1  }
0x1d1: {  	v16 =	vld.idx.msk [tilespmem:v14+s19+$0x0], $0xffff  }
0x1d2: {  	s0 =	simm.s32 $0x2;
	p4 =	por $0x1, $0x1;
	v14 =	vshll.u32 v15, $0x7;
	v15 =	vld.idx.msk [tilespmem:v15+s16+$0x0], $0xffff  }
0x1d3: {  	_ =	sdelay $0x2  }
0x1d4: {  	v17 =	vmov s0;
	v18 =	vbroadcast v16, $0x0  }
0x1d5: {  	p3 =	sne.s32 s23, $0x3  }
.Ltmp35:
0x1d6: {  	_ = 	snop;
	(pc) =	sbr.rel @!p3 .LBB2_42-.Ltmp35, $3  }
0x1d7: {  	_ =	sdelay $0x1  }
0x1d8: {  	v16 =	vld.idx.msk [tilespmem:v17+s19+$0x0], $0xffff  }
0x1d9: {  	s0 =	simm.s32 $0x3;
	p5 =	por $0x1, $0x1;
	(v2sf) =	vpush v15, $0x0;
	v21 =	vshll.u32 v18, $0x7;
	v15 =	vld.idx.msk [tilespmem:v18+s16+$0x0], $0xffff  }
0x1da: {  	_ =	sdelay $0x8  }
0x1db: {  	v18 =	vmov s0;
	v19 =	vbroadcast v16, $0x0  }
0x1dc: {  	p3 =	sne.s32 s23, $0x4  }
.Ltmp36:
0x1dd: {  	_ = 	snop;
	(pc) =	sbr.rel @!p3 .LBB2_44-.Ltmp36, $4  }
0x1de: {  	_ = 	snop  }
0x1df: {  	(v2sf) =	vpush v15, $0x0  }
0x1e0: {  	s0 =	simm.s32 $0x4;
	v17 =	vor.u32 v10, v14;
	v16 =	vld.idx.msk [tilespmem:v18+s19+$0x0], $0xffff;
	s3 =	spop (v2sf)  }
0x1e1: {  	p1 =	por $0x1, $0x1;
	v23 =	vshll.u32 v19, $0x7;
	v18 =	vor.u32 v8, v14;
	v15 =	vld.idx.msk [tilespmem:v19+s16+$0x0], $0xffff;
	v19 =	vor.u32 v6, v14;
	s29 =	sand.u32 $0x7F, s3;
	s30 =	sshll.u32 s3, $0x6  }
0x1e2: {  	_ =	sdelay $0x2  }
0x1e3: {  	s31 =	sand.u32 $0x2000, s30  }
0x1e4: {  	v20 =	vmov s0;
	s0 =	sor.u32 s29, s31  }
0x1e5: {  	v25 =	vor.u32 v0, v14;
	s0 =	sor.u32 $0x4000, s0  }
0x1e6: {  	v28 =	vld.idx.msk [tilespmem:v17+s21+$0x0], $0xffff;
	v26 =	vor.u32 s0, v1  }
0x1e7: {  	v29 =	vld.idx.msk [tilespmem:v18+s21+$0x0], $0xffff;
	v22 =	vbroadcast v16, $0x0;
	v32 =	vor.u32 s0, v5  }
0x1e8: {  	v24 =	vld.idx.msk [tilespmem:v19+s21+$0x0], $0xffff;
	p3 =	sne.s32 s23, $0x5  }
.Ltmp37:
0x1e9: {  	v16 =	vld.idx.msk [tilespmem:v20+s19+$0x0], $0xffff;
	(pc) =	sbr.rel @!p3 .LBB2_46-.Ltmp37, $4  }
0x1ea: {  	v27 =	vld.idx.msk [tilespmem:v25+s21+$0x0], $0xffff  }
0x1eb: {  	v31 =	vor.u32 v10, v21;
	v34 =	vld.idx.msk [tilespmem:v26+s20+$0x0], $0xffff  }
0x1ec: {  	s5 =	simm.s32 $0x5;
	v33 =	vor.u32 v8, v21;
	v35 =	vor.u32 v6, v21;
	v30 =	vor.u32 s0, v9;
	v38 =	vld.idx.msk [tilespmem:v32+s20+$0x0], $0xffff;
	s9 =	spop (v2sf)  }
0x1ed: {  	p2 =	por $0x1, $0x1;
	(v2sf) =	vpush v15, $0x0;
	v20 =	vshll.u32 v22, $0x7;
	v25 =	vor.u32 s0, v7;
	v15 =	vld.idx.msk [tilespmem:v22+s16+$0x0], $0xffff;
	s3 =	sand.u32 $0x7F, s9;
	s0 =	sshll.u32 s9, $0x6  }
0x1ee: {  	_ =	sdelay $0x5  }
0x1ef: {  	v32 =	vmov s5;
	s12 =	sand.u32 $0x2000, s0;
	v36 =	vld.idx.msk [tilespmem:v25+s20+$0x0], $0xffff  }
0x1f0: {  	v42 =	vbroadcast v16, $0x0;
	v37 =	vor.u32 v0, v21;
	v43 =	vld.idx.msk [tilespmem:v30+s20+$0x0], $0xffff;
	s5 =	sor.u32 s3, s12  }
0x1f1: {  	v39 =	vld.idx.msk [tilespmem:v31+s21+$0x0], $0xffff;
	s5 =	sor.u32 $0x4000, s5  }
0x1f2: {  	v40 =	vld.idx.msk [tilespmem:v33+s21+$0x0], $0xffff;
	v46 =	vor.u32 s5, v1;
	(v2sf) =	vpush v15, $0x0  }
0x1f3: {  	v26 =	vld.idx.msk [tilespmem:v35+s21+$0x0], $0xffff;
	p3 =	sne.s32 s23, $0x6;
	v47 =	vor.u32 s5, v5  }
.Ltmp38:
0x1f4: {  	v44 =	vsub.f32 v27, v34;
	v16 =	vld.idx.msk [tilespmem:v32+s19+$0x0], $0xffff;
	v32 =	vor.u32 s5, v7;
	(pc) =	sbr.rel @!p3 .LBB2_48-.Ltmp38, $4  }
0x1f5: {  	v22 =	vor.u32 v10, v23;
	v45 =	vsub.f32 v24, v38;
	v41 =	vld.idx.msk [tilespmem:v37+s21+$0x0], $0xffff;
	v37 =	vor.u32 s5, v9  }
0x1f6: {  	v51 =	vshll.u32 v42, $0x7;
	v49 =	vmul.f32 v44, v44;
	v44 =	vsub.f32 v29, v36;
	v15 =	vld.idx.msk [tilespmem:v42+s16+$0x0], $0xffff  }
0x1f7: {  	s9 =	simm.s32 $0x6;
	v42 =	vmul.f32 v45, v45;
	v45 =	vsub.f32 v28, v43;
	v43 =	vor.u32 v8, v23;
	v48 =	vld.idx.msk [tilespmem:v46+s20+$0x0], $0xffff;
	s31 =	spop (v2sf)  }
0x1f8: {  	p0 =	por $0x1, $0x1;
	v36 =	vmov v23;
	v46 =	vadd.f32 v49, v12;
	v49 =	vor.u32 v6, v23;
	v50 =	vld.idx.msk [tilespmem:v47+s20+$0x0], $0xffff;
	s12 =	sand.u32 $0x7F, s31;
	s5 =	sshll.u32 s31, $0x6  }
.LBB2_49:
0x1f9: {  	v47 =	vmov s9;
	s9 =	sadd.s32 $0x1, s9;
	s5 =	sand.u32 $0x2000, s5;
	v52 =	vld.idx.msk [tilespmem:v32+s20+$0x0], $0xffff;
	v53 =	vmov v26  }
0x1fa: {  	v54 =	vbroadcast v16, $0x0;
	v55 =	vor.u32 v0, v36;
	v36 =	vmovc v20;
	v20 =	vmov v51;
	p3 =	sne.s32 s23, s9;
	s5 =	sor.u32 s12, s5;
	v56 =	vld.idx.msk [tilespmem:v37+s20+$0x0], $0xffff  }
0x1fb: {  	v16 =	vadd.f32 v42, v46;
	v32 =	vmul.f32 v44, v44;
	s5 =	sor.u32 $0x4000, s5;
	v57 =	vld.idx.msk [tilespmem:v22+s21+$0x0], $0xffff;
	v22 =	vor.u32 v10, v36  }
0x1fc: {  	(v2sf) =	vpush v15, $0x0;
	v46 =	vor.u32 s5, v1;
	v58 =	vld.idx.msk [tilespmem:v43+s21+$0x0], $0xffff;
	v15 =	vmul.f32 v45, v45  }
0x1fd: {  	v59 =	vor.u32 s5, v5;
	v42 =	vsub.f32 v41, v48;
	v43 =	vadd.f32 v32, v16;
	v26 =	vld.idx.msk [tilespmem:v49+s21+$0x0], $0xffff  }
.Ltmp39:
0x1fe: {  	v51 =	vshll.u32 v54, $0x7;
	v32 =	vor.u32 s5, v7;
	v44 =	vsub.f32 v53, v50;
	v16 =	vld.idx.msk [tilespmem:v47+s19+$0x0], $0xffff;
	(pc) =	sbr.rel @p3 .LBB2_49-.Ltmp39, $4  }
0x1ff: {  	v37 =	vor.u32 s5, v9;
	v47 =	vmul.f32 v42, v42;
	v49 =	vadd.f32 v15, v43;
	v41 =	vld.idx.msk [tilespmem:v55+s21+$0x0], $0xffff  }
0x200: {  	v42 =	vmul.f32 v44, v44;
	v44 =	vsub.f32 v40, v52;
	v45 =	vsub.f32 v39, v56;
	v15 =	vld.idx.msk [tilespmem:v54+s16+$0x0], $0xffff  }
0x201: {  	v43 =	vor.u32 v8, v36;
	v39 =	vmov v57;
	s5 =	spop (v2sf);
	v48 =	vld.idx.msk [tilespmem:v46+s20+$0x0], $0xffff;
	v46 =	vadd.f32 v47, v49  }
0x202: {  	v49 =	vor.u32 v6, v36;
	v40 =	vmov v58;
	s12 =	sand.u32 $0x7F, s5;
	s5 =	sshll.u32 s5, $0x6;
	v50 =	vld.idx.msk [tilespmem:v59+s20+$0x0], $0xffff  }
.Ltmp40:
0x203: {  	(pc) =	sbr.rel .LBB2_51-.Ltmp40, $2  }
0x204: {  	_ =	sdelay $0x2  }
0x205: {  	v47 =	vmov v20;
	v20 =	vmov v51  }
.LBB2_40:
.Ltmp41:
0x206: {  	(pc) =	sbr.rel .LBB2_51-.Ltmp41, $2  }
0x207: {  	_ =	sdelay $0x2  }
0x208: {  	v20 =	vmov v14  }
.LBB2_42:
.Ltmp42:
0x209: {  	(pc) =	sbr.rel .LBB2_51-.Ltmp42, $2  }
0x20a: {  	_ =	sdelay $0x2  }
0x20b: {  	v47 =	vmov v14;
	v20 =	vmov v21  }
.LBB2_44:
.Ltmp43:
0x20c: {  	(pc) =	sbr.rel .LBB2_51-.Ltmp43, $3  }
0x20d: {  	_ =	sdelay $0x1  }
0x20e: {  	v47 =	vmov v21  }
0x20f: {  	v20 =	vmovc v23;
	s5 =	smov.u32 s30;
	s12 =	smov.u32 s29;
	v36 =	vmovc v14;
	v22 =	vmov v17;
	v43 =	vmov v18;
	v49 =	vmov v19  }
.LBB2_46:
.Ltmp44:
0x210: {  	(pc) =	sbr.rel .LBB2_51-.Ltmp44, $4  }
0x211: {  	_ = 	snop  }
0x212: {  	v32 =	vmov v25;
	v26 =	vmov v24;
	v36 =	vmov v21  }
0x213: {  	v37 =	vmovc v30;
	v47 =	vmovc v23;
	v22 =	vmov v31;
	v43 =	vmov v33;
	v49 =	vmov v35  }
0x214: {  	s5 =	smov.u32 s0;
	s12 =	smov.u32 s3;
	v40 =	vmovc v29;
	v39 =	vmovc v28;
	v41 =	vmov v27;
	v48 =	vmov v34;
	v50 =	vmov v38  }
.LBB2_48:
.Ltmp45:
0x215: {  	(pc) =	sbr.rel .LBB2_51-.Ltmp45, $2  }
0x216: {  	_ =	sdelay $0x2  }
0x217: {  	v47 =	vmov v20;
	v36 =	vmov v23;
	v20 =	vmov v51  }
.LBB2_54:
0x218: {  	s0 =	sld [smem:$0x7FB];
	_ =	sdelay $0x2  }
0x219: {  	p0 =	seq.s32 s0, $0x1  }
0x21a: {  	s5 =	rddreg [dreg:$0x3];
	s0 =	simm.s32 @!p0 $0x0;
	s3 =	simm.s32 @!p0 $0x1DF00  }
0x21b: {  	[tilespmem:s3], [sflag:$0x4] =	stream.linear.gather @!p0 [hbm4b:s5+s0], $0x2000, $0x38;
	v63 =	vld [tilespmem:$0x0]  }
0x21c: {  	s0 =	simm.s32 @!p0 $0x4  }
0x21d: {  	_ =	swait.ge @!p0 [sflag:s0], $0x2000  }
0x21e: {  	s31 =	sld [smem:$0x7FA];
	_ =	sdelay $0x2  }
0x21f: {  	p1 =	seq.s32 s31, $0x1  }
.Ltmp46:
0x220: {  	_ = 	snop;
	(pc) =	sbr.rel @p1 .LBB2_73-.Ltmp46, $3  }
0x221: {  	_ =	sdelay $0x1  }
0x222: {  	[sflag:s0] =	ssyncset.done @!p0 $0x0  }
0x223: {  	[sflag:s0] =	ssyncadd.s32 @!p0 $0xFFFFE000  }
.Ltmp47:
0x224: {  	(pc) =	sbr.rel .LBB2_56-.Ltmp47, $4  }
0x225: {  	s0 =	simm.s32 @!p0 $0x1E84  }
0x226: {  	s3 =	rddreg [dreg:$0x7];
	s0 =	simm.s32 @p0 $0x0  }
0x227: {  	s0 =	sadd.s32 s3, s0  }
0x228: {  	s26 =	simm.s32 $0x0;
	s28 =	simm.s32 $0x0;
	v13 =	vmov s0  }
.LBB2_58:
0x229: {  	_ = 	snop  }
.LBB2_71:
0x22a: {  	_ =	sdelay $0x2  }
0x22b: {  	v44 =	vadd.f32 @p4 v44, v46;
	v45 =	vmul.f32 @p4 v45, v45  }
0x22c: {  	s5 =	sadd.s32 @p2 $0xF85F0000, s5;
	v35 =	vld.idx.msk @p0 [tilespmem:v35+s22+$0x0], $0xffff;
	v30 =	vsub.f32 @p0 v30, v39;
	v62 =	vbroadcast v15, $0x0;
	v22 =	vpsel p3, v24, v22  }
0x22d: {  	v20 =	vld.idx.msk @p3 [tilespmem:v20+s21+$0x0], $0xffff;
	v21 =	vpsel p1, v21, v23;
	v52 =	vor.u32 @p2 s5, v0;
	v39 =	vor.u32 @p2 s5, v6  }
0x22e: {  	v38 =	vld.idx.msk @p2 [tilespmem:v38+s21+$0x0], $0xffff;
	v53 =	vor.u32 @p2 s5, v8;
	(v2sf) =	vpush @p3 v16, $0x0;
	v21 =	vpsel p1, v21, v0  }
0x22f: {  	v42 =	vld.idx.msk @p2 [tilespmem:v42+s21+$0x0], $0xffff;
	v44 =	vadd.f32 @p4 v45, v44;
	v30 =	vmul.f32 @p0 v30, v30;
	v43 =	vsub.f32 @p0 v43, v48  }
0x230: {  	v16 =	vld.idx.msk @p2 [tilespmem:v50+s21+$0x0], $0xffff;
	v15 =	vshll.u32 v62, $0x7;
	v48 =	vor.u32 @p2 s5, v10;
	v41 =	vsub.f32 @p0 v41, v51  }
0x231: {  	v26 =	vpsel p2, v48, v26;
	v44 =	vpsel p4, v44, v12;
	v43 =	vmul.f32 @p0 v43, v43  }
0x232: {  	v30 =	vadd.f32 @p0 v30, v44;
	v44 =	vor.u32 @p1 v8, v40;
	v41 =	vmul.f32 @p0 v41, v41;
	v45 =	vld.idx.msk @p2 [tilespmem:v52+s22+$0x0], $0xffff  }
0x233: {  	v35 =	vsub.f32 @p0 v49, v35;
	v49 =	vor.u32 @p1 v6, v40;
	v40 =	vor.u32 @p1 v0, v40;
	v39 =	vld.idx.msk @p2 [tilespmem:v39+s22+$0x0], $0xffff  }
0x234: {  	v27 =	vpsel p2, v42, v27;
	v28 =	vpsel p2, v38, v28;
	v20 =	vpsel p3, v20, v32;
	v46 =	vld.idx.msk [tilespmem:v62+s16+$0x0], $0xffff  }
0x235: {  	v31 =	vpsel p1, v44, v31;
	v16 =	vpsel p2, v16, v25;
	s5 =	spop @p1 (v2sf);
	v30 =	vadd.f32 @p0 v43, v30;
	v43 =	vld.idx.msk @p2 [tilespmem:v53+s22+$0x0], $0xffff  }
0x236: {  	v25 =	vmovc @p2 v47;
	v33 =	vpsel p1, v49, v33;
	v36 =	vpsel p1, v40, v36;
	v41 =	vpsel p0, v41, v0;
	s5 =	sshll.u32 @p1 s5, $0x7  }
0x237: {  	v35 =	vpsel p0, v35, v0;
	v24 =	vpsel p2, v25, v14;
	s0 =	smov.u32 @p1 s5;
	v30 =	vpsel p0, v30, v0  }
0x238: {  	v23 =	vld.idx.msk @p2 [tilespmem:v26+s22+$0x0], $0xffff;
	s0 =	sadd.s32 @p1 $0xF85F0000, s0;
	v25 =	vadd.f32 @p0 v41, v30;
	v30 =	vmul.f32 @p0 v35, v35;
	v29 =	vpsel p2, v45, v29  }
0x239: {  	v34 =	vpsel p2, v39, v34;
	v39 =	vor.u32 @p1 s0, v0;
	(v2sf) =	vpush v46, $0x0  }
0x23a: {  	v26 =	vor.u32 @p1 s0, v6;
	v37 =	vpsel p2, v43, v37;
	v16 =	vsub.f32 @p2 v16, v29  }
0x23b: {  	v33 =	vld.idx.msk @p1 [tilespmem:v33+s21+$0x0], $0xffff;
	v25 =	vadd.f32 @p0 v30, v25;
	v30 =	vor.u32 @p1 s0, v8;
	v27 =	vsub.f32 @p2 v27, v34  }
0x23c: {  	v29 =	vld.idx.msk @p1 [tilespmem:v36+s21+$0x0], $0xffff;
	v34 =	vor.u32 @p1 s0, v10;
	v28 =	vsub.f32 @p2 v28, v37;
	v16 =	vmul.f32 @p2 v16, v16  }
0x23d: {  	v31 =	vld.idx.msk @p1 [tilespmem:v31+s21+$0x0], $0xffff;
	v23 =	vsub.f32 @p2 v24, v23;
	v24 =	vor.u32 @p3 v6, v22;
	v25 =	vpsel p0, v25, v12  }
0x23e: {  	v17 =	vpsel p3, v24, v17;
	v32 =	vld.idx.msk @p1 [tilespmem:v39+s22+$0x0], $0xffff;
	v16 =	vadd.f32 @p2 v16, v25;
	v25 =	vmul.f32 @p2 v27, v27  }
0x23f: {  	v28 =	vmul.f32 @p2 v28, v28;
	v27 =	vor.u32 @p3 v8, v22;
	s0 =	spop @p3 (v2sf);
	v26 =	vld.idx.msk @p1 [tilespmem:v26+s22+$0x0], $0xffff;
	v22 =	vor.u32 @p3 v0, v22  }
0x240: {  	s0 =	sshll.u32 @p3 s0, $0x7;
	v18 =	vpsel p3, v27, v18;
	v16 =	vadd.f32 @p2 v25, v16;
	v25 =	vpsel p1, v34, v0  }
0x241: {  	v30 =	vld.idx.msk @p1 [tilespmem:v30+s22+$0x0], $0xffff;
	v27 =	vpsel p1, v29, v0;
	v19 =	vpsel p3, v22, v19;
	v22 =	vpsel p2, v23, v0;
	s3 =	smov.u32 @p3 s0  }
0x242: {  	v28 =	vpsel p2, v28, v0;
	v22 =	vmul.f32 @p2 v22, v22;
	s0 =	sadd.s32 @p3 $0xF85F0000, s3;
	v16 =	vpsel p2, v16, v0  }
0x243: {  	v24 =	vmovc @p1 v31;
	v31 =	vor.u32 @p3 s0, v0;
	v29 =	vpsel p1, v32, v0;
	v16 =	vadd.f32 @p2 v28, v16  }
0x244: {  	v24 =	vpsel p1, v24, v0;
	v32 =	vmovc @p1 v33;
	v26 =	vpsel p1, v26, v0;
	v27 =	vsub.f32 @p1 v27, v29  }
0x245: {  	v23 =	vpsel p1, v32, v0;
	v29 =	vor.u32 @p3 s0, v6;
	v25 =	vld.idx.msk @p1 [tilespmem:v25+s22+$0x0], $0xffff;
	v16 =	vadd.f32 @p2 v22, v16  }
0x246: {  	v28 =	vpsel p1, v30, v0;
	v19 =	vld.idx.msk @p3 [tilespmem:v19+s21+$0x0], $0xffff;
	v23 =	vsub.f32 @p1 v23, v26;
	v22 =	vmul.f32 @p1 v27, v27  }
0x247: {  	v17 =	vld.idx.msk @p3 [tilespmem:v17+s21+$0x0], $0xffff;
	v26 =	vor.u32 @p3 s0, v8;
	v24 =	vsub.f32 @p1 v24, v28;
	v16 =	vpsel p2, v16, v12  }
0x248: {  	v14 =	vpsel p3, v20, v14;
	v20 =	vld.idx.msk @p3 [tilespmem:v31+s22+$0x0], $0xffff;
	v16 =	vadd.f32 @p1 v22, v16;
	v22 =	vmul.f32 @p1 v23, v23  }
0x249: {  	v48 =	vor.u32 v8, v15;
	v18 =	vld.idx.msk @p3 [tilespmem:v18+s21+$0x0], $0xffff;
	v24 =	vmul.f32 @p1 v24, v24;
	v23 =	vor.u32 @p3 s0, v10  }
0x24a: {  	v21 =	vsub.f32 @p1 v21, v25;
	v25 =	vld.idx.msk @p3 [tilespmem:v29+s22+$0x0], $0xffff;
	v16 =	vadd.f32 @p1 v22, v16;
	v22 =	vpsel p3, v23, v0  }
0x24b: {  	v50 =	vor.u32 v0, v15;
	v49 =	vor.u32 v6, v15;
	s31 =	spop (v2sf);
	v19 =	vpsel p3, v19, v0  }
0x24c: {  	s0 =	sshll.u32 s31, $0x7;
	v24 =	vpsel p1, v24, v0;
	v26 =	vld.idx.msk @p3 [tilespmem:v26+s22+$0x0], $0xffff;
	v16 =	vpsel p1, v16, v0;
	v21 =	vpsel p1, v21, v0  }
0x24d: {  	s0 =	sadd.s32 $0xF85F0000, s0;
	v20 =	vpsel p3, v20, v0;
	v16 =	vadd.f32 @p1 v24, v16;
	v21 =	vmul.f32 @p1 v21, v21  }
0x24e: {  	v17 =	vpsel p3, v17, v0;
	v51 =	vor.u32 s0, v0;
	v19 =	vsub.f32 @p3 v19, v20  }
0x24f: {  	v18 =	vpsel p3, v18, v0;
	v20 =	vpsel p3, v25, v0;
	v22 =	vld.idx.msk @p3 [tilespmem:v22+s22+$0x0], $0xffff;
	v16 =	vadd.f32 @p1 v21, v16  }
0x250: {  	v52 =	vor.u32 s0, v6;
	v19 =	vmul.f32 @p3 v19, v19;
	v17 =	vsub.f32 @p3 v17, v20  }
0x251: {  	v53 =	vor.u32 s0, v8;
	v20 =	vpsel p3, v26, v0;
	v16 =	vpsel p1, v16, v12  }
0x252: {  	v54 =	vld.idx.msk [tilespmem:v50+s21+$0x0], $0xffff;
	v18 =	vsub.f32 @p3 v18, v20;
	v16 =	vadd.f32 @p3 v19, v16;
	v17 =	vmul.f32 @p3 v17, v17  }
0x253: {  	v15 =	vor.u32 v10, v15;
	v14 =	vpsel p3, v14, v0;
	v55 =	vor.u32 s0, v10;
	v56 =	vld.idx.msk [tilespmem:v51+s22+$0x0], $0xffff  }
0x254: {  	v23 =	vld.idx.msk [tilespmem:v49+s21+$0x0], $0xffff;
	v18 =	vmul.f32 @p3 v18, v18;
	v14 =	vsub.f32 @p3 v14, v22;
	v16 =	vadd.f32 @p3 v17, v16  }
0x255: {  	v57 =	vld.idx.msk [tilespmem:v52+s22+$0x0], $0xffff  }
0x256: {  	v58 =	vld.idx.msk [tilespmem:v48+s21+$0x0], $0xffff;
	v18 =	vpsel p3, v18, v0;
	v16 =	vpsel p3, v16, v0;
	v14 =	vpsel p3, v14, v0  }
0x257: {  	v59 =	vld.idx.msk [tilespmem:v53+s22+$0x0], $0xffff;
	v16 =	vadd.f32 @p3 v18, v16;
	v14 =	vmul.f32 @p3 v14, v14  }
0x258: {  	v15 =	vld.idx.msk [tilespmem:v15+s21+$0x0], $0xffff;
	v60 =	vsub.f32 v54, v56  }
0x259: {  	v19 =	vld.idx.msk [tilespmem:v55+s22+$0x0], $0xffff;
	v14 =	vadd.f32 @p3 v14, v16  }
0x25a: {  	v17 =	vsub.f32 v23, v57;
	v61 =	vmul.f32 v60, v60  }
0x25b: {  	v12 =	vpsel p3, v14, v12  }
0x25c: {  	v62 =	vmul.f32 v17, v17;
	v14 =	vsub.f32 v58, v59;
	v12 =	vadd.f32 v61, v12;
	_ =	sdelay $0x1  }
0x25d: {  	v15 =	vsub.f32 v15, v19;
	v14 =	vmul.f32 v14, v14;
	v12 =	vadd.f32 v62, v12;
	_ =	sdelay $0x1  }
0x25e: {  	v12 =	vadd.f32 v14, v12;
	v14 =	vmul.f32 v15, v15;
	_ =	sdelay $0x1  }
0x25f: {  	v12 =	vadd.f32 v14, v12  }
.LBB2_72:
0x260: {  	s28 =	sadd.s32 $0x1, s28  }
0x261: {  	p0 =	sne.s32 s28, s25  }
.Ltmp48:
0x262: {  	_ = 	snop;
	(pc) =	sbr.rel @!p0 .LBB2_73-.Ltmp48, $1  }
0x263: {  	_ =	sdelay $0x3  }
.LBB2_56:
0x264: {  	s0 =	sshll.u32 s28, $0x4  }
0x265: {  	v14 =	vld [tilespmem:s0+$0x1000];
	_ =	sdelay $0x4  }
0x266: {  	v15 =	vor.u32 s0, v0;
	v14 =	vshrl.u32 v14, $0x7  }
0x267: {  	vm1 =	vlt.s32 v15, v11;
	vm0 =	veq.s32 v14, v13  }
0x268: {  	vm0 =	vmand vm1, vm0  }
0x269: {  	v14 =	vmpcnt.ones.xlane vm0;
	_ =	sdelay $0x1  }
0x26a: {  	(v2sf) =	vpush v14, $0x0;
	_ =	sdelay $0x7  }
0x26b: {  	v14 =	vsel vm0, $0x1, v4  }
0x26c: {  	(xrf0) =	vadd.scan.msk.s32 $0xffff, v14;
	_ =	sdelay $0x5  }
0x26d: {  	v14, _, _ =	vpop (xrf0);
	s9 =	spop (v2sf)  }
0x26e: {  	v14 =	vadd.s32 $0xFFFFFFFF, v14;
	p0 =	slt.s32 s9, $0x1  }
.Ltmp49:
0x26f: {  	_ = 	snop;
	(pc) =	sbr.rel @p0 .LBB2_72-.Ltmp49, $2  }
0x270: {  	_ =	sdelay $0x2  }
0x271: {  	[tilespmem:v14+s19+$0x0] =	vst.idx.msk vm0, v15  }
0x272: {  	v14 =	vmov s26;
	p5 =	sne.s32 s9, $0x1  }
.Ltmp50:
0x273: {  	_ = 	snop;
	(pc) =	sbr.rel @!p5 .LBB2_58-.Ltmp50, $3  }
0x274: {  	_ =	sdelay $0x1  }
0x275: {  	s0 =	simm.s32 $0x1;
	p3 =	por $0x0, $0x0;
	p1 =	por $0x0, $0x0  }
0x276: {  	p2 =	por $0x0, $0x0;
	p0 =	por $0x0, $0x0;
	p4 =	por $0x0, $0x0;
	v15 =	vld.idx.msk [tilespmem:v14+s19+$0x0], $0xffff  }
0x277: {  	_ =	sdelay $0x3  }
0x278: {  	v14 =	vmov s0;
	v16 =	vbroadcast v15, $0x0  }
0x279: {  	p5 =	sne.s32 s9, $0x2  }
.Ltmp51:
0x27a: {  	_ = 	snop;
	(pc) =	sbr.rel @!p5 .LBB2_60-.Ltmp51, $3  }
0x27b: {  	_ =	sdelay $0x1  }
0x27c: {  	v15 =	vld.idx.msk [tilespmem:v14+s19+$0x0], $0xffff;
	v19 =	vshll.u32 v16, $0x7  }
0x27d: {  	s0 =	simm.s32 $0x2;
	p3 =	por $0x1, $0x1;
	v20 =	vor.u32 v10, v19;
	v16 =	vld.idx.msk [tilespmem:v16+s16+$0x0], $0xffff  }
0x27e: {  	_ =	sdelay $0x2  }
0x27f: {  	v17 =	vmov s0;
	v18 =	vbroadcast v15, $0x0  }
0x280: {  	p5 =	sne.s32 s9, $0x3  }
.Ltmp52:
0x281: {  	_ = 	snop;
	(pc) =	sbr.rel @!p5 .LBB2_62-.Ltmp52, $4  }
0x282: {  	_ = 	snop  }
0x283: {  	v14 =	vld.idx.msk [tilespmem:v20+s21+$0x0], $0xffff  }
0x284: {  	v15 =	vld.idx.msk [tilespmem:v17+s19+$0x0], $0xffff;
	v40 =	vshll.u32 v18, $0x7  }
0x285: {  	s0 =	simm.s32 $0x3;
	p1 =	por $0x1, $0x1;
	(v2sf) =	vpush v16, $0x0;
	v20 =	vor.u32 v10, v40;
	v16 =	vld.idx.msk [tilespmem:v18+s16+$0x0], $0xffff  }
0x286: {  	_ =	sdelay $0x8  }
0x287: {  	v17 =	vmov s0;
	v18 =	vbroadcast v15, $0x0  }
0x288: {  	p5 =	sne.s32 s9, $0x4  }
.Ltmp53:
0x289: {  	_ = 	snop;
	(pc) =	sbr.rel @!p5 .LBB2_64-.Ltmp53, $4  }
0x28a: {  	_ = 	snop  }
0x28b: {  	v23 =	vld.idx.msk [tilespmem:v20+s21+$0x0], $0xffff  }
0x28c: {  	(v2sf) =	vpush v16, $0x0;
	v22 =	vshll.u32 v18, $0x7;
	v15 =	vld.idx.msk [tilespmem:v17+s19+$0x0], $0xffff;
	v17 =	vor.u32 v6, v19;
	s3 =	spop (v2sf)  }
0x28d: {  	s0 =	simm.s32 $0x4;
	p2 =	por $0x1, $0x1;
	v20 =	vor.u32 v10, v22;
	v16 =	vld.idx.msk [tilespmem:v18+s16+$0x0], $0xffff;
	v18 =	vor.u32 v8, v19;
	v19 =	vor.u32 v0, v19;
	s3 =	sshll.u32 s3, $0x7  }
0x28e: {  	_ =	sdelay $0x4  }
0x28f: {  	v21 =	vmov s0;
	s30 =	sadd.s32 $0xF85F0000, s3  }
0x290: {  	v32 =	vld.idx.msk [tilespmem:v20+s21+$0x0], $0xffff;
	v20 =	vor.u32 s30, v0  }
0x291: {  	v28 =	vld.idx.msk [tilespmem:v18+s21+$0x0], $0xffff;
	v30 =	vor.u32 s30, v6  }
0x292: {  	v27 =	vld.idx.msk [tilespmem:v17+s21+$0x0], $0xffff;
	v35 =	vor.u32 s30, v8;
	v24 =	vbroadcast v15, $0x0  }
0x293: {  	v25 =	vld.idx.msk [tilespmem:v19+s21+$0x0], $0xffff;
	p5 =	sne.s32 s9, $0x5  }
.Ltmp54:
0x294: {  	v15 =	vld.idx.msk [tilespmem:v21+s19+$0x0], $0xffff;
	(pc) =	sbr.rel @!p5 .LBB2_66-.Ltmp54, $4  }
0x295: {  	v29 =	vld.idx.msk [tilespmem:v20+s22+$0x0], $0xffff  }
0x296: {  	v31 =	vor.u32 v8, v40;
	v34 =	vld.idx.msk [tilespmem:v30+s22+$0x0], $0xffff  }
0x297: {  	v33 =	vor.u32 v6, v40;
	v36 =	vor.u32 v0, v40;
	v52 =	vshll.u32 v24, $0x7;
	v37 =	vld.idx.msk [tilespmem:v35+s22+$0x0], $0xffff;
	s31 =	spop (v2sf)  }
0x298: {  	s5 =	simm.s32 $0x5;
	p0 =	por $0x1, $0x1;
	v26 =	vor.u32 s30, v10;
	(v2sf) =	vpush v16, $0x0;
	v20 =	vor.u32 v10, v52;
	v16 =	vld.idx.msk [tilespmem:v24+s16+$0x0], $0xffff;
	s0 =	sshll.u32 s31, $0x7  }
0x299: {  	_ =	sdelay $0x5  }
0x29a: {  	v24 =	vmov s5;
	s30 =	sadd.s32 $0xF85F0000, s0;
	v40 =	vld.idx.msk [tilespmem:v26+s22+$0x0], $0xffff  }
0x29b: {  	v38 =	vbroadcast v15, $0x0;
	v21 =	vld.idx.msk [tilespmem:v20+s21+$0x0], $0xffff;
	v20 =	vor.u32 s30, v0  }
0x29c: {  	v41 =	vld.idx.msk [tilespmem:v31+s21+$0x0], $0xffff;
	v15 =	vsub.f32 v25, v29  }
0x29d: {  	v43 =	vld.idx.msk [tilespmem:v33+s21+$0x0], $0xffff;
	v42 =	vor.u32 s30, v6;
	v44 =	vsub.f32 v27, v34;
	(v2sf) =	vpush v16, $0x0  }
0x29e: {  	v30 =	vld.idx.msk [tilespmem:v36+s21+$0x0], $0xffff;
	p5 =	sne.s32 s9, $0x6;
	v47 =	vor.u32 s30, v8;
	v35 =	vor.u32 s30, v10  }
.Ltmp55:
0x29f: {  	v16 =	vmul.f32 v15, v15;
	v49 =	vmul.f32 v44, v44;
	v15 =	vld.idx.msk [tilespmem:v24+s19+$0x0], $0xffff;
	v24 =	vshll.u32 v38, $0x7;
	(pc) =	sbr.rel @!p5 .LBB2_68-.Ltmp55, $4  }
0x2a0: {  	v45 =	vsub.f32 v28, v37;
	v39 =	vld.idx.msk [tilespmem:v20+s22+$0x0], $0xffff;
	v20 =	vor.u32 v10, v24  }
0x2a1: {  	v46 =	vadd.f32 v16, v12;
	v16 =	vld.idx.msk [tilespmem:v38+s16+$0x0], $0xffff;
	v38 =	vor.u32 v8, v22  }
0x2a2: {  	v50 =	vor.u32 v0, v22;
	v44 =	vmul.f32 v45, v45;
	v48 =	vld.idx.msk [tilespmem:v42+s22+$0x0], $0xffff;
	v42 =	vor.u32 v6, v22;
	s31 =	spop (v2sf)  }
0x2a3: {  	s10 =	simm.s32 $0x6;
	p4 =	por $0x1, $0x1;
	v45 =	vsub.f32 v14, v40;
	v51 =	vld.idx.msk [tilespmem:v47+s22+$0x0], $0xffff;
	v47 =	vmovc v32;
	v46 =	vadd.f32 v49, v46;
	v49 =	vmov v23;
	s5 =	sshll.u32 s31, $0x7  }
.LBB2_69:
0x2a4: {  	v40 =	vmov s10;
	s10 =	sadd.s32 $0x1, s10;
	s5 =	sadd.s32 $0xF85F0000, s5;
	v53 =	vld.idx.msk [tilespmem:v35+s22+$0x0], $0xffff;
	v54 =	vmov v24  }
0x2a5: {  	v55 =	vbroadcast v15, $0x0;
	p5 =	sne.s32 s9, s10;
	v56 =	vld.idx.msk [tilespmem:v20+s21+$0x0], $0xffff;
	v57 =	vor.u32 s5, v0  }
0x2a6: {  	v24 =	vmul.f32 v45, v45;
	v15 =	vsub.f32 v30, v39;
	v20 =	vadd.f32 v44, v46;
	v58 =	vld.idx.msk [tilespmem:v38+s21+$0x0], $0xffff  }
0x2a7: {  	v46 =	vor.u32 s5, v6;
	v60 =	vor.u32 s5, v8;
	(v2sf) =	vpush v16, $0x0;
	v59 =	vld.idx.msk [tilespmem:v42+s21+$0x0], $0xffff  }
0x2a8: {  	v16 =	vmul.f32 v15, v15;
	v38 =	vsub.f32 v43, v48;
	v42 =	vadd.f32 v24, v20;
	v30 =	vld.idx.msk [tilespmem:v50+s21+$0x0], $0xffff  }
.Ltmp56:
0x2a9: {  	v35 =	vor.u32 s5, v10;
	v24 =	vshll.u32 v55, $0x7;
	v15 =	vld.idx.msk [tilespmem:v40+s19+$0x0], $0xffff;
	v40 =	vsub.f32 v41, v51;
	(pc) =	sbr.rel @p5 .LBB2_69-.Ltmp56, $4  }
0x2aa: {  	v20 =	vor.u32 v10, v24;
	v61 =	vmul.f32 v38, v38;
	v39 =	vld.idx.msk [tilespmem:v57+s22+$0x0], $0xffff;
	v57 =	vadd.f32 v16, v42  }
0x2ab: {  	v38 =	vor.u32 v8, v52;
	v45 =	vsub.f32 v49, v53;
	v16 =	vld.idx.msk [tilespmem:v55+s16+$0x0], $0xffff;
	v44 =	vmul.f32 v40, v40  }
0x2ac: {  	v49 =	vmovc v47;
	v47 =	vmov v21;
	v42 =	vor.u32 v6, v52;
	s5 =	spop (v2sf);
	v48 =	vld.idx.msk [tilespmem:v46+s22+$0x0], $0xffff;
	v46 =	vadd.f32 v61, v57  }
0x2ad: {  	v50 =	vor.u32 v0, v52;
	v21 =	vmovc v56;
	v52 =	vmovc v54;
	v41 =	vmov v58;
	v43 =	vmov v59;
	s5 =	sshll.u32 s5, $0x7;
	v51 =	vld.idx.msk [tilespmem:v60+s22+$0x0], $0xffff  }
.Ltmp57:
0x2ae: {  	(pc) =	sbr.rel .LBB2_71-.Ltmp57, $2  }
0x2af: {  	_ =	sdelay $0x2  }
0x2b0: {  	v40 =	vmov v52  }
.LBB2_60:
.Ltmp58:
0x2b1: {  	(pc) =	sbr.rel .LBB2_71-.Ltmp58, $2  }
0x2b2: {  	_ =	sdelay $0x2  }
0x2b3: {  	v24 =	vmov v19  }
.LBB2_62:
.Ltmp59:
0x2b4: {  	(pc) =	sbr.rel .LBB2_71-.Ltmp59, $2  }
0x2b5: {  	_ =	sdelay $0x2  }
0x2b6: {  	v24 =	vmov v40;
	v40 =	vmov v19;
	v21 =	vmov v14  }
.LBB2_64:
.Ltmp60:
0x2b7: {  	(pc) =	sbr.rel .LBB2_71-.Ltmp60, $3  }
0x2b8: {  	_ =	sdelay $0x1  }
0x2b9: {  	v24 =	vmov v22  }
0x2ba: {  	s5 =	smov.u32 s3;
	v38 =	vmovc v18;
	v42 =	vmovc v17;
	v50 =	vmov v19;
	v47 =	vmov v14;
	v21 =	vmov v23  }
.LBB2_66:
.Ltmp61:
0x2bb: {  	(pc) =	sbr.rel .LBB2_71-.Ltmp61, $4  }
0x2bc: {  	_ = 	snop  }
0x2bd: {  	v35 =	vmovc v26;
	v24 =	vmovc v52;
	v38 =	vmov v31;
	v30 =	vmov v25;
	v42 =	vmov v33  }
0x2be: {  	v50 =	vmovc v36;
	v43 =	vmovc v27;
	v41 =	vmov v28;
	v40 =	vmov v22;
	v49 =	vmov v14  }
0x2bf: {  	s5 =	smov.u32 s0;
	v47 =	vmovc v23;
	v21 =	vmovc v32;
	v39 =	vmov v29;
	v48 =	vmov v34;
	v51 =	vmov v37  }
.LBB2_68:
.Ltmp62:
0x2c0: {  	(pc) =	sbr.rel .LBB2_71-.Ltmp62, $2  }
0x2c1: {  	_ =	sdelay $0x2  }
0x2c2: {  	v40 =	vmov v52;
	v49 =	vmov v23;
	v47 =	vmov v32  }
.LBB2_7:
.Ltmp63:
0x2c3: {  	(pc) =	sbr.rel .LBB2_11-.Ltmp63, $2  }
0x2c4: {  	_ =	sdelay $0x2  }
0x2c5: {  	s9 =	simm.s32 $0x1700  }
.LBB2_9:
.Ltmp64:
0x2c6: {  	(pc) =	sbr.rel .LBB2_11-.Ltmp64, $2  }
0x2c7: {  	_ =	sdelay $0x2  }
0x2c8: {  	s9 =	simm.s32 $0x1700  }
.LBB2_74:
0x2c9: {  	_ =	sfence.sel $0x180000  }
0x2ca: {  	[bflag:$0x0] =	sbarrier.arrive $0xFFFF  }
0x2cb: {  	_ =	strace $0x90000047  }
0x2cc: {  	s0 =	stileid.u32;
	[bflag:$0x2] =	sbarrier.arrive $0xFFFF  }
0x2cd: {  	p0 =	sne.s32 s0, $0x0;
	s0 =	rddreg [dreg:$0x4]  }
0x2ce: {  	s0 =	sadd.s32 @!p0 $0x100000, s0  }
0x2cf: {  	[sflag:s0] =	ssyncadd.tile.s32 @!p0 $0x1;
	_ =	shalt  }
.Lfunc_end2:
_tile_overlayer_lowered:
.L_overlay_start_2:
0x2d0: {  	(tag) =	ssettag $0x2  }
0x2d1: {  	s0 =	rddreg [dreg:$0x0];
	s2 =	stileid.u32  }
0x2d2: {  	s1 =	rddreg [dreg:$0x1];
	p0 =	sne.s32 s2, $0x0  }
0x2d3: {  	s3 =	rddreg [dreg:$0x2];
	[bflag:$0x3] =	sbarrier.arrive $0xFFFF;
	s2 =	simm.s32 @!p0 $0x1C04  }
0x2d4: {  	[timem:s3], [sflag:s2] =	dma.local @!p0 [hbm:s0], s1  }
0x2d5: {  	s0 =	simm.s32 @!p0 $0x4  }
0x2d6: {  	_ =	swait.ge @!p0 [sflag:s0], s1  }
0x2d7: {  	s1 =	ssub.s32 @!p0 $0x0, s1;
	[sflag:s0] =	ssyncset.done @!p0 $0x0  }
0x2d8: {  	[sflag:s0] =	ssyncadd.s32 @!p0 s1  }
0x2d9: {  	[bflag:$0x3] =	sbarrier.arrive $0xFFFF  }
0x2da: {  	_ =	shalt  }

</sc_bundles>
